<compile_context>
chip_gen: v7x
topology: tpu7x:2x2x1
jax: 0.10.2.dev20260603
libtpu: 0.0.44.dev20260713+nightly
codegen_flags: <defaults>
</compile_context>

<pallas_src>
import functools

import jax
import jax.numpy as jnp
from jax import lax
from jax.experimental import pallas as pl
from jax.experimental.pallas import tpu as pltpu
from jax.experimental.pallas import tpu_sc as plsc

N = 100000
M = 64
NMOL = 1000
NMOL_PAD = 1008
NUM_PAD = 100008
CHUNK = 48
CW = CHUNK * M
FULL_CHUNKS = N // CHUNK
TAIL_ATOMS = N - FULL_CHUNKS * CHUNK
NW = 32

_mesh = plsc.VectorSubcoreMesh(core_axis_name="c", subcore_axis_name="s")


def _srrep_body(num_hbm, pf_hbm, nb_hbm, d_hbm, mol_hbm, out_hbm,
                num_v, pf_v, A_v, Z_v, nb_v, d_v, mol_v, macc_v,
                sem0, sem1):
    c = lax.axis_index("c")
    s = lax.axis_index("s")
    wid = s * 2 + c
    iota = lax.iota(jnp.int32, 16)

    pltpu.sync_copy(num_hbm, num_v)
    pltpu.sync_copy(pf_hbm, pf_v)
    for k in range(6):
        base = iota + 16 * k
        a = plsc.load_gather(pf_v, [base * 2])
        z = plsc.load_gather(pf_v, [base * 2 + 1])
        plsc.store_scatter(A_v, [base], a)
        plsc.store_scatter(Z_v, [base], z)
    zeros16 = jnp.zeros((16,), jnp.float32)
    zeros16i = jnp.zeros((16,), jnp.int32)

    def zero_body(r, carry):
        row = zeros16i + r
        for v in range(NMOL_PAD // 16):
            plsc.store_scatter(macc_v, [row, v * 16 + iota], zeros16)
        return carry

    lax.fori_loop(0, 16, zero_body, jnp.int32(0))

    def block(g0, loff, b):
        gi = g0 + b * 16 + iota
        s_i = plsc.load_gather(num_v, [gi])
        a_i = plsc.load_gather(A_v, [s_i])
        z_i = plsc.load_gather(Z_v, [s_i])
        na_i = -a_i
        mol = plsc.load_gather(mol_v, [loff // M + b * 16 + iota])
        iv0 = loff + b * 16 * M + iota * M

        def m_body(m, acc):
            iv = iv0 + m
            nb = plsc.load_gather(nb_v, [iv])
            dd = plsc.load_gather(d_v, [iv])
            sj = plsc.load_gather(num_v, [nb])
            aj = plsc.load_gather(A_v, [sj])
            zj = plsc.load_gather(Z_v, [sj])
            ih = jnp.int32(0x5F3759DF) - (plsc.bitcast(dd, jnp.int32) >> 1)
            r = plsc.bitcast(ih, jnp.float32)
            hd = 0.5 * dd
            r = r * (1.5 - hd * r * r)
            r = r * (1.5 - hd * r * r)
            t = (na_i * aj) * (dd * dd * r)
            e = jnp.exp(t) * (zj * (r * r))
            return acc + e

        acc = lax.fori_loop(0, M, m_body, jnp.zeros((16,), jnp.float32))
        plsc.addupdate_scatter(macc_v, [iota, mol], acc * z_i)

    start = jnp.minimum(66 * wid, 65 * wid + 3)
    end = jnp.minimum(66 * (wid + 1), 65 * (wid + 1) + 3)

    def issue(ci, par):
        sem = sem0 if par == 0 else sem1
        voff = par * CW
        a0 = ci * CHUNK
        pltpu.async_copy(nb_hbm.at[pl.ds(a0 * M, CW)],
                         nb_v.at[pl.ds(voff, CW)], sem)
        pltpu.async_copy(d_hbm.at[pl.ds(a0 * M, CW)],
                         d_v.at[pl.ds(voff, CW)], sem)
        pltpu.async_copy(mol_hbm.at[pl.ds(a0, CHUNK)],
                         mol_v.at[pl.ds(par * CHUNK, CHUNK)], sem)

    def drain(par):
        sem = sem0 if par == 0 else sem1
        voff = par * CW
        pltpu.make_async_copy(nb_hbm.at[pl.ds(0, CW)],
                              nb_v.at[pl.ds(voff, CW)], sem).wait()
        pltpu.make_async_copy(d_hbm.at[pl.ds(0, CW)],
                              d_v.at[pl.ds(voff, CW)], sem).wait()
        pltpu.make_async_copy(mol_hbm.at[pl.ds(0, CHUNK)],
                              mol_v.at[pl.ds(par * CHUNK, CHUNK)], sem).wait()

    issue(start, 0)
    issue(start + 1, 1)

    def chunk_body(ci, carry):
        p = (ci - start) & 1
        g0 = ci * CHUNK
        loff = p * CW

        @pl.when(p == 0)
        def _w0():
            drain(0)

        @pl.when(p == 1)
        def _w1():
            drain(1)

        for b in range(CHUNK // 16):
            block(g0, loff, b)

        nxt = ci + 2

        @pl.when((p == 0) & (nxt < end))
        def _i0():
            issue(nxt, 0)

        @pl.when((p == 1) & (nxt < end))
        def _i1():
            issue(nxt, 1)

        return carry

    lax.fori_loop(start, end, chunk_body, jnp.int32(0))

    @pl.when(wid == NW - 1)
    def _tail():
        a0 = FULL_CHUNKS * CHUNK
        pltpu.sync_copy(nb_hbm.at[pl.ds(a0 * M, TAIL_ATOMS * M)],
                        nb_v.at[pl.ds(0, TAIL_ATOMS * M)])
        pltpu.sync_copy(d_hbm.at[pl.ds(a0 * M, TAIL_ATOMS * M)],
                        d_v.at[pl.ds(0, TAIL_ATOMS * M)])
        pltpu.sync_copy(mol_hbm.at[pl.ds(a0, TAIL_ATOMS)],
                        mol_v.at[pl.ds(0, TAIL_ATOMS)])
        block(jnp.int32(a0), jnp.int32(0), 0)

    def fold_body(i, carry):
        row = zeros16i + i
        for v in range(NMOL_PAD // 16):
            iv = v * 16 + iota
            t = plsc.load_gather(macc_v, [row, iv])
            t0 = plsc.load_gather(macc_v, [zeros16i, iv])
            plsc.store_scatter(macc_v, [zeros16i, iv], t0 + t)
        return carry

    lax.fori_loop(1, 16, fold_body, jnp.int32(0))
    pltpu.sync_copy(macc_v.at[0], out_hbm.at[wid])


_srrep = functools.partial(
    pl.kernel,
    out_type=jax.ShapeDtypeStruct((NW, NMOL_PAD), jnp.float32),
    mesh=_mesh,
    compiler_params=pltpu.CompilerParams(needs_layout_passes=False),
    scratch_types=[
        pltpu.VMEM((NUM_PAD,), jnp.int32),
        pltpu.VMEM((192,), jnp.float32),
        pltpu.VMEM((96,), jnp.float32),
        pltpu.VMEM((96,), jnp.float32),
        pltpu.VMEM((2 * CW,), jnp.int32),
        pltpu.VMEM((2 * CW,), jnp.float32),
        pltpu.VMEM((2 * CHUNK,), jnp.int32),
        pltpu.VMEM((16, NMOL_PAD), jnp.float32),
        pltpu.SemaphoreType.DMA,
        pltpu.SemaphoreType.DMA,
    ],
)(_srrep_body)


def _combine_body(x_ref, o_ref):
    o_ref[...] = jnp.sum(x_ref[...], axis=0, keepdims=True)


_combine = pl.pallas_call(
    _combine_body,
    out_shape=jax.ShapeDtypeStruct((1, NMOL_PAD), jnp.float32),
)


def kernel(numbers, nbmat, d_ij, mol_idx, params):
    numbers = numbers.astype(jnp.int32)
    num_pad = jnp.concatenate(
        [numbers, jnp.zeros((NUM_PAD - (N + 1),), jnp.int32)])
    pf = jnp.concatenate(
        [params.reshape(-1).astype(jnp.float32),
         jnp.zeros((192 - 2 * 87,), jnp.float32)])
    nb_flat = nbmat.astype(jnp.int32).reshape(-1)
    d_flat = d_ij.astype(jnp.float32).reshape(-1)
    mol = mol_idx.astype(jnp.int32)
    out2 = _srrep(num_pad, pf, nb_flat, d_flat, mol)
    return _combine(out2)[0, :NMOL]

# --- scband reference (transcript-rebuilt; emitter-appended) ---
"""Pipeline reference for scband-srrep-3324304687729 (READ-ONLY COPY).

The authoritative reference and input builder live on the scoring server;
editing this copy changes nothing except your own understanding.
"""

import jax, jax.numpy as jnp
import numpy as np

N = 100000   # real atoms
M = 64       # neighbors per atom (padded with ghost index N)
NMOL = 1000  # molecules
NSPECIES = 87


def setup_inputs(seed: int = 0) -> dict:
    key = jax.random.key(seed)
    k1, k2, k3, k4, k5 = jax.random.split(key, 5)
    # atomic numbers for N real atoms + 1 ghost/pad atom (index N)
    numbers = jax.random.randint(k1, (N + 1,), 0, NSPECIES)
    numbers = numbers.at[N].set(0)  # ghost atom -> padding species 0
    # dense neighbor matrix; value N denotes a padded (masked) neighbor slot
    nbmat = jax.random.randint(k2, (N, M), 0, N + 1)
    # pairwise distances, kept away from 0 to avoid 1/d blowup
    d_ij = jax.random.uniform(k3, (N, M), minval=0.5, maxval=5.0, dtype=jnp.float32)
    # atom -> molecule assignment (sorted, like batched molecular data)
    mol_idx = jnp.sort(jax.random.randint(k4, (N,), 0, NMOL))
    # GFN1 repulsion parameters [87, 2] = stack([rep_a, rep_b], -1);
    # frozen buffer-like weights (requires_grad=False in torch). Row 0 is padding.
    params = jax.random.uniform(k5, (NSPECIES, 2), minval=0.5, maxval=2.0, dtype=jnp.float32)
    params = params.at[0].set(0.0)
    return {"numbers": numbers, "nbmat": nbmat, "d_ij": d_ij,
            "mol_idx": mol_idx, "params": params}


def reference(numbers, nbmat, d_ij, mol_idx, params):
    # p = self.params(data['numbers'])  -> per-atom (alpha, zeff) params
    p = jnp.take(params, numbers, axis=0)          # [N+1, 2]
    # nbops.get_ij: central atom params vs gathered neighbor params
    p_i = p[:N][:, None, :]                        # [N, 1, 2]
    p_j = jnp.take(p, nbmat, axis=0)               # [N, M, 2]
    p_ij = p_i * p_j                               # [N, M, 2]
    alpha_ij = p_ij[..., 0]
    zeff_ij = p_ij[..., 1]
    # GFN1 repulsion energy per pair
    e = jnp.exp(-alpha_ij * d_ij ** 1.5) * zeff_ij / d_ij   # [N, M]
    # nbops.mask_ij_: zero out padded neighbor slots (cutoff_fn == 'none')
    e = jnp.where(nbmat == N, 0.0, e)
    # sum over neighbors
    e = e.sum(-1)                                  # [N]
    # nbops.mol_sum: per-molecule reduction (reduce_sum=True)
    e_mol = jax.ops.segment_sum(e, mol_idx, num_segments=NMOL)  # [NMOL]
    # data['e_rep'] = e_mol
    return e_mol

if __name__ == "__main__":
    import jax
    _d = setup_inputs()
    print(jax.jit(kernel)(*tuple(_d.values())))

</pallas_src>

<mosaic_0001>
#map = affine_map<(d0, d1) -> (0)>
#map1 = affine_map<(d0, d1) -> (0, 0)>
module attributes {stable_mosaic.version = 14 : i64} {
  func.func @_srrep_body(%arg0: i32, %arg1: i32, %arg2: memref<100008xi32, #tpu.memory_space<hbm>>, %arg3: memref<192xf32, #tpu.memory_space<hbm>>, %arg4: memref<6400000xi32, #tpu.memory_space<hbm>>, %arg5: memref<6400000xf32, #tpu.memory_space<hbm>>, %arg6: memref<100000xi32, #tpu.memory_space<hbm>>, %arg7: memref<32x1008xf32, #tpu.memory_space<hbm>>, %arg8: memref<100008xi32, #tpu.memory_space<vmem>>, %arg9: memref<192xf32, #tpu.memory_space<vmem>>, %arg10: memref<96xf32, #tpu.memory_space<vmem>>, %arg11: memref<96xf32, #tpu.memory_space<vmem>>, %arg12: memref<6144xi32, #tpu.memory_space<vmem>>, %arg13: memref<6144xf32, #tpu.memory_space<vmem>>, %arg14: memref<96xi32, #tpu.memory_space<vmem>>, %arg15: memref<16x1008xf32, #tpu.memory_space<vmem>>, %arg16: memref<!tpu.dma_semaphore, #tpu.memory_space<semaphore_mem>>, %arg17: memref<!tpu.dma_semaphore, #tpu.memory_space<semaphore_mem>>) attributes {dimension_semantics = [#tpu.dimension_semantics<core_parallel>, #tpu.dimension_semantics<subcore_parallel>], iteration_bounds = array<i64: 2, 16>, scalar_prefetch = 0 : i64, scratch_operands = 10 : i64, tpu.core_type = #tpu.core_type<sc_vector_subcore>, window_params = [{transform_indices = #map}, {transform_indices = #map}, {transform_indices = #map}, {transform_indices = #map}, {transform_indices = #map}, {transform_indices = #map1}]} {
    %mul3A = arith.constant 2 : i32
    %mul3A_0 = arith.muli %arg1, %mul3A : i32
    %add3A = arith.addi %mul3A_0, %arg0 : i32
    %iota3A = tpu.iota {dimensions = array<i32: 0>} : vector<16xi32>
    "tpu.region"() ({
      %run_scoped3A_174 = tpu.sem_alloc : memref<!tpu.dma_semaphore, #tpu.memory_space<semaphore_mem>>
      tpu.enqueue_dma source(%arg2 : memref<100008xi32, #tpu.memory_space<hbm>>) target(%arg8 : memref<100008xi32, #tpu.memory_space<vmem>>) target_semaphore(%run_scoped3A_174 : memref<!tpu.dma_semaphore, #tpu.memory_space<semaphore_mem>>)
      tpu.wait_dma2 semaphore(%run_scoped3A_174 : memref<!tpu.dma_semaphore, #tpu.memory_space<semaphore_mem>>) src(%arg2 : memref<100008xi32, #tpu.memory_space<hbm>>) dst(%arg8 : memref<100008xi32, #tpu.memory_space<vmem>>)
      tpu.yield
    }) : () -> ()
    "tpu.region"() ({
      %run_scoped3A_174 = tpu.sem_alloc : memref<!tpu.dma_semaphore, #tpu.memory_space<semaphore_mem>>
      tpu.enqueue_dma source(%arg3 : memref<192xf32, #tpu.memory_space<hbm>>) target(%arg9 : memref<192xf32, #tpu.memory_space<vmem>>) target_semaphore(%run_scoped3A_174 : memref<!tpu.dma_semaphore, #tpu.memory_space<semaphore_mem>>)
      tpu.wait_dma2 semaphore(%run_scoped3A_174 : memref<!tpu.dma_semaphore, #tpu.memory_space<semaphore_mem>>) src(%arg3 : memref<192xf32, #tpu.memory_space<hbm>>) dst(%arg9 : memref<192xf32, #tpu.memory_space<vmem>>)
      tpu.yield
    }) : () -> ()
    %add3A_1 = arith.constant 0 : i32
    %add3A_2 = vector.broadcast %add3A_1 : i32 to vector<16xi32>
    %add3A_3 = arith.addi %iota3A, %add3A_2 : vector<16xi32>
    %mul3A_4 = arith.constant 2 : i32
    %mul3A_5 = vector.broadcast %mul3A_4 : i32 to vector<16xi32>
    %mul3A_6 = arith.muli %add3A_3, %mul3A_5 : vector<16xi32>
    %gather3A = tpu.vector_load_idx %arg9[%mul3A_6] : memref<192xf32, #tpu.memory_space<vmem>>[vector<16xi32>], vector<16xf32>,
    %mul3A_7 = arith.constant 2 : i32
    %mul3A_8 = vector.broadcast %mul3A_7 : i32 to vector<16xi32>
    %mul3A_9 = arith.muli %add3A_3, %mul3A_8 : vector<16xi32>
    %add3A_10 = arith.constant 1 : i32
    %add3A_11 = vector.broadcast %add3A_10 : i32 to vector<16xi32>
    %add3A_12 = arith.addi %mul3A_9, %add3A_11 : vector<16xi32>
    %gather3A_13 = tpu.vector_load_idx %arg9[%add3A_12] : memref<192xf32, #tpu.memory_space<vmem>>[vector<16xi32>], vector<16xf32>,
    tpu.vector_store_idx %arg10[%add3A_3], %gather3A : memref<96xf32, #tpu.memory_space<vmem>>[vector<16xi32>], vector<16xf32>,
    tpu.vector_store_idx %arg11[%add3A_3], %gather3A_13 : memref<96xf32, #tpu.memory_space<vmem>>[vector<16xi32>], vector<16xf32>,
    %add3A_14 = arith.constant 16 : i32
    %add3A_15 = vector.broadcast %add3A_14 : i32 to vector<16xi32>
    %add3A_16 = arith.addi %iota3A, %add3A_15 : vector<16xi32>
    %mul3A_17 = arith.constant 2 : i32
    %mul3A_18 = vector.broadcast %mul3A_17 : i32 to vector<16xi32>
    %mul3A_19 = arith.muli %add3A_16, %mul3A_18 : vector<16xi32>
    %gather3A_20 = tpu.vector_load_idx %arg9[%mul3A_19] : memref<192xf32, #tpu.memory_space<vmem>>[vector<16xi32>], vector<16xf32>,
    %mul3A_21 = arith.constant 2 : i32
    %mul3A_22 = vector.broadcast %mul3A_21 : i32 to vector<16xi32>
    %mul3A_23 = arith.muli %add3A_16, %mul3A_22 : vector<16xi32>
    %add3A_24 = arith.constant 1 : i32
    %add3A_25 = vector.broadcast %add3A_24 : i32 to vector<16xi32>
    %add3A_26 = arith.addi %mul3A_23, %add3A_25 : vector<16xi32>
    %gather3A_27 = tpu.vector_load_idx %arg9[%add3A_26] : memref<192xf32, #tpu.memory_space<vmem>>[vector<16xi32>], vector<16xf32>,
    tpu.vector_store_idx %arg10[%add3A_16], %gather3A_20 : memref<96xf32, #tpu.memory_space<vmem>>[vector<16xi32>], vector<16xf32>,
    tpu.vector_store_idx %arg11[%add3A_16], %gather3A_27 : memref<96xf32, #tpu.memory_space<vmem>>[vector<16xi32>], vector<16xf32>,
    %add3A_28 = arith.constant 32 : i32
    %add3A_29 = vector.broadcast %add3A_28 : i32 to vector<16xi32>
    %add3A_30 = arith.addi %iota3A, %add3A_29 : vector<16xi32>
    %mul3A_31 = arith.constant 2 : i32
    %mul3A_32 = vector.broadcast %mul3A_31 : i32 to vector<16xi32>
    %mul3A_33 = arith.muli %add3A_30, %mul3A_32 : vector<16xi32>
    %gather3A_34 = tpu.vector_load_idx %arg9[%mul3A_33] : memref<192xf32, #tpu.memory_space<vmem>>[vector<16xi32>], vector<16xf32>,
    %mul3A_35 = arith.constant 2 : i32
    %mul3A_36 = vector.broadcast %mul3A_35 : i32 to vector<16xi32>
    %mul3A_37 = arith.muli %add3A_30, %mul3A_36 : vector<16xi32>
    %add3A_38 = arith.constant 1 : i32
    %add3A_39 = vector.broadcast %add3A_38 : i32 to vector<16xi32>
    %add3A_40 = arith.addi %mul3A_37, %add3A_39 : vector<16xi32>
    %gather3A_41 = tpu.vector_load_idx %arg9[%add3A_40] : memref<192xf32, #tpu.memory_space<vmem>>[vector<16xi32>], vector<16xf32>,
    tpu.vector_store_idx %arg10[%add3A_30], %gather3A_34 : memref<96xf32, #tpu.memory_space<vmem>>[vector<16xi32>], vector<16xf32>,
    tpu.vector_store_idx %arg11[%add3A_30], %gather3A_41 : memref<96xf32, #tpu.memory_space<vmem>>[vector<16xi32>], vector<16xf32>,
    %add3A_42 = arith.constant 48 : i32
    %add3A_43 = vector.broadcast %add3A_42 : i32 to vector<16xi32>
    %add3A_44 = arith.addi %iota3A, %add3A_43 : vector<16xi32>
    %mul3A_45 = arith.constant 2 : i32
    %mul3A_46 = vector.broadcast %mul3A_45 : i32 to vector<16xi32>
    %mul3A_47 = arith.muli %add3A_44, %mul3A_46 : vector<16xi32>
    %gather3A_48 = tpu.vector_load_idx %arg9[%mul3A_47] : memref<192xf32, #tpu.memory_space<vmem>>[vector<16xi32>], vector<16xf32>,
    %mul3A_49 = arith.constant 2 : i32
    %mul3A_50 = vector.broadcast %mul3A_49 : i32 to vector<16xi32>
    %mul3A_51 = arith.muli %add3A_44, %mul3A_50 : vector<16xi32>
    %add3A_52 = arith.constant 1 : i32
    %add3A_53 = vector.broadcast %add3A_52 : i32 to vector<16xi32>
    %add3A_54 = arith.addi %mul3A_51, %add3A_53 : vector<16xi32>
    %gather3A_55 = tpu.vector_load_idx %arg9[%add3A_54] : memref<192xf32, #tpu.memory_space<vmem>>[vector<16xi32>], vector<16xf32>,
    tpu.vector_store_idx %arg10[%add3A_44], %gather3A_48 : memref<96xf32, #tpu.memory_space<vmem>>[vector<16xi32>], vector<16xf32>,
    tpu.vector_store_idx %arg11[%add3A_44], %gather3A_55 : memref<96xf32, #tpu.memory_space<vmem>>[vector<16xi32>], vector<16xf32>,
    %add3A_56 = arith.constant 64 : i32
    %add3A_57 = vector.broadcast %add3A_56 : i32 to vector<16xi32>
    %add3A_58 = arith.addi %iota3A, %add3A_57 : vector<16xi32>
    %mul3A_59 = arith.constant 2 : i32
    %mul3A_60 = vector.broadcast %mul3A_59 : i32 to vector<16xi32>
    %mul3A_61 = arith.muli %add3A_58, %mul3A_60 : vector<16xi32>
    %gather3A_62 = tpu.vector_load_idx %arg9[%mul3A_61] : memref<192xf32, #tpu.memory_space<vmem>>[vector<16xi32>], vector<16xf32>,
    %mul3A_63 = arith.constant 2 : i32
    %mul3A_64 = vector.broadcast %mul3A_63 : i32 to vector<16xi32>
    %mul3A_65 = arith.muli %add3A_58, %mul3A_64 : vector<16xi32>
    %add3A_66 = arith.constant 1 : i32
    %add3A_67 = vector.broadcast %add3A_66 : i32 to vector<16xi32>
    %add3A_68 = arith.addi %mul3A_65, %add3A_67 : vector<16xi32>
    %gather3A_69 = tpu.vector_load_idx %arg9[%add3A_68] : memref<192xf32, #tpu.memory_space<vmem>>[vector<16xi32>], vector<16xf32>,
    tpu.vector_store_idx %arg10[%add3A_58], %gather3A_62 : memref<96xf32, #tpu.memory_space<vmem>>[vector<16xi32>], vector<16xf32>,
    tpu.vector_store_idx %arg11[%add3A_58], %gather3A_69 : memref<96xf32, #tpu.memory_space<vmem>>[vector<16xi32>], vector<16xf32>,
    %add3A_70 = arith.constant 80 : i32
    %add3A_71 = vector.broadcast %add3A_70 : i32 to vector<16xi32>
    %add3A_72 = arith.addi %iota3A, %add3A_71 : vector<16xi32>
    %mul3A_73 = arith.constant 2 : i32
    %mul3A_74 = vector.broadcast %mul3A_73 : i32 to vector<16xi32>
    %mul3A_75 = arith.muli %add3A_72, %mul3A_74 : vector<16xi32>
    %gather3A_76 = tpu.vector_load_idx %arg9[%mul3A_75] : memref<192xf32, #tpu.memory_space<vmem>>[vector<16xi32>], vector<16xf32>,
    %mul3A_77 = arith.constant 2 : i32
    %mul3A_78 = vector.broadcast %mul3A_77 : i32 to vector<16xi32>
    %mul3A_79 = arith.muli %add3A_72, %mul3A_78 : vector<16xi32>
    %add3A_80 = arith.constant 1 : i32
    %add3A_81 = vector.broadcast %add3A_80 : i32 to vector<16xi32>
    %add3A_82 = arith.addi %mul3A_79, %add3A_81 : vector<16xi32>
    %gather3A_83 = tpu.vector_load_idx %arg9[%add3A_82] : memref<192xf32, #tpu.memory_space<vmem>>[vector<16xi32>], vector<16xf32>,
    tpu.vector_store_idx %arg10[%add3A_72], %gather3A_76 : memref<96xf32, #tpu.memory_space<vmem>>[vector<16xi32>], vector<16xf32>,
    tpu.vector_store_idx %arg11[%add3A_72], %gather3A_83 : memref<96xf32, #tpu.memory_space<vmem>>[vector<16xi32>], vector<16xf32>,
    %broadcast_in_dim3A = arith.constant 0.000000e+00 : f32
    %broadcast_in_dim3A_84 = vector.broadcast %broadcast_in_dim3A : f32 to vector<16xf32>
    %broadcast_in_dim3A_85 = arith.constant 0 : i32
    %broadcast_in_dim3A_86 = vector.broadcast %broadcast_in_dim3A_85 : i32 to vector<16xi32>
    %scan3A = arith.constant 0 : i32
    %scan3A_87 = arith.constant 0 : i32
    %scan3A_88 = arith.constant 16 : i32
    %scan3A_89 = arith.addi %scan3A_87, %scan3A_88 : i32
    %scan3A_90 = arith.constant 1 : i32
    scf.for %scan3A_174 = %scan3A_87 to %scan3A_89 step %scan3A_90  : i32 {
      %add3A_175 = vector.broadcast %scan3A_174 : i32 to vector<16xi32>
      %add3A_176 = arith.addi %broadcast_in_dim3A_86, %add3A_175 : vector<16xi32>
      %add3A_177 = arith.constant 0 : i32
      %add3A_178 = vector.broadcast %add3A_177 : i32 to vector<16xi32>
      %add3A_179 = arith.addi %add3A_178, %iota3A : vector<16xi32>
      tpu.vector_store_idx %arg15[%add3A_176, %add3A_179], %broadcast_in_dim3A_84 : memref<16x1008xf32, #tpu.memory_space<vmem>>[vector<16xi32>, vector<16xi32>], vector<16xf32>,
      %add3A_180 = arith.constant 16 : i32
      %add3A_181 = vector.broadcast %add3A_180 : i32 to vector<16xi32>
      %add3A_182 = arith.addi %add3A_181, %iota3A : vector<16xi32>
      tpu.vector_store_idx %arg15[%add3A_176, %add3A_182], %broadcast_in_dim3A_84 : memref<16x1008xf32, #tpu.memory_space<vmem>>[vector<16xi32>, vector<16xi32>], vector<16xf32>,
      %add3A_183 = arith.constant 32 : i32
      %add3A_184 = vector.broadcast %add3A_183 : i32 to vector<16xi32>
      %add3A_185 = arith.addi %add3A_184, %iota3A : vector<16xi32>
      tpu.vector_store_idx %arg15[%add3A_176, %add3A_185], %broadcast_in_dim3A_84 : memref<16x1008xf32, #tpu.memory_space<vmem>>[vector<16xi32>, vector<16xi32>], vector<16xf32>,
      %add3A_186 = arith.constant 48 : i32
      %add3A_187 = vector.broadcast %add3A_186 : i32 to vector<16xi32>
      %add3A_188 = arith.addi %add3A_187, %iota3A : vector<16xi32>
      tpu.vector_store_idx %arg15[%add3A_176, %add3A_188], %broadcast_in_dim3A_84 : memref<16x1008xf32, #tpu.memory_space<vmem>>[vector<16xi32>, vector<16xi32>], vector<16xf32>,
      %add3A_189 = arith.constant 64 : i32
      %add3A_190 = vector.broadcast %add3A_189 : i32 to vector<16xi32>
      %add3A_191 = arith.addi %add3A_190, %iota3A : vector<16xi32>
      tpu.vector_store_idx %arg15[%add3A_176, %add3A_191], %broadcast_in_dim3A_84 : memref<16x1008xf32, #tpu.memory_space<vmem>>[vector<16xi32>, vector<16xi32>], vector<16xf32>,
      %add3A_192 = arith.constant 80 : i32
      %add3A_193 = vector.broadcast %add3A_192 : i32 to vector<16xi32>
      %add3A_194 = arith.addi %add3A_193, %iota3A : vector<16xi32>
      tpu.vector_store_idx %arg15[%add3A_176, %add3A_194], %broadcast_in_dim3A_84 : memref<16x1008xf32, #tpu.memory_space<vmem>>[vector<16xi32>, vector<16xi32>], vector<16xf32>,
      %add3A_195 = arith.constant 96 : i32
      %add3A_196 = vector.broadcast %add3A_195 : i32 to vector<16xi32>
      %add3A_197 = arith.addi %add3A_196, %iota3A : vector<16xi32>
      tpu.vector_store_idx %arg15[%add3A_176, %add3A_197], %broadcast_in_dim3A_84 : memref<16x1008xf32, #tpu.memory_space<vmem>>[vector<16xi32>, vector<16xi32>], vector<16xf32>,
      %add3A_198 = arith.constant 112 : i32
      %add3A_199 = vector.broadcast %add3A_198 : i32 to vector<16xi32>
      %add3A_200 = arith.addi %add3A_199, %iota3A : vector<16xi32>
      tpu.vector_store_idx %arg15[%add3A_176, %add3A_200], %broadcast_in_dim3A_84 : memref<16x1008xf32, #tpu.memory_space<vmem>>[vector<16xi32>, vector<16xi32>], vector<16xf32>,
      %add3A_201 = arith.constant 128 : i32
      %add3A_202 = vector.broadcast %add3A_201 : i32 to vector<16xi32>
      %add3A_203 = arith.addi %add3A_202, %iota3A : vector<16xi32>
      tpu.vector_store_idx %arg15[%add3A_176, %add3A_203], %broadcast_in_dim3A_84 : memref<16x1008xf32, #tpu.memory_space<vmem>>[vector<16xi32>, vector<16xi32>], vector<16xf32>,
      %add3A_204 = arith.constant 144 : i32
      %add3A_205 = vector.broadcast %add3A_204 : i32 to vector<16xi32>
      %add3A_206 = arith.addi %add3A_205, %iota3A : vector<16xi32>
      tpu.vector_store_idx %arg15[%add3A_176, %add3A_206], %broadcast_in_dim3A_84 : memref<16x1008xf32, #tpu.memory_space<vmem>>[vector<16xi32>, vector<16xi32>], vector<16xf32>,
      %add3A_207 = arith.constant 160 : i32
      %add3A_208 = vector.broadcast %add3A_207 : i32 to vector<16xi32>
      %add3A_209 = arith.addi %add3A_208, %iota3A : vector<16xi32>
      tpu.vector_store_idx %arg15[%add3A_176, %add3A_209], %broadcast_in_dim3A_84 : memref<16x1008xf32, #tpu.memory_space<vmem>>[vector<16xi32>, vector<16xi32>], vector<16xf32>,
      %add3A_210 = arith.constant 176 : i32
      %add3A_211 = vector.broadcast %add3A_210 : i32 to vector<16xi32>
      %add3A_212 = arith.addi %add3A_211, %iota3A : vector<16xi32>
      tpu.vector_store_idx %arg15[%add3A_176, %add3A_212], %broadcast_in_dim3A_84 : memref<16x1008xf32, #tpu.memory_space<vmem>>[vector<16xi32>, vector<16xi32>], vector<16xf32>,
      %add3A_213 = arith.constant 192 : i32
      %add3A_214 = vector.broadcast %add3A_213 : i32 to vector<16xi32>
      %add3A_215 = arith.addi %add3A_214, %iota3A : vector<16xi32>
      tpu.vector_store_idx %arg15[%add3A_176, %add3A_215], %broadcast_in_dim3A_84 : memref<16x1008xf32, #tpu.memory_space<vmem>>[vector<16xi32>, vector<16xi32>], vector<16xf32>,
      %add3A_216 = arith.constant 208 : i32
      %add3A_217 = vector.broadcast %add3A_216 : i32 to vector<16xi32>
      %add3A_218 = arith.addi %add3A_217, %iota3A : vector<16xi32>
      tpu.vector_store_idx %arg15[%add3A_176, %add3A_218], %broadcast_in_dim3A_84 : memref<16x1008xf32, #tpu.memory_space<vmem>>[vector<16xi32>, vector<16xi32>], vector<16xf32>,
      %add3A_219 = arith.constant 224 : i32
      %add3A_220 = vector.broadcast %add3A_219 : i32 to vector<16xi32>
      %add3A_221 = arith.addi %add3A_220, %iota3A : vector<16xi32>
      tpu.vector_store_idx %arg15[%add3A_176, %add3A_221], %broadcast_in_dim3A_84 : memref<16x1008xf32, #tpu.memory_space<vmem>>[vector<16xi32>, vector<16xi32>], vector<16xf32>,
      %add3A_222 = arith.constant 240 : i32
      %add3A_223 = vector.broadcast %add3A_222 : i32 to vector<16xi32>
      %add3A_224 = arith.addi %add3A_223, %iota3A : vector<16xi32>
      tpu.vector_store_idx %arg15[%add3A_176, %add3A_224], %broadcast_in_dim3A_84 : memref<16x1008xf32, #tpu.memory_space<vmem>>[vector<16xi32>, vector<16xi32>], vector<16xf32>,
      %add3A_225 = arith.constant 256 : i32
      %add3A_226 = vector.broadcast %add3A_225 : i32 to vector<16xi32>
      %add3A_227 = arith.addi %add3A_226, %iota3A : vector<16xi32>
      tpu.vector_store_idx %arg15[%add3A_176, %add3A_227], %broadcast_in_dim3A_84 : memref<16x1008xf32, #tpu.memory_space<vmem>>[vector<16xi32>, vector<16xi32>], vector<16xf32>,
      %add3A_228 = arith.constant 272 : i32
      %add3A_229 = vector.broadcast %add3A_228 : i32 to vector<16xi32>
      %add3A_230 = arith.addi %add3A_229, %iota3A : vector<16xi32>
      tpu.vector_store_idx %arg15[%add3A_176, %add3A_230], %broadcast_in_dim3A_84 : memref<16x1008xf32, #tpu.memory_space<vmem>>[vector<16xi32>, vector<16xi32>], vector<16xf32>,
      %add3A_231 = arith.constant 288 : i32
      %add3A_232 = vector.broadcast %add3A_231 : i32 to vector<16xi32>
      %add3A_233 = arith.addi %add3A_232, %iota3A : vector<16xi32>
      tpu.vector_store_idx %arg15[%add3A_176, %add3A_233], %broadcast_in_dim3A_84 : memref<16x1008xf32, #tpu.memory_space<vmem>>[vector<16xi32>, vector<16xi32>], vector<16xf32>,
      %add3A_234 = arith.constant 304 : i32
      %add3A_235 = vector.broadcast %add3A_234 : i32 to vector<16xi32>
      %add3A_236 = arith.addi %add3A_235, %iota3A : vector<16xi32>
      tpu.vector_store_idx %arg15[%add3A_176, %add3A_236], %broadcast_in_dim3A_84 : memref<16x1008xf32, #tpu.memory_space<vmem>>[vector<16xi32>, vector<16xi32>], vector<16xf32>,
      %add3A_237 = arith.constant 320 : i32
      %add3A_238 = vector.broadcast %add3A_237 : i32 to vector<16xi32>
      %add3A_239 = arith.addi %add3A_238, %iota3A : vector<16xi32>
      tpu.vector_store_idx %arg15[%add3A_176, %add3A_239], %broadcast_in_dim3A_84 : memref<16x1008xf32, #tpu.memory_space<vmem>>[vector<16xi32>, vector<16xi32>], vector<16xf32>,
      %add3A_240 = arith.constant 336 : i32
      %add3A_241 = vector.broadcast %add3A_240 : i32 to vector<16xi32>
      %add3A_242 = arith.addi %add3A_241, %iota3A : vector<16xi32>
      tpu.vector_store_idx %arg15[%add3A_176, %add3A_242], %broadcast_in_dim3A_84 : memref<16x1008xf32, #tpu.memory_space<vmem>>[vector<16xi32>, vector<16xi32>], vector<16xf32>,
      %add3A_243 = arith.constant 352 : i32
      %add3A_244 = vector.broadcast %add3A_243 : i32 to vector<16xi32>
      %add3A_245 = arith.addi %add3A_244, %iota3A : vector<16xi32>
      tpu.vector_store_idx %arg15[%add3A_176, %add3A_245], %broadcast_in_dim3A_84 : memref<16x1008xf32, #tpu.memory_space<vmem>>[vector<16xi32>, vector<16xi32>], vector<16xf32>,
      %add3A_246 = arith.constant 368 : i32
      %add3A_247 = vector.broadcast %add3A_246 : i32 to vector<16xi32>
      %add3A_248 = arith.addi %add3A_247, %iota3A : vector<16xi32>
      tpu.vector_store_idx %arg15[%add3A_176, %add3A_248], %broadcast_in_dim3A_84 : memref<16x1008xf32, #tpu.memory_space<vmem>>[vector<16xi32>, vector<16xi32>], vector<16xf32>,
      %add3A_249 = arith.constant 384 : i32
      %add3A_250 = vector.broadcast %add3A_249 : i32 to vector<16xi32>
      %add3A_251 = arith.addi %add3A_250, %iota3A : vector<16xi32>
      tpu.vector_store_idx %arg15[%add3A_176, %add3A_251], %broadcast_in_dim3A_84 : memref<16x1008xf32, #tpu.memory_space<vmem>>[vector<16xi32>, vector<16xi32>], vector<16xf32>,
      %add3A_252 = arith.constant 400 : i32
      %add3A_253 = vector.broadcast %add3A_252 : i32 to vector<16xi32>
      %add3A_254 = arith.addi %add3A_253, %iota3A : vector<16xi32>
      tpu.vector_store_idx %arg15[%add3A_176, %add3A_254], %broadcast_in_dim3A_84 : memref<16x1008xf32, #tpu.memory_space<vmem>>[vector<16xi32>, vector<16xi32>], vector<16xf32>,
      %add3A_255 = arith.constant 416 : i32
      %add3A_256 = vector.broadcast %add3A_255 : i32 to vector<16xi32>
      %add3A_257 = arith.addi %add3A_256, %iota3A : vector<16xi32>
      tpu.vector_store_idx %arg15[%add3A_176, %add3A_257], %broadcast_in_dim3A_84 : memref<16x1008xf32, #tpu.memory_space<vmem>>[vector<16xi32>, vector<16xi32>], vector<16xf32>,
      %add3A_258 = arith.constant 432 : i32
      %add3A_259 = vector.broadcast %add3A_258 : i32 to vector<16xi32>
      %add3A_260 = arith.addi %add3A_259, %iota3A : vector<16xi32>
      tpu.vector_store_idx %arg15[%add3A_176, %add3A_260], %broadcast_in_dim3A_84 : memref<16x1008xf32, #tpu.memory_space<vmem>>[vector<16xi32>, vector<16xi32>], vector<16xf32>,
      %add3A_261 = arith.constant 448 : i32
      %add3A_262 = vector.broadcast %add3A_261 : i32 to vector<16xi32>
      %add3A_263 = arith.addi %add3A_262, %iota3A : vector<16xi32>
      tpu.vector_store_idx %arg15[%add3A_176, %add3A_263], %broadcast_in_dim3A_84 : memref<16x1008xf32, #tpu.memory_space<vmem>>[vector<16xi32>, vector<16xi32>], vector<16xf32>,
      %add3A_264 = arith.constant 464 : i32
      %add3A_265 = vector.broadcast %add3A_264 : i32 to vector<16xi32>
      %add3A_266 = arith.addi %add3A_265, %iota3A : vector<16xi32>
      tpu.vector_store_idx %arg15[%add3A_176, %add3A_266], %broadcast_in_dim3A_84 : memref<16x1008xf32, #tpu.memory_space<vmem>>[vector<16xi32>, vector<16xi32>], vector<16xf32>,
      %add3A_267 = arith.constant 480 : i32
      %add3A_268 = vector.broadcast %add3A_267 : i32 to vector<16xi32>
      %add3A_269 = arith.addi %add3A_268, %iota3A : vector<16xi32>
      tpu.vector_store_idx %arg15[%add3A_176, %add3A_269], %broadcast_in_dim3A_84 : memref<16x1008xf32, #tpu.memory_space<vmem>>[vector<16xi32>, vector<16xi32>], vector<16xf32>,
      %add3A_270 = arith.constant 496 : i32
      %add3A_271 = vector.broadcast %add3A_270 : i32 to vector<16xi32>
      %add3A_272 = arith.addi %add3A_271, %iota3A : vector<16xi32>
      tpu.vector_store_idx %arg15[%add3A_176, %add3A_272], %broadcast_in_dim3A_84 : memref<16x1008xf32, #tpu.memory_space<vmem>>[vector<16xi32>, vector<16xi32>], vector<16xf32>,
      %add3A_273 = arith.constant 512 : i32
      %add3A_274 = vector.broadcast %add3A_273 : i32 to vector<16xi32>
      %add3A_275 = arith.addi %add3A_274, %iota3A : vector<16xi32>
      tpu.vector_store_idx %arg15[%add3A_176, %add3A_275], %broadcast_in_dim3A_84 : memref<16x1008xf32, #tpu.memory_space<vmem>>[vector<16xi32>, vector<16xi32>], vector<16xf32>,
      %add3A_276 = arith.constant 528 : i32
      %add3A_277 = vector.broadcast %add3A_276 : i32 to vector<16xi32>
      %add3A_278 = arith.addi %add3A_277, %iota3A : vector<16xi32>
      tpu.vector_store_idx %arg15[%add3A_176, %add3A_278], %broadcast_in_dim3A_84 : memref<16x1008xf32, #tpu.memory_space<vmem>>[vector<16xi32>, vector<16xi32>], vector<16xf32>,
      %add3A_279 = arith.constant 544 : i32
      %add3A_280 = vector.broadcast %add3A_279 : i32 to vector<16xi32>
      %add3A_281 = arith.addi %add3A_280, %iota3A : vector<16xi32>
      tpu.vector_store_idx %arg15[%add3A_176, %add3A_281], %broadcast_in_dim3A_84 : memref<16x1008xf32, #tpu.memory_space<vmem>>[vector<16xi32>, vector<16xi32>], vector<16xf32>,
      %add3A_282 = arith.constant 560 : i32
      %add3A_283 = vector.broadcast %add3A_282 : i32 to vector<16xi32>
      %add3A_284 = arith.addi %add3A_283, %iota3A : vector<16xi32>
      tpu.vector_store_idx %arg15[%add3A_176, %add3A_284], %broadcast_in_dim3A_84 : memref<16x1008xf32, #tpu.memory_space<vmem>>[vector<16xi32>, vector<16xi32>], vector<16xf32>,
      %add3A_285 = arith.constant 576 : i32
      %add3A_286 = vector.broadcast %add3A_285 : i32 to vector<16xi32>
      %add3A_287 = arith.addi %add3A_286, %iota3A : vector<16xi32>
      tpu.vector_store_idx %arg15[%add3A_176, %add3A_287], %broadcast_in_dim3A_84 : memref<16x1008xf32, #tpu.memory_space<vmem>>[vector<16xi32>, vector<16xi32>], vector<16xf32>,
      %add3A_288 = arith.constant 592 : i32
      %add3A_289 = vector.broadcast %add3A_288 : i32 to vector<16xi32>
      %add3A_290 = arith.addi %add3A_289, %iota3A : vector<16xi32>
      tpu.vector_store_idx %arg15[%add3A_176, %add3A_290], %broadcast_in_dim3A_84 : memref<16x1008xf32, #tpu.memory_space<vmem>>[vector<16xi32>, vector<16xi32>], vector<16xf32>,
      %add3A_291 = arith.constant 608 : i32
      %add3A_292 = vector.broadcast %add3A_291 : i32 to vector<16xi32>
      %add3A_293 = arith.addi %add3A_292, %iota3A : vector<16xi32>
      tpu.vector_store_idx %arg15[%add3A_176, %add3A_293], %broadcast_in_dim3A_84 : memref<16x1008xf32, #tpu.memory_space<vmem>>[vector<16xi32>, vector<16xi32>], vector<16xf32>,
      %add3A_294 = arith.constant 624 : i32
      %add3A_295 = vector.broadcast %add3A_294 : i32 to vector<16xi32>
      %add3A_296 = arith.addi %add3A_295, %iota3A : vector<16xi32>
      tpu.vector_store_idx %arg15[%add3A_176, %add3A_296], %broadcast_in_dim3A_84 : memref<16x1008xf32, #tpu.memory_space<vmem>>[vector<16xi32>, vector<16xi32>], vector<16xf32>,
      %add3A_297 = arith.constant 640 : i32
      %add3A_298 = vector.broadcast %add3A_297 : i32 to vector<16xi32>
      %add3A_299 = arith.addi %add3A_298, %iota3A : vector<16xi32>
      tpu.vector_store_idx %arg15[%add3A_176, %add3A_299], %broadcast_in_dim3A_84 : memref<16x1008xf32, #tpu.memory_space<vmem>>[vector<16xi32>, vector<16xi32>], vector<16xf32>,
      %add3A_300 = arith.constant 656 : i32
      %add3A_301 = vector.broadcast %add3A_300 : i32 to vector<16xi32>
      %add3A_302 = arith.addi %add3A_301, %iota3A : vector<16xi32>
      tpu.vector_store_idx %arg15[%add3A_176, %add3A_302], %broadcast_in_dim3A_84 : memref<16x1008xf32, #tpu.memory_space<vmem>>[vector<16xi32>, vector<16xi32>], vector<16xf32>,
      %add3A_303 = arith.constant 672 : i32
      %add3A_304 = vector.broadcast %add3A_303 : i32 to vector<16xi32>
      %add3A_305 = arith.addi %add3A_304, %iota3A : vector<16xi32>
      tpu.vector_store_idx %arg15[%add3A_176, %add3A_305], %broadcast_in_dim3A_84 : memref<16x1008xf32, #tpu.memory_space<vmem>>[vector<16xi32>, vector<16xi32>], vector<16xf32>,
      %add3A_306 = arith.constant 688 : i32
      %add3A_307 = vector.broadcast %add3A_306 : i32 to vector<16xi32>
      %add3A_308 = arith.addi %add3A_307, %iota3A : vector<16xi32>
      tpu.vector_store_idx %arg15[%add3A_176, %add3A_308], %broadcast_in_dim3A_84 : memref<16x1008xf32, #tpu.memory_space<vmem>>[vector<16xi32>, vector<16xi32>], vector<16xf32>,
      %add3A_309 = arith.constant 704 : i32
      %add3A_310 = vector.broadcast %add3A_309 : i32 to vector<16xi32>
      %add3A_311 = arith.addi %add3A_310, %iota3A : vector<16xi32>
      tpu.vector_store_idx %arg15[%add3A_176, %add3A_311], %broadcast_in_dim3A_84 : memref<16x1008xf32, #tpu.memory_space<vmem>>[vector<16xi32>, vector<16xi32>], vector<16xf32>,
      %add3A_312 = arith.constant 720 : i32
      %add3A_313 = vector.broadcast %add3A_312 : i32 to vector<16xi32>
      %add3A_314 = arith.addi %add3A_313, %iota3A : vector<16xi32>
      tpu.vector_store_idx %arg15[%add3A_176, %add3A_314], %broadcast_in_dim3A_84 : memref<16x1008xf32, #tpu.memory_space<vmem>>[vector<16xi32>, vector<16xi32>], vector<16xf32>,
      %add3A_315 = arith.constant 736 : i32
      %add3A_316 = vector.broadcast %add3A_315 : i32 to vector<16xi32>
      %add3A_317 = arith.addi %add3A_316, %iota3A : vector<16xi32>
      tpu.vector_store_idx %arg15[%add3A_176, %add3A_317], %broadcast_in_dim3A_84 : memref<16x1008xf32, #tpu.memory_space<vmem>>[vector<16xi32>, vector<16xi32>], vector<16xf32>,
      %add3A_318 = arith.constant 752 : i32
      %add3A_319 = vector.broadcast %add3A_318 : i32 to vector<16xi32>
      %add3A_320 = arith.addi %add3A_319, %iota3A : vector<16xi32>
      tpu.vector_store_idx %arg15[%add3A_176, %add3A_320], %broadcast_in_dim3A_84 : memref<16x1008xf32, #tpu.memory_space<vmem>>[vector<16xi32>, vector<16xi32>], vector<16xf32>,
      %add3A_321 = arith.constant 768 : i32
      %add3A_322 = vector.broadcast %add3A_321 : i32 to vector<16xi32>
      %add3A_323 = arith.addi %add3A_322, %iota3A : vector<16xi32>
      tpu.vector_store_idx %arg15[%add3A_176, %add3A_323], %broadcast_in_dim3A_84 : memref<16x1008xf32, #tpu.memory_space<vmem>>[vector<16xi32>, vector<16xi32>], vector<16xf32>,
      %add3A_324 = arith.constant 784 : i32
      %add3A_325 = vector.broadcast %add3A_324 : i32 to vector<16xi32>
      %add3A_326 = arith.addi %add3A_325, %iota3A : vector<16xi32>
      tpu.vector_store_idx %arg15[%add3A_176, %add3A_326], %broadcast_in_dim3A_84 : memref<16x1008xf32, #tpu.memory_space<vmem>>[vector<16xi32>, vector<16xi32>], vector<16xf32>,
      %add3A_327 = arith.constant 800 : i32
      %add3A_328 = vector.broadcast %add3A_327 : i32 to vector<16xi32>
      %add3A_329 = arith.addi %add3A_328, %iota3A : vector<16xi32>
      tpu.vector_store_idx %arg15[%add3A_176, %add3A_329], %broadcast_in_dim3A_84 : memref<16x1008xf32, #tpu.memory_space<vmem>>[vector<16xi32>, vector<16xi32>], vector<16xf32>,
      %add3A_330 = arith.constant 816 : i32
      %add3A_331 = vector.broadcast %add3A_330 : i32 to vector<16xi32>
      %add3A_332 = arith.addi %add3A_331, %iota3A : vector<16xi32>
      tpu.vector_store_idx %arg15[%add3A_176, %add3A_332], %broadcast_in_dim3A_84 : memref<16x1008xf32, #tpu.memory_space<vmem>>[vector<16xi32>, vector<16xi32>], vector<16xf32>,
      %add3A_333 = arith.constant 832 : i32
      %add3A_334 = vector.broadcast %add3A_333 : i32 to vector<16xi32>
      %add3A_335 = arith.addi %add3A_334, %iota3A : vector<16xi32>
      tpu.vector_store_idx %arg15[%add3A_176, %add3A_335], %broadcast_in_dim3A_84 : memref<16x1008xf32, #tpu.memory_space<vmem>>[vector<16xi32>, vector<16xi32>], vector<16xf32>,
      %add3A_336 = arith.constant 848 : i32
      %add3A_337 = vector.broadcast %add3A_336 : i32 to vector<16xi32>
      %add3A_338 = arith.addi %add3A_337, %iota3A : vector<16xi32>
      tpu.vector_store_idx %arg15[%add3A_176, %add3A_338], %broadcast_in_dim3A_84 : memref<16x1008xf32, #tpu.memory_space<vmem>>[vector<16xi32>, vector<16xi32>], vector<16xf32>,
      %add3A_339 = arith.constant 864 : i32
      %add3A_340 = vector.broadcast %add3A_339 : i32 to vector<16xi32>
      %add3A_341 = arith.addi %add3A_340, %iota3A : vector<16xi32>
      tpu.vector_store_idx %arg15[%add3A_176, %add3A_341], %broadcast_in_dim3A_84 : memref<16x1008xf32, #tpu.memory_space<vmem>>[vector<16xi32>, vector<16xi32>], vector<16xf32>,
      %add3A_342 = arith.constant 880 : i32
      %add3A_343 = vector.broadcast %add3A_342 : i32 to vector<16xi32>
      %add3A_344 = arith.addi %add3A_343, %iota3A : vector<16xi32>
      tpu.vector_store_idx %arg15[%add3A_176, %add3A_344], %broadcast_in_dim3A_84 : memref<16x1008xf32, #tpu.memory_space<vmem>>[vector<16xi32>, vector<16xi32>], vector<16xf32>,
      %add3A_345 = arith.constant 896 : i32
      %add3A_346 = vector.broadcast %add3A_345 : i32 to vector<16xi32>
      %add3A_347 = arith.addi %add3A_346, %iota3A : vector<16xi32>
      tpu.vector_store_idx %arg15[%add3A_176, %add3A_347], %broadcast_in_dim3A_84 : memref<16x1008xf32, #tpu.memory_space<vmem>>[vector<16xi32>, vector<16xi32>], vector<16xf32>,
      %add3A_348 = arith.constant 912 : i32
      %add3A_349 = vector.broadcast %add3A_348 : i32 to vector<16xi32>
      %add3A_350 = arith.addi %add3A_349, %iota3A : vector<16xi32>
      tpu.vector_store_idx %arg15[%add3A_176, %add3A_350], %broadcast_in_dim3A_84 : memref<16x1008xf32, #tpu.memory_space<vmem>>[vector<16xi32>, vector<16xi32>], vector<16xf32>,
      %add3A_351 = arith.constant 928 : i32
      %add3A_352 = vector.broadcast %add3A_351 : i32 to vector<16xi32>
      %add3A_353 = arith.addi %add3A_352, %iota3A : vector<16xi32>
      tpu.vector_store_idx %arg15[%add3A_176, %add3A_353], %broadcast_in_dim3A_84 : memref<16x1008xf32, #tpu.memory_space<vmem>>[vector<16xi32>, vector<16xi32>], vector<16xf32>,
      %add3A_354 = arith.constant 944 : i32
      %add3A_355 = vector.broadcast %add3A_354 : i32 to vector<16xi32>
      %add3A_356 = arith.addi %add3A_355, %iota3A : vector<16xi32>
      tpu.vector_store_idx %arg15[%add3A_176, %add3A_356], %broadcast_in_dim3A_84 : memref<16x1008xf32, #tpu.memory_space<vmem>>[vector<16xi32>, vector<16xi32>], vector<16xf32>,
      %add3A_357 = arith.constant 960 : i32
      %add3A_358 = vector.broadcast %add3A_357 : i32 to vector<16xi32>
      %add3A_359 = arith.addi %add3A_358, %iota3A : vector<16xi32>
      tpu.vector_store_idx %arg15[%add3A_176, %add3A_359], %broadcast_in_dim3A_84 : memref<16x1008xf32, #tpu.memory_space<vmem>>[vector<16xi32>, vector<16xi32>], vector<16xf32>,
      %add3A_360 = arith.constant 976 : i32
      %add3A_361 = vector.broadcast %add3A_360 : i32 to vector<16xi32>
      %add3A_362 = arith.addi %add3A_361, %iota3A : vector<16xi32>
      tpu.vector_store_idx %arg15[%add3A_176, %add3A_362], %broadcast_in_dim3A_84 : memref<16x1008xf32, #tpu.memory_space<vmem>>[vector<16xi32>, vector<16xi32>], vector<16xf32>,
      %add3A_363 = arith.constant 992 : i32
      %add3A_364 = vector.broadcast %add3A_363 : i32 to vector<16xi32>
      %add3A_365 = arith.addi %add3A_364, %iota3A : vector<16xi32>
      tpu.vector_store_idx %arg15[%add3A_176, %add3A_365], %broadcast_in_dim3A_84 : memref<16x1008xf32, #tpu.memory_space<vmem>>[vector<16xi32>, vector<16xi32>], vector<16xf32>,
    }
    %scan3A_91 = arith.constant 16 : i32
    %mul3A_92 = arith.constant 66 : i32
    %mul3A_93 = arith.muli %mul3A_92, %add3A : i32
    %mul3A_94 = arith.constant 65 : i32
    %mul3A_95 = arith.muli %mul3A_94, %add3A : i32
    %add3A_96 = arith.constant 3 : i32
    %add3A_97 = arith.addi %mul3A_95, %add3A_96 : i32
    %min3A = arith.minsi %mul3A_93, %add3A_97 : i32
    %add3A_98 = arith.constant 1 : i32
    %add3A_99 = arith.addi %add3A, %add3A_98 : i32
    %mul3A_100 = arith.constant 66 : i32
    %mul3A_101 = arith.muli %mul3A_100, %add3A_99 : i32
    %add3A_102 = arith.constant 1 : i32
    %add3A_103 = arith.addi %add3A, %add3A_102 : i32
    %mul3A_104 = arith.constant 65 : i32
    %mul3A_105 = arith.muli %mul3A_104, %add3A_103 : i32
    %add3A_106 = arith.constant 3 : i32
    %add3A_107 = arith.addi %mul3A_105, %add3A_106 : i32
    %min3A_108 = arith.minsi %mul3A_101, %add3A_107 : i32
    %mul3A_109 = arith.constant 48 : i32
    %mul3A_110 = arith.muli %min3A, %mul3A_109 : i32
    %mul3A_111 = arith.constant 64 : i32
    %mul3A_112 = arith.muli %mul3A_110, %mul3A_111 : i32
    %dma_start3A = arith.constant 0 : i32
    %dma_start3A_113 = tpu.memref_slice %arg12[%dma_start3A] : memref<6144xi32, #tpu.memory_space<vmem>> -> memref<3072xi32, #tpu.memory_space<vmem>>
    %dma_start3A_114 = tpu.memref_slice %arg4[%mul3A_112] : memref<6400000xi32, #tpu.memory_space<hbm>> -> memref<3072xi32, #tpu.memory_space<hbm>>
    %dma_start3A_115 = arith.constant 0 : i32
    %dma_start3A_116 = tpu.memref_slice %arg12[%dma_start3A_115] : memref<6144xi32, #tpu.memory_space<vmem>> -> memref<3072xi32, #tpu.memory_space<vmem>>
    %dma_start3A_117 = tpu.memref_slice %arg4[%mul3A_112] : memref<6400000xi32, #tpu.memory_space<hbm>> -> memref<3072xi32, #tpu.memory_space<hbm>>
    tpu.enqueue_dma source(%dma_start3A_117 : memref<3072xi32, #tpu.memory_space<hbm>>) target(%dma_start3A_116 : memref<3072xi32, #tpu.memory_space<vmem>>) target_semaphore(%arg16 : memref<!tpu.dma_semaphore, #tpu.memory_space<semaphore_mem>>)
    %mul3A_118 = arith.constant 64 : i32
    %mul3A_119 = arith.muli %mul3A_110, %mul3A_118 : i32
    %dma_start3A_120 = arith.constant 0 : i32
    %dma_start3A_121 = tpu.memref_slice %arg13[%dma_start3A_120] : memref<6144xf32, #tpu.memory_space<vmem>> -> memref<3072xf32, #tpu.memory_space<vmem>>
    %dma_start3A_122 = tpu.memref_slice %arg5[%mul3A_119] : memref<6400000xf32, #tpu.memory_space<hbm>> -> memref<3072xf32, #tpu.memory_space<hbm>>
    %dma_start3A_123 = arith.constant 0 : i32
    %dma_start3A_124 = tpu.memref_slice %arg13[%dma_start3A_123] : memref<6144xf32, #tpu.memory_space<vmem>> -> memref<3072xf32, #tpu.memory_space<vmem>>
    %dma_start3A_125 = tpu.memref_slice %arg5[%mul3A_119] : memref<6400000xf32, #tpu.memory_space<hbm>> -> memref<3072xf32, #tpu.memory_space<hbm>>
    tpu.enqueue_dma source(%dma_start3A_125 : memref<3072xf32, #tpu.memory_space<hbm>>) target(%dma_start3A_124 : memref<3072xf32, #tpu.memory_space<vmem>>) target_semaphore(%arg16 : memref<!tpu.dma_semaphore, #tpu.memory_space<semaphore_mem>>)
    %dma_start3A_126 = arith.constant 0 : i32
    %dma_start3A_127 = tpu.memref_slice %arg14[%dma_start3A_126] : memref<96xi32, #tpu.memory_space<vmem>> -> memref<48xi32, #tpu.memory_space<vmem>>
    %dma_start3A_128 = tpu.memref_slice %arg6[%mul3A_110] : memref<100000xi32, #tpu.memory_space<hbm>> -> memref<48xi32, #tpu.memory_space<hbm>>
    %dma_start3A_129 = arith.constant 0 : i32
    %dma_start3A_130 = tpu.memref_slice %arg14[%dma_start3A_129] : memref<96xi32, #tpu.memory_space<vmem>> -> memref<48xi32, #tpu.memory_space<vmem>>
    %dma_start3A_131 = tpu.memref_slice %arg6[%mul3A_110] : memref<100000xi32, #tpu.memory_space<hbm>> -> memref<48xi32, #tpu.memory_space<hbm>>
    tpu.enqueue_dma source(%dma_start3A_131 : memref<48xi32, #tpu.memory_space<hbm>>) target(%dma_start3A_130 : memref<48xi32, #tpu.memory_space<vmem>>) target_semaphore(%arg16 : memref<!tpu.dma_semaphore, #tpu.memory_space<semaphore_mem>>)
    %add3A_132 = arith.constant 1 : i32
    %add3A_133 = arith.addi %min3A, %add3A_132 : i32
    %mul3A_134 = arith.constant 48 : i32
    %mul3A_135 = arith.muli %add3A_133, %mul3A_134 : i32
    %mul3A_136 = arith.constant 64 : i32
    %mul3A_137 = arith.muli %mul3A_135, %mul3A_136 : i32
    %dma_start3A_138 = arith.constant 3072 : i32
    %dma_start3A_139 = tpu.memref_slice %arg12[%dma_start3A_138] : memref<6144xi32, #tpu.memory_space<vmem>> -> memref<3072xi32, #tpu.memory_space<vmem>>
    %dma_start3A_140 = tpu.memref_slice %arg4[%mul3A_137] : memref<6400000xi32, #tpu.memory_space<hbm>> -> memref<3072xi32, #tpu.memory_space<hbm>>
    %dma_start3A_141 = arith.constant 3072 : i32
    %dma_start3A_142 = tpu.memref_slice %arg12[%dma_start3A_141] : memref<6144xi32, #tpu.memory_space<vmem>> -> memref<3072xi32, #tpu.memory_space<vmem>>
    %dma_start3A_143 = tpu.memref_slice %arg4[%mul3A_137] : memref<6400000xi32, #tpu.memory_space<hbm>> -> memref<3072xi32, #tpu.memory_space<hbm>>
    tpu.enqueue_dma source(%dma_start3A_143 : memref<3072xi32, #tpu.memory_space<hbm>>) target(%dma_start3A_142 : memref<3072xi32, #tpu.memory_space<vmem>>) target_semaphore(%arg17 : memref<!tpu.dma_semaphore, #tpu.memory_space<semaphore_mem>>)
    %mul3A_144 = arith.constant 64 : i32
    %mul3A_145 = arith.muli %mul3A_135, %mul3A_144 : i32
    %dma_start3A_146 = arith.constant 3072 : i32
    %dma_start3A_147 = tpu.memref_slice %arg13[%dma_start3A_146] : memref<6144xf32, #tpu.memory_space<vmem>> -> memref<3072xf32, #tpu.memory_space<vmem>>
    %dma_start3A_148 = tpu.memref_slice %arg5[%mul3A_145] : memref<6400000xf32, #tpu.memory_space<hbm>> -> memref<3072xf32, #tpu.memory_space<hbm>>
    %dma_start3A_149 = arith.constant 3072 : i32
    %dma_start3A_150 = tpu.memref_slice %arg13[%dma_start3A_149] : memref<6144xf32, #tpu.memory_space<vmem>> -> memref<3072xf32, #tpu.memory_space<vmem>>
    %dma_start3A_151 = tpu.memref_slice %arg5[%mul3A_145] : memref<6400000xf32, #tpu.memory_space<hbm>> -> memref<3072xf32, #tpu.memory_space<hbm>>
    tpu.enqueue_dma source(%dma_start3A_151 : memref<3072xf32, #tpu.memory_space<hbm>>) target(%dma_start3A_150 : memref<3072xf32, #tpu.memory_space<vmem>>) target_semaphore(%arg17 : memref<!tpu.dma_semaphore, #tpu.memory_space<semaphore_mem>>)
    %dma_start3A_152 = arith.constant 48 : i32
    %dma_start3A_153 = tpu.memref_slice %arg14[%dma_start3A_152] : memref<96xi32, #tpu.memory_space<vmem>> -> memref<48xi32, #tpu.memory_space<vmem>>
    %dma_start3A_154 = tpu.memref_slice %arg6[%mul3A_135] : memref<100000xi32, #tpu.memory_space<hbm>> -> memref<48xi32, #tpu.memory_space<hbm>>
    %dma_start3A_155 = arith.constant 48 : i32
    %dma_start3A_156 = tpu.memref_slice %arg14[%dma_start3A_155] : memref<96xi32, #tpu.memory_space<vmem>> -> memref<48xi32, #tpu.memory_space<vmem>>
    %dma_start3A_157 = tpu.memref_slice %arg6[%mul3A_135] : memref<100000xi32, #tpu.memory_space<hbm>> -> memref<48xi32, #tpu.memory_space<hbm>>
    tpu.enqueue_dma source(%dma_start3A_157 : memref<48xi32, #tpu.memory_space<hbm>>) target(%dma_start3A_156 : memref<48xi32, #tpu.memory_space<vmem>>) target_semaphore(%arg17 : memref<!tpu.dma_semaphore, #tpu.memory_space<semaphore_mem>>)
    %while3A = arith.constant 0 : i32
    %while3A_158 = arith.subi %min3A_108, %min3A : i32
    %while3A_159 = arith.addi %min3A, %while3A_158 : i32
    %while3A_160 = arith.constant 1 : i32
    %while3A_161 = arith.divsi %while3A_158, %while3A_160 : i32
    %while3A_162 = arith.muli %while3A_161, %while3A_160 : i32
    %while3A_163 = arith.addi %min3A, %while3A_162 : i32
    %while3A_164 = arith.constant 1 : i32
    scf.for %while3A_174 = %min3A to %while3A_163 step %while3A_164  : i32 {
      %sub3A = arith.subi %while3A_174, %min3A : i32
      %and3A = arith.constant 1 : i32
      %and3A_175 = arith.andi %sub3A, %and3A : i32
      %mul3A_176 = arith.constant 48 : i32
      %mul3A_177 = arith.muli %while3A_174, %mul3A_176 : i32
      %mul3A_178 = arith.constant 3072 : i32
      %mul3A_179 = arith.muli %and3A_175, %mul3A_178 : i32
      %eq3A_180 = arith.constant 0 : i32
      %eq3A_181 = arith.cmpi eq, %and3A_175, %eq3A_180 : i32
      %convert_element_type3A_182 = arith.extui %eq3A_181 : i1 to i32
      %cond3A_183 = arith.constant 0 : i32
      %cond3A_184 = arith.cmpi ne, %convert_element_type3A_182, %cond3A_183 : i32
      scf.if %cond3A_184 {
        %dma_wait3A = arith.constant 0 : i32
        %dma_wait3A_363 = tpu.memref_slice %arg12[%dma_wait3A] : memref<6144xi32, #tpu.memory_space<vmem>> -> memref<3072xi32, #tpu.memory_space<vmem>>
        %dma_wait3A_364 = arith.constant 0 : i32
        %dma_wait3A_365 = tpu.memref_slice %arg4[%dma_wait3A_364] : memref<6400000xi32, #tpu.memory_space<hbm>> -> memref<3072xi32, #tpu.memory_space<hbm>>
        %dma_wait3A_366 = arith.constant 0 : i32
        %dma_wait3A_367 = tpu.memref_slice %arg12[%dma_wait3A_366] : memref<6144xi32, #tpu.memory_space<vmem>> -> memref<3072xi32, #tpu.memory_space<vmem>>
        %dma_wait3A_368 = arith.constant 0 : i32
        %dma_wait3A_369 = tpu.memref_slice %arg4[%dma_wait3A_368] : memref<6400000xi32, #tpu.memory_space<hbm>> -> memref<3072xi32, #tpu.memory_space<hbm>>
        tpu.wait_dma2 semaphore(%arg16 : memref<!tpu.dma_semaphore, #tpu.memory_space<semaphore_mem>>) src(%dma_wait3A_369 : memref<3072xi32, #tpu.memory_space<hbm>>) dst(%dma_wait3A_367 : memref<3072xi32, #tpu.memory_space<vmem>>)
        %dma_wait3A_370 = arith.constant 0 : i32
        %dma_wait3A_371 = tpu.memref_slice %arg13[%dma_wait3A_370] : memref<6144xf32, #tpu.memory_space<vmem>> -> memref<3072xf32, #tpu.memory_space<vmem>>
        %dma_wait3A_372 = arith.constant 0 : i32
        %dma_wait3A_373 = tpu.memref_slice %arg5[%dma_wait3A_372] : memref<6400000xf32, #tpu.memory_space<hbm>> -> memref<3072xf32, #tpu.memory_space<hbm>>
        %dma_wait3A_374 = arith.constant 0 : i32
        %dma_wait3A_375 = tpu.memref_slice %arg13[%dma_wait3A_374] : memref<6144xf32, #tpu.memory_space<vmem>> -> memref<3072xf32, #tpu.memory_space<vmem>>
        %dma_wait3A_376 = arith.constant 0 : i32
        %dma_wait3A_377 = tpu.memref_slice %arg5[%dma_wait3A_376] : memref<6400000xf32, #tpu.memory_space<hbm>> -> memref<3072xf32, #tpu.memory_space<hbm>>
        tpu.wait_dma2 semaphore(%arg16 : memref<!tpu.dma_semaphore, #tpu.memory_space<semaphore_mem>>) src(%dma_wait3A_377 : memref<3072xf32, #tpu.memory_space<hbm>>) dst(%dma_wait3A_375 : memref<3072xf32, #tpu.memory_space<vmem>>)
        %dma_wait3A_378 = arith.constant 0 : i32
        %dma_wait3A_379 = tpu.memref_slice %arg14[%dma_wait3A_378] : memref<96xi32, #tpu.memory_space<vmem>> -> memref<48xi32, #tpu.memory_space<vmem>>
        %dma_wait3A_380 = arith.constant 0 : i32
        %dma_wait3A_381 = tpu.memref_slice %arg6[%dma_wait3A_380] : memref<100000xi32, #tpu.memory_space<hbm>> -> memref<48xi32, #tpu.memory_space<hbm>>
        %dma_wait3A_382 = arith.constant 0 : i32
        %dma_wait3A_383 = tpu.memref_slice %arg14[%dma_wait3A_382] : memref<96xi32, #tpu.memory_space<vmem>> -> memref<48xi32, #tpu.memory_space<vmem>>
        %dma_wait3A_384 = arith.constant 0 : i32
        %dma_wait3A_385 = tpu.memref_slice %arg6[%dma_wait3A_384] : memref<100000xi32, #tpu.memory_space<hbm>> -> memref<48xi32, #tpu.memory_space<hbm>>
        tpu.wait_dma2 semaphore(%arg16 : memref<!tpu.dma_semaphore, #tpu.memory_space<semaphore_mem>>) src(%dma_wait3A_385 : memref<48xi32, #tpu.memory_space<hbm>>) dst(%dma_wait3A_383 : memref<48xi32, #tpu.memory_space<vmem>>)
      } else {
      }
      %eq3A_185 = arith.constant 1 : i32
      %eq3A_186 = arith.cmpi eq, %and3A_175, %eq3A_185 : i32
      %convert_element_type3A_187 = arith.extui %eq3A_186 : i1 to i32
      %cond3A_188 = arith.constant 0 : i32
      %cond3A_189 = arith.cmpi ne, %convert_element_type3A_187, %cond3A_188 : i32
      scf.if %cond3A_189 {
        %dma_wait3A = arith.constant 3072 : i32
        %dma_wait3A_363 = tpu.memref_slice %arg12[%dma_wait3A] : memref<6144xi32, #tpu.memory_space<vmem>> -> memref<3072xi32, #tpu.memory_space<vmem>>
        %dma_wait3A_364 = arith.constant 0 : i32
        %dma_wait3A_365 = tpu.memref_slice %arg4[%dma_wait3A_364] : memref<6400000xi32, #tpu.memory_space<hbm>> -> memref<3072xi32, #tpu.memory_space<hbm>>
        %dma_wait3A_366 = arith.constant 3072 : i32
        %dma_wait3A_367 = tpu.memref_slice %arg12[%dma_wait3A_366] : memref<6144xi32, #tpu.memory_space<vmem>> -> memref<3072xi32, #tpu.memory_space<vmem>>
        %dma_wait3A_368 = arith.constant 0 : i32
        %dma_wait3A_369 = tpu.memref_slice %arg4[%dma_wait3A_368] : memref<6400000xi32, #tpu.memory_space<hbm>> -> memref<3072xi32, #tpu.memory_space<hbm>>
        tpu.wait_dma2 semaphore(%arg17 : memref<!tpu.dma_semaphore, #tpu.memory_space<semaphore_mem>>) src(%dma_wait3A_369 : memref<3072xi32, #tpu.memory_space<hbm>>) dst(%dma_wait3A_367 : memref<3072xi32, #tpu.memory_space<vmem>>)
        %dma_wait3A_370 = arith.constant 3072 : i32
        %dma_wait3A_371 = tpu.memref_slice %arg13[%dma_wait3A_370] : memref<6144xf32, #tpu.memory_space<vmem>> -> memref<3072xf32, #tpu.memory_space<vmem>>
        %dma_wait3A_372 = arith.constant 0 : i32
        %dma_wait3A_373 = tpu.memref_slice %arg5[%dma_wait3A_372] : memref<6400000xf32, #tpu.memory_space<hbm>> -> memref<3072xf32, #tpu.memory_space<hbm>>
        %dma_wait3A_374 = arith.constant 3072 : i32
        %dma_wait3A_375 = tpu.memref_slice %arg13[%dma_wait3A_374] : memref<6144xf32, #tpu.memory_space<vmem>> -> memref<3072xf32, #tpu.memory_space<vmem>>
        %dma_wait3A_376 = arith.constant 0 : i32
        %dma_wait3A_377 = tpu.memref_slice %arg5[%dma_wait3A_376] : memref<6400000xf32, #tpu.memory_space<hbm>> -> memref<3072xf32, #tpu.memory_space<hbm>>
        tpu.wait_dma2 semaphore(%arg17 : memref<!tpu.dma_semaphore, #tpu.memory_space<semaphore_mem>>) src(%dma_wait3A_377 : memref<3072xf32, #tpu.memory_space<hbm>>) dst(%dma_wait3A_375 : memref<3072xf32, #tpu.memory_space<vmem>>)
        %dma_wait3A_378 = arith.constant 48 : i32
        %dma_wait3A_379 = tpu.memref_slice %arg14[%dma_wait3A_378] : memref<96xi32, #tpu.memory_space<vmem>> -> memref<48xi32, #tpu.memory_space<vmem>>
        %dma_wait3A_380 = arith.constant 0 : i32
        %dma_wait3A_381 = tpu.memref_slice %arg6[%dma_wait3A_380] : memref<100000xi32, #tpu.memory_space<hbm>> -> memref<48xi32, #tpu.memory_space<hbm>>
        %dma_wait3A_382 = arith.constant 48 : i32
        %dma_wait3A_383 = tpu.memref_slice %arg14[%dma_wait3A_382] : memref<96xi32, #tpu.memory_space<vmem>> -> memref<48xi32, #tpu.memory_space<vmem>>
        %dma_wait3A_384 = arith.constant 0 : i32
        %dma_wait3A_385 = tpu.memref_slice %arg6[%dma_wait3A_384] : memref<100000xi32, #tpu.memory_space<hbm>> -> memref<48xi32, #tpu.memory_space<hbm>>
        tpu.wait_dma2 semaphore(%arg17 : memref<!tpu.dma_semaphore, #tpu.memory_space<semaphore_mem>>) src(%dma_wait3A_385 : memref<48xi32, #tpu.memory_space<hbm>>) dst(%dma_wait3A_383 : memref<48xi32, #tpu.memory_space<vmem>>)
      } else {
      }
      %add3A_190 = arith.constant 0 : i32
      %add3A_191 = arith.addi %mul3A_177, %add3A_190 : i32
      %add3A_192 = vector.broadcast %add3A_191 : i32 to vector<16xi32>
      %add3A_193 = arith.addi %add3A_192, %iota3A : vector<16xi32>
      %gather3A_194 = tpu.vector_load_idx %arg8[%add3A_193] : memref<100008xi32, #tpu.memory_space<vmem>>[vector<16xi32>], vector<16xi32>,
      %gather3A_195 = tpu.vector_load_idx %arg10[%gather3A_194] : memref<96xf32, #tpu.memory_space<vmem>>[vector<16xi32>], vector<16xf32>,
      %gather3A_196 = tpu.vector_load_idx %arg11[%gather3A_194] : memref<96xf32, #tpu.memory_space<vmem>>[vector<16xi32>], vector<16xf32>,
      %neg3A = arith.constant 0.000000e+00 : f32
      %neg3A_197 = vector.broadcast %neg3A : f32 to vector<16xf32>
      %neg3A_198 = arith.subf %neg3A_197, %gather3A_195 : vector<16xf32>
      %jit3A = arith.constant 64 : i32
      %div3A = arith.divsi %mul3A_179, %jit3A : i32
      %sign3A = arith.constant 0 : i32
      %sign3A_199 = arith.cmpi sgt, %mul3A_179, %sign3A : i32
      %sign3A_200 = arith.extui %sign3A_199 : i1 to i32
      %sign3A_201 = arith.constant 0 : i32
      %sign3A_202 = arith.cmpi slt, %mul3A_179, %sign3A_201 : i32
      %sign3A_203 = arith.extui %sign3A_202 : i1 to i32
      %sign3A_204 = arith.subi %sign3A_200, %sign3A_203 : i32
      %sign3A_205 = arith.constant 0 : i32
      %sign3A_206 = arith.cmpi sgt, %jit3A, %sign3A_205 : i32
      %sign3A_207 = arith.extui %sign3A_206 : i1 to i32
      %sign3A_208 = arith.constant 0 : i32
      %sign3A_209 = arith.cmpi slt, %jit3A, %sign3A_208 : i32
      %sign3A_210 = arith.extui %sign3A_209 : i1 to i32
      %sign3A_211 = arith.subi %sign3A_207, %sign3A_210 : i32
      %ne3A = arith.cmpi ne, %sign3A_204, %sign3A_211 : i32
      %rem3A = arith.remsi %mul3A_179, %jit3A : i32
      %ne3A_212 = arith.constant 0 : i32
      %ne3A_213 = arith.cmpi ne, %rem3A, %ne3A_212 : i32
      %and3A_214 = arith.andi %ne3A, %ne3A_213 : i1
      %sub3A_215 = arith.constant 1 : i32
      %sub3A_216 = arith.subi %div3A, %sub3A_215 : i32
      %select_n3A = arith.select %and3A_214, %sub3A_216, %div3A : i32
      %add3A_217 = arith.constant 0 : i32
      %add3A_218 = arith.addi %select_n3A, %add3A_217 : i32
      %add3A_219 = vector.broadcast %add3A_218 : i32 to vector<16xi32>
      %add3A_220 = arith.addi %add3A_219, %iota3A : vector<16xi32>
      %gather3A_221 = tpu.vector_load_idx %arg14[%add3A_220] : memref<96xi32, #tpu.memory_space<vmem>>[vector<16xi32>], vector<16xi32>,
      %add3A_222 = arith.constant 0 : i32
      %add3A_223 = arith.addi %mul3A_179, %add3A_222 : i32
      %mul3A_224 = arith.constant 64 : i32
      %mul3A_225 = vector.broadcast %mul3A_224 : i32 to vector<16xi32>
      %mul3A_226 = arith.muli %iota3A, %mul3A_225 : vector<16xi32>
      %add3A_227 = vector.broadcast %add3A_223 : i32 to vector<16xi32>
      %add3A_228 = arith.addi %add3A_227, %mul3A_226 : vector<16xi32>
      %broadcast_in_dim3A_229 = arith.constant 0.000000e+00 : f32
      %broadcast_in_dim3A_230 = vector.broadcast %broadcast_in_dim3A_229 : f32 to vector<16xf32>
      %scan3A_231 = arith.constant 0 : i32
      %scan3A_232 = arith.constant 64 : i32
      %scan3A_233 = arith.addi %scan3A_231, %scan3A_232 : i32
      %scan3A_234 = arith.constant 1 : i32
      %scan3A_235 = scf.for %scan3A_363 = %scan3A_231 to %scan3A_233 step %scan3A_234 iter_args(%scan3A_364 = %broadcast_in_dim3A_230) -> (vector<16xf32>)  : i32 {
        %add3A_365 = vector.broadcast %scan3A_363 : i32 to vector<16xi32>
        %add3A_366 = arith.addi %add3A_228, %add3A_365 : vector<16xi32>
        %gather3A_367 = tpu.vector_load_idx %arg12[%add3A_366] : memref<6144xi32, #tpu.memory_space<vmem>>[vector<16xi32>], vector<16xi32>,
        %gather3A_368 = tpu.vector_load_idx %arg13[%add3A_366] : memref<6144xf32, #tpu.memory_space<vmem>>[vector<16xi32>], vector<16xf32>,
        %gather3A_369 = tpu.vector_load_idx %arg8[%gather3A_367] : memref<100008xi32, #tpu.memory_space<vmem>>[vector<16xi32>], vector<16xi32>,
        %gather3A_370 = tpu.vector_load_idx %arg10[%gather3A_369] : memref<96xf32, #tpu.memory_space<vmem>>[vector<16xi32>], vector<16xf32>,
        %gather3A_371 = tpu.vector_load_idx %arg11[%gather3A_369] : memref<96xf32, #tpu.memory_space<vmem>>[vector<16xi32>], vector<16xf32>,
        %bitcast3A = vector.bitcast %gather3A_368 : vector<16xf32> to vector<16xi32>
        %shift_right_arithmetic3A = arith.constant 1 : i32
        %shift_right_arithmetic3A_372 = vector.broadcast %shift_right_arithmetic3A : i32 to vector<16xi32>
        %shift_right_arithmetic3A_373 = arith.shrsi %bitcast3A, %shift_right_arithmetic3A_372 : vector<16xi32>
        %sub3A_374 = arith.constant 1597463007 : i32
        %sub3A_375 = vector.broadcast %sub3A_374 : i32 to vector<16xi32>
        %sub3A_376 = arith.subi %sub3A_375, %shift_right_arithmetic3A_373 : vector<16xi32>
        %bitcast3A_377 = vector.bitcast %sub3A_376 : vector<16xi32> to vector<16xf32>
        %mul3A_378 = arith.constant 5.000000e-01 : f32
        %mul3A_379 = vector.broadcast %mul3A_378 : f32 to vector<16xf32>
        %mul3A_380 = arith.mulf %mul3A_379, %gather3A_368 : vector<16xf32>
        %mul3A_381 = arith.mulf %mul3A_380, %bitcast3A_377 : vector<16xf32>
        %mul3A_382 = arith.mulf %mul3A_381, %bitcast3A_377 : vector<16xf32>
        %sub3A_383 = arith.constant 1.500000e+00 : f32
        %sub3A_384 = vector.broadcast %sub3A_383 : f32 to vector<16xf32>
        %sub3A_385 = arith.subf %sub3A_384, %mul3A_382 : vector<16xf32>
        %mul3A_386 = arith.mulf %bitcast3A_377, %sub3A_385 : vector<16xf32>
        %mul3A_387 = arith.mulf %mul3A_380, %mul3A_386 : vector<16xf32>
        %mul3A_388 = arith.mulf %mul3A_387, %mul3A_386 : vector<16xf32>
        %sub3A_389 = arith.constant 1.500000e+00 : f32
        %sub3A_390 = vector.broadcast %sub3A_389 : f32 to vector<16xf32>
        %sub3A_391 = arith.subf %sub3A_390, %mul3A_388 : vector<16xf32>
        %mul3A_392 = arith.mulf %mul3A_386, %sub3A_391 : vector<16xf32>
        %mul3A_393 = arith.mulf %neg3A_198, %gather3A_370 : vector<16xf32>
        %mul3A_394 = arith.mulf %gather3A_368, %gather3A_368 : vector<16xf32>
        %mul3A_395 = arith.mulf %mul3A_394, %mul3A_392 : vector<16xf32>
        %mul3A_396 = arith.mulf %mul3A_393, %mul3A_395 : vector<16xf32>
        %exp3A = math.exp %mul3A_396 : vector<16xf32>
        %mul3A_397 = arith.mulf %mul3A_392, %mul3A_392 : vector<16xf32>
        %mul3A_398 = arith.mulf %gather3A_371, %mul3A_397 : vector<16xf32>
        %mul3A_399 = arith.mulf %exp3A, %mul3A_398 : vector<16xf32>
        %add3A_400 = arith.addf %scan3A_364, %mul3A_399 : vector<16xf32>
        scf.yield %add3A_400 : vector<16xf32>
      }
      %scan3A_236 = arith.constant 64 : i32
      %mul3A_237 = arith.mulf %scan3A_235, %gather3A_196 : vector<16xf32>
      tpu.vector_store_idx %arg15[%iota3A, %gather3A_221], %mul3A_237 {add = true} : memref<16x1008xf32, #tpu.memory_space<vmem>>[vector<16xi32>, vector<16xi32>], vector<16xf32>,
      %add3A_238 = arith.constant 16 : i32
      %add3A_239 = arith.addi %mul3A_177, %add3A_238 : i32
      %add3A_240 = vector.broadcast %add3A_239 : i32 to vector<16xi32>
      %add3A_241 = arith.addi %add3A_240, %iota3A : vector<16xi32>
      %gather3A_242 = tpu.vector_load_idx %arg8[%add3A_241] : memref<100008xi32, #tpu.memory_space<vmem>>[vector<16xi32>], vector<16xi32>,
      %gather3A_243 = tpu.vector_load_idx %arg10[%gather3A_242] : memref<96xf32, #tpu.memory_space<vmem>>[vector<16xi32>], vector<16xf32>,
      %gather3A_244 = tpu.vector_load_idx %arg11[%gather3A_242] : memref<96xf32, #tpu.memory_space<vmem>>[vector<16xi32>], vector<16xf32>,
      %neg3A_245 = arith.constant 0.000000e+00 : f32
      %neg3A_246 = vector.broadcast %neg3A_245 : f32 to vector<16xf32>
      %neg3A_247 = arith.subf %neg3A_246, %gather3A_243 : vector<16xf32>
      %jit3A_248 = arith.constant 64 : i32
      %div3A_249 = arith.divsi %mul3A_179, %jit3A_248 : i32
      %sign3A_250 = arith.constant 0 : i32
      %sign3A_251 = arith.cmpi sgt, %mul3A_179, %sign3A_250 : i32
      %sign3A_252 = arith.extui %sign3A_251 : i1 to i32
      %sign3A_253 = arith.constant 0 : i32
      %sign3A_254 = arith.cmpi slt, %mul3A_179, %sign3A_253 : i32
      %sign3A_255 = arith.extui %sign3A_254 : i1 to i32
      %sign3A_256 = arith.subi %sign3A_252, %sign3A_255 : i32
      %sign3A_257 = arith.constant 0 : i32
      %sign3A_258 = arith.cmpi sgt, %jit3A_248, %sign3A_257 : i32
      %sign3A_259 = arith.extui %sign3A_258 : i1 to i32
      %sign3A_260 = arith.constant 0 : i32
      %sign3A_261 = arith.cmpi slt, %jit3A_248, %sign3A_260 : i32
      %sign3A_262 = arith.extui %sign3A_261 : i1 to i32
      %sign3A_263 = arith.subi %sign3A_259, %sign3A_262 : i32
      %ne3A_264 = arith.cmpi ne, %sign3A_256, %sign3A_263 : i32
      %rem3A_265 = arith.remsi %mul3A_179, %jit3A_248 : i32
      %ne3A_266 = arith.constant 0 : i32
      %ne3A_267 = arith.cmpi ne, %rem3A_265, %ne3A_266 : i32
      %and3A_268 = arith.andi %ne3A_264, %ne3A_267 : i1
      %sub3A_269 = arith.constant 1 : i32
      %sub3A_270 = arith.subi %div3A_249, %sub3A_269 : i32
      %select_n3A_271 = arith.select %and3A_268, %sub3A_270, %div3A_249 : i32
      %add3A_272 = arith.constant 16 : i32
      %add3A_273 = arith.addi %select_n3A_271, %add3A_272 : i32
      %add3A_274 = vector.broadcast %add3A_273 : i32 to vector<16xi32>
      %add3A_275 = arith.addi %add3A_274, %iota3A : vector<16xi32>
      %gather3A_276 = tpu.vector_load_idx %arg14[%add3A_275] : memref<96xi32, #tpu.memory_space<vmem>>[vector<16xi32>], vector<16xi32>,
      %add3A_277 = arith.constant 1024 : i32
      %add3A_278 = arith.addi %mul3A_179, %add3A_277 : i32
      %mul3A_279 = arith.constant 64 : i32
      %mul3A_280 = vector.broadcast %mul3A_279 : i32 to vector<16xi32>
      %mul3A_281 = arith.muli %iota3A, %mul3A_280 : vector<16xi32>
      %add3A_282 = vector.broadcast %add3A_278 : i32 to vector<16xi32>
      %add3A_283 = arith.addi %add3A_282, %mul3A_281 : vector<16xi32>
      %broadcast_in_dim3A_284 = arith.constant 0.000000e+00 : f32
      %broadcast_in_dim3A_285 = vector.broadcast %broadcast_in_dim3A_284 : f32 to vector<16xf32>
      %scan3A_286 = arith.constant 0 : i32
      %scan3A_287 = arith.constant 64 : i32
      %scan3A_288 = arith.addi %scan3A_286, %scan3A_287 : i32
      %scan3A_289 = arith.constant 1 : i32
      %scan3A_290 = scf.for %scan3A_363 = %scan3A_286 to %scan3A_288 step %scan3A_289 iter_args(%scan3A_364 = %broadcast_in_dim3A_285) -> (vector<16xf32>)  : i32 {
        %add3A_365 = vector.broadcast %scan3A_363 : i32 to vector<16xi32>
        %add3A_366 = arith.addi %add3A_283, %add3A_365 : vector<16xi32>
        %gather3A_367 = tpu.vector_load_idx %arg12[%add3A_366] : memref<6144xi32, #tpu.memory_space<vmem>>[vector<16xi32>], vector<16xi32>,
        %gather3A_368 = tpu.vector_load_idx %arg13[%add3A_366] : memref<6144xf32, #tpu.memory_space<vmem>>[vector<16xi32>], vector<16xf32>,
        %gather3A_369 = tpu.vector_load_idx %arg8[%gather3A_367] : memref<100008xi32, #tpu.memory_space<vmem>>[vector<16xi32>], vector<16xi32>,
        %gather3A_370 = tpu.vector_load_idx %arg10[%gather3A_369] : memref<96xf32, #tpu.memory_space<vmem>>[vector<16xi32>], vector<16xf32>,
        %gather3A_371 = tpu.vector_load_idx %arg11[%gather3A_369] : memref<96xf32, #tpu.memory_space<vmem>>[vector<16xi32>], vector<16xf32>,
        %bitcast3A = vector.bitcast %gather3A_368 : vector<16xf32> to vector<16xi32>
        %shift_right_arithmetic3A = arith.constant 1 : i32
        %shift_right_arithmetic3A_372 = vector.broadcast %shift_right_arithmetic3A : i32 to vector<16xi32>
        %shift_right_arithmetic3A_373 = arith.shrsi %bitcast3A, %shift_right_arithmetic3A_372 : vector<16xi32>
        %sub3A_374 = arith.constant 1597463007 : i32
        %sub3A_375 = vector.broadcast %sub3A_374 : i32 to vector<16xi32>
        %sub3A_376 = arith.subi %sub3A_375, %shift_right_arithmetic3A_373 : vector<16xi32>
        %bitcast3A_377 = vector.bitcast %sub3A_376 : vector<16xi32> to vector<16xf32>
        %mul3A_378 = arith.constant 5.000000e-01 : f32
        %mul3A_379 = vector.broadcast %mul3A_378 : f32 to vector<16xf32>
        %mul3A_380 = arith.mulf %mul3A_379, %gather3A_368 : vector<16xf32>
        %mul3A_381 = arith.mulf %mul3A_380, %bitcast3A_377 : vector<16xf32>
        %mul3A_382 = arith.mulf %mul3A_381, %bitcast3A_377 : vector<16xf32>
        %sub3A_383 = arith.constant 1.500000e+00 : f32
        %sub3A_384 = vector.broadcast %sub3A_383 : f32 to vector<16xf32>
        %sub3A_385 = arith.subf %sub3A_384, %mul3A_382 : vector<16xf32>
        %mul3A_386 = arith.mulf %bitcast3A_377, %sub3A_385 : vector<16xf32>
        %mul3A_387 = arith.mulf %mul3A_380, %mul3A_386 : vector<16xf32>
        %mul3A_388 = arith.mulf %mul3A_387, %mul3A_386 : vector<16xf32>
        %sub3A_389 = arith.constant 1.500000e+00 : f32
        %sub3A_390 = vector.broadcast %sub3A_389 : f32 to vector<16xf32>
        %sub3A_391 = arith.subf %sub3A_390, %mul3A_388 : vector<16xf32>
        %mul3A_392 = arith.mulf %mul3A_386, %sub3A_391 : vector<16xf32>
        %mul3A_393 = arith.mulf %neg3A_247, %gather3A_370 : vector<16xf32>
        %mul3A_394 = arith.mulf %gather3A_368, %gather3A_368 : vector<16xf32>
        %mul3A_395 = arith.mulf %mul3A_394, %mul3A_392 : vector<16xf32>
        %mul3A_396 = arith.mulf %mul3A_393, %mul3A_395 : vector<16xf32>
        %exp3A = math.exp %mul3A_396 : vector<16xf32>
        %mul3A_397 = arith.mulf %mul3A_392, %mul3A_392 : vector<16xf32>
        %mul3A_398 = arith.mulf %gather3A_371, %mul3A_397 : vector<16xf32>
        %mul3A_399 = arith.mulf %exp3A, %mul3A_398 : vector<16xf32>
        %add3A_400 = arith.addf %scan3A_364, %mul3A_399 : vector<16xf32>
        scf.yield %add3A_400 : vector<16xf32>
      }
      %scan3A_291 = arith.constant 64 : i32
      %mul3A_292 = arith.mulf %scan3A_290, %gather3A_244 : vector<16xf32>
      tpu.vector_store_idx %arg15[%iota3A, %gather3A_276], %mul3A_292 {add = true} : memref<16x1008xf32, #tpu.memory_space<vmem>>[vector<16xi32>, vector<16xi32>], vector<16xf32>,
      %add3A_293 = arith.constant 32 : i32
      %add3A_294 = arith.addi %mul3A_177, %add3A_293 : i32
      %add3A_295 = vector.broadcast %add3A_294 : i32 to vector<16xi32>
      %add3A_296 = arith.addi %add3A_295, %iota3A : vector<16xi32>
      %gather3A_297 = tpu.vector_load_idx %arg8[%add3A_296] : memref<100008xi32, #tpu.memory_space<vmem>>[vector<16xi32>], vector<16xi32>,
      %gather3A_298 = tpu.vector_load_idx %arg10[%gather3A_297] : memref<96xf32, #tpu.memory_space<vmem>>[vector<16xi32>], vector<16xf32>,
      %gather3A_299 = tpu.vector_load_idx %arg11[%gather3A_297] : memref<96xf32, #tpu.memory_space<vmem>>[vector<16xi32>], vector<16xf32>,
      %neg3A_300 = arith.constant 0.000000e+00 : f32
      %neg3A_301 = vector.broadcast %neg3A_300 : f32 to vector<16xf32>
      %neg3A_302 = arith.subf %neg3A_301, %gather3A_298 : vector<16xf32>
      %jit3A_303 = arith.constant 64 : i32
      %div3A_304 = arith.divsi %mul3A_179, %jit3A_303 : i32
      %sign3A_305 = arith.constant 0 : i32
      %sign3A_306 = arith.cmpi sgt, %mul3A_179, %sign3A_305 : i32
      %sign3A_307 = arith.extui %sign3A_306 : i1 to i32
      %sign3A_308 = arith.constant 0 : i32
      %sign3A_309 = arith.cmpi slt, %mul3A_179, %sign3A_308 : i32
      %sign3A_310 = arith.extui %sign3A_309 : i1 to i32
      %sign3A_311 = arith.subi %sign3A_307, %sign3A_310 : i32
      %sign3A_312 = arith.constant 0 : i32
      %sign3A_313 = arith.cmpi sgt, %jit3A_303, %sign3A_312 : i32
      %sign3A_314 = arith.extui %sign3A_313 : i1 to i32
      %sign3A_315 = arith.constant 0 : i32
      %sign3A_316 = arith.cmpi slt, %jit3A_303, %sign3A_315 : i32
      %sign3A_317 = arith.extui %sign3A_316 : i1 to i32
      %sign3A_318 = arith.subi %sign3A_314, %sign3A_317 : i32
      %ne3A_319 = arith.cmpi ne, %sign3A_311, %sign3A_318 : i32
      %rem3A_320 = arith.remsi %mul3A_179, %jit3A_303 : i32
      %ne3A_321 = arith.constant 0 : i32
      %ne3A_322 = arith.cmpi ne, %rem3A_320, %ne3A_321 : i32
      %and3A_323 = arith.andi %ne3A_319, %ne3A_322 : i1
      %sub3A_324 = arith.constant 1 : i32
      %sub3A_325 = arith.subi %div3A_304, %sub3A_324 : i32
      %select_n3A_326 = arith.select %and3A_323, %sub3A_325, %div3A_304 : i32
      %add3A_327 = arith.constant 32 : i32
      %add3A_328 = arith.addi %select_n3A_326, %add3A_327 : i32
      %add3A_329 = vector.broadcast %add3A_328 : i32 to vector<16xi32>
      %add3A_330 = arith.addi %add3A_329, %iota3A : vector<16xi32>
      %gather3A_331 = tpu.vector_load_idx %arg14[%add3A_330] : memref<96xi32, #tpu.memory_space<vmem>>[vector<16xi32>], vector<16xi32>,
      %add3A_332 = arith.constant 2048 : i32
      %add3A_333 = arith.addi %mul3A_179, %add3A_332 : i32
      %mul3A_334 = arith.constant 64 : i32
      %mul3A_335 = vector.broadcast %mul3A_334 : i32 to vector<16xi32>
      %mul3A_336 = arith.muli %iota3A, %mul3A_335 : vector<16xi32>
      %add3A_337 = vector.broadcast %add3A_333 : i32 to vector<16xi32>
      %add3A_338 = arith.addi %add3A_337, %mul3A_336 : vector<16xi32>
      %broadcast_in_dim3A_339 = arith.constant 0.000000e+00 : f32
      %broadcast_in_dim3A_340 = vector.broadcast %broadcast_in_dim3A_339 : f32 to vector<16xf32>
      %scan3A_341 = arith.constant 0 : i32
      %scan3A_342 = arith.constant 64 : i32
      %scan3A_343 = arith.addi %scan3A_341, %scan3A_342 : i32
      %scan3A_344 = arith.constant 1 : i32
      %scan3A_345 = scf.for %scan3A_363 = %scan3A_341 to %scan3A_343 step %scan3A_344 iter_args(%scan3A_364 = %broadcast_in_dim3A_340) -> (vector<16xf32>)  : i32 {
        %add3A_365 = vector.broadcast %scan3A_363 : i32 to vector<16xi32>
        %add3A_366 = arith.addi %add3A_338, %add3A_365 : vector<16xi32>
        %gather3A_367 = tpu.vector_load_idx %arg12[%add3A_366] : memref<6144xi32, #tpu.memory_space<vmem>>[vector<16xi32>], vector<16xi32>,
        %gather3A_368 = tpu.vector_load_idx %arg13[%add3A_366] : memref<6144xf32, #tpu.memory_space<vmem>>[vector<16xi32>], vector<16xf32>,
        %gather3A_369 = tpu.vector_load_idx %arg8[%gather3A_367] : memref<100008xi32, #tpu.memory_space<vmem>>[vector<16xi32>], vector<16xi32>,
        %gather3A_370 = tpu.vector_load_idx %arg10[%gather3A_369] : memref<96xf32, #tpu.memory_space<vmem>>[vector<16xi32>], vector<16xf32>,
        %gather3A_371 = tpu.vector_load_idx %arg11[%gather3A_369] : memref<96xf32, #tpu.memory_space<vmem>>[vector<16xi32>], vector<16xf32>,
        %bitcast3A = vector.bitcast %gather3A_368 : vector<16xf32> to vector<16xi32>
        %shift_right_arithmetic3A = arith.constant 1 : i32
        %shift_right_arithmetic3A_372 = vector.broadcast %shift_right_arithmetic3A : i32 to vector<16xi32>
        %shift_right_arithmetic3A_373 = arith.shrsi %bitcast3A, %shift_right_arithmetic3A_372 : vector<16xi32>
        %sub3A_374 = arith.constant 1597463007 : i32
        %sub3A_375 = vector.broadcast %sub3A_374 : i32 to vector<16xi32>
        %sub3A_376 = arith.subi %sub3A_375, %shift_right_arithmetic3A_373 : vector<16xi32>
        %bitcast3A_377 = vector.bitcast %sub3A_376 : vector<16xi32> to vector<16xf32>
        %mul3A_378 = arith.constant 5.000000e-01 : f32
        %mul3A_379 = vector.broadcast %mul3A_378 : f32 to vector<16xf32>
        %mul3A_380 = arith.mulf %mul3A_379, %gather3A_368 : vector<16xf32>
        %mul3A_381 = arith.mulf %mul3A_380, %bitcast3A_377 : vector<16xf32>
        %mul3A_382 = arith.mulf %mul3A_381, %bitcast3A_377 : vector<16xf32>
        %sub3A_383 = arith.constant 1.500000e+00 : f32
        %sub3A_384 = vector.broadcast %sub3A_383 : f32 to vector<16xf32>
        %sub3A_385 = arith.subf %sub3A_384, %mul3A_382 : vector<16xf32>
        %mul3A_386 = arith.mulf %bitcast3A_377, %sub3A_385 : vector<16xf32>
        %mul3A_387 = arith.mulf %mul3A_380, %mul3A_386 : vector<16xf32>
        %mul3A_388 = arith.mulf %mul3A_387, %mul3A_386 : vector<16xf32>
        %sub3A_389 = arith.constant 1.500000e+00 : f32
        %sub3A_390 = vector.broadcast %sub3A_389 : f32 to vector<16xf32>
        %sub3A_391 = arith.subf %sub3A_390, %mul3A_388 : vector<16xf32>
        %mul3A_392 = arith.mulf %mul3A_386, %sub3A_391 : vector<16xf32>
        %mul3A_393 = arith.mulf %neg3A_302, %gather3A_370 : vector<16xf32>
        %mul3A_394 = arith.mulf %gather3A_368, %gather3A_368 : vector<16xf32>
        %mul3A_395 = arith.mulf %mul3A_394, %mul3A_392 : vector<16xf32>
        %mul3A_396 = arith.mulf %mul3A_393, %mul3A_395 : vector<16xf32>
        %exp3A = math.exp %mul3A_396 : vector<16xf32>
        %mul3A_397 = arith.mulf %mul3A_392, %mul3A_392 : vector<16xf32>
        %mul3A_398 = arith.mulf %gather3A_371, %mul3A_397 : vector<16xf32>
        %mul3A_399 = arith.mulf %exp3A, %mul3A_398 : vector<16xf32>
        %add3A_400 = arith.addf %scan3A_364, %mul3A_399 : vector<16xf32>
        scf.yield %add3A_400 : vector<16xf32>
      }
      %scan3A_346 = arith.constant 64 : i32
      %mul3A_347 = arith.mulf %scan3A_345, %gather3A_299 : vector<16xf32>
      tpu.vector_store_idx %arg15[%iota3A, %gather3A_331], %mul3A_347 {add = true} : memref<16x1008xf32, #tpu.memory_space<vmem>>[vector<16xi32>, vector<16xi32>], vector<16xf32>,
      %add3A_348 = arith.constant 2 : i32
      %add3A_349 = arith.addi %while3A_174, %add3A_348 : i32
      %eq3A_350 = arith.constant 0 : i32
      %eq3A_351 = arith.cmpi eq, %and3A_175, %eq3A_350 : i32
      %lt3A = arith.cmpi slt, %add3A_349, %min3A_108 : i32
      %and3A_352 = arith.andi %eq3A_351, %lt3A : i1
      %convert_element_type3A_353 = arith.extui %and3A_352 : i1 to i32
      %cond3A_354 = arith.constant 0 : i32
      %cond3A_355 = arith.cmpi ne, %convert_element_type3A_353, %cond3A_354 : i32
      scf.if %cond3A_355 {
        %mul3A_363 = arith.constant 48 : i32
        %mul3A_364 = arith.muli %add3A_349, %mul3A_363 : i32
        %mul3A_365 = arith.constant 64 : i32
        %mul3A_366 = arith.muli %mul3A_364, %mul3A_365 : i32
        %dma_start3A_367 = arith.constant 0 : i32
        %dma_start3A_368 = tpu.memref_slice %arg12[%dma_start3A_367] : memref<6144xi32, #tpu.memory_space<vmem>> -> memref<3072xi32, #tpu.memory_space<vmem>>
        %dma_start3A_369 = tpu.memref_slice %arg4[%mul3A_366] : memref<6400000xi32, #tpu.memory_space<hbm>> -> memref<3072xi32, #tpu.memory_space<hbm>>
        %dma_start3A_370 = arith.constant 0 : i32
        %dma_start3A_371 = tpu.memref_slice %arg12[%dma_start3A_370] : memref<6144xi32, #tpu.memory_space<vmem>> -> memref<3072xi32, #tpu.memory_space<vmem>>
        %dma_start3A_372 = tpu.memref_slice %arg4[%mul3A_366] : memref<6400000xi32, #tpu.memory_space<hbm>> -> memref<3072xi32, #tpu.memory_space<hbm>>
        tpu.enqueue_dma source(%dma_start3A_372 : memref<3072xi32, #tpu.memory_space<hbm>>) target(%dma_start3A_371 : memref<3072xi32, #tpu.memory_space<vmem>>) target_semaphore(%arg16 : memref<!tpu.dma_semaphore, #tpu.memory_space<semaphore_mem>>)
        %mul3A_373 = arith.constant 64 : i32
        %mul3A_374 = arith.muli %mul3A_364, %mul3A_373 : i32
        %dma_start3A_375 = arith.constant 0 : i32
        %dma_start3A_376 = tpu.memref_slice %arg13[%dma_start3A_375] : memref<6144xf32, #tpu.memory_space<vmem>> -> memref<3072xf32, #tpu.memory_space<vmem>>
        %dma_start3A_377 = tpu.memref_slice %arg5[%mul3A_374] : memref<6400000xf32, #tpu.memory_space<hbm>> -> memref<3072xf32, #tpu.memory_space<hbm>>
        %dma_start3A_378 = arith.constant 0 : i32
        %dma_start3A_379 = tpu.memref_slice %arg13[%dma_start3A_378] : memref<6144xf32, #tpu.memory_space<vmem>> -> memref<3072xf32, #tpu.memory_space<vmem>>
        %dma_start3A_380 = tpu.memref_slice %arg5[%mul3A_374] : memref<6400000xf32, #tpu.memory_space<hbm>> -> memref<3072xf32, #tpu.memory_space<hbm>>
        tpu.enqueue_dma source(%dma_start3A_380 : memref<3072xf32, #tpu.memory_space<hbm>>) target(%dma_start3A_379 : memref<3072xf32, #tpu.memory_space<vmem>>) target_semaphore(%arg16 : memref<!tpu.dma_semaphore, #tpu.memory_space<semaphore_mem>>)
        %dma_start3A_381 = arith.constant 0 : i32
        %dma_start3A_382 = tpu.memref_slice %arg14[%dma_start3A_381] : memref<96xi32, #tpu.memory_space<vmem>> -> memref<48xi32, #tpu.memory_space<vmem>>
        %dma_start3A_383 = tpu.memref_slice %arg6[%mul3A_364] : memref<100000xi32, #tpu.memory_space<hbm>> -> memref<48xi32, #tpu.memory_space<hbm>>
        %dma_start3A_384 = arith.constant 0 : i32
        %dma_start3A_385 = tpu.memref_slice %arg14[%dma_start3A_384] : memref<96xi32, #tpu.memory_space<vmem>> -> memref<48xi32, #tpu.memory_space<vmem>>
        %dma_start3A_386 = tpu.memref_slice %arg6[%mul3A_364] : memref<100000xi32, #tpu.memory_space<hbm>> -> memref<48xi32, #tpu.memory_space<hbm>>
        tpu.enqueue_dma source(%dma_start3A_386 : memref<48xi32, #tpu.memory_space<hbm>>) target(%dma_start3A_385 : memref<48xi32, #tpu.memory_space<vmem>>) target_semaphore(%arg16 : memref<!tpu.dma_semaphore, #tpu.memory_space<semaphore_mem>>)
      } else {
      }
      %eq3A_356 = arith.constant 1 : i32
      %eq3A_357 = arith.cmpi eq, %and3A_175, %eq3A_356 : i32
      %lt3A_358 = arith.cmpi slt, %add3A_349, %min3A_108 : i32
      %and3A_359 = arith.andi %eq3A_357, %lt3A_358 : i1
      %convert_element_type3A_360 = arith.extui %and3A_359 : i1 to i32
      %cond3A_361 = arith.constant 0 : i32
      %cond3A_362 = arith.cmpi ne, %convert_element_type3A_360, %cond3A_361 : i32
      scf.if %cond3A_362 {
        %mul3A_363 = arith.constant 48 : i32
        %mul3A_364 = arith.muli %add3A_349, %mul3A_363 : i32
        %mul3A_365 = arith.constant 64 : i32
        %mul3A_366 = arith.muli %mul3A_364, %mul3A_365 : i32
        %dma_start3A_367 = arith.constant 3072 : i32
        %dma_start3A_368 = tpu.memref_slice %arg12[%dma_start3A_367] : memref<6144xi32, #tpu.memory_space<vmem>> -> memref<3072xi32, #tpu.memory_space<vmem>>
        %dma_start3A_369 = tpu.memref_slice %arg4[%mul3A_366] : memref<6400000xi32, #tpu.memory_space<hbm>> -> memref<3072xi32, #tpu.memory_space<hbm>>
        %dma_start3A_370 = arith.constant 3072 : i32
        %dma_start3A_371 = tpu.memref_slice %arg12[%dma_start3A_370] : memref<6144xi32, #tpu.memory_space<vmem>> -> memref<3072xi32, #tpu.memory_space<vmem>>
        %dma_start3A_372 = tpu.memref_slice %arg4[%mul3A_366] : memref<6400000xi32, #tpu.memory_space<hbm>> -> memref<3072xi32, #tpu.memory_space<hbm>>
        tpu.enqueue_dma source(%dma_start3A_372 : memref<3072xi32, #tpu.memory_space<hbm>>) target(%dma_start3A_371 : memref<3072xi32, #tpu.memory_space<vmem>>) target_semaphore(%arg17 : memref<!tpu.dma_semaphore, #tpu.memory_space<semaphore_mem>>)
        %mul3A_373 = arith.constant 64 : i32
        %mul3A_374 = arith.muli %mul3A_364, %mul3A_373 : i32
        %dma_start3A_375 = arith.constant 3072 : i32
        %dma_start3A_376 = tpu.memref_slice %arg13[%dma_start3A_375] : memref<6144xf32, #tpu.memory_space<vmem>> -> memref<3072xf32, #tpu.memory_space<vmem>>
        %dma_start3A_377 = tpu.memref_slice %arg5[%mul3A_374] : memref<6400000xf32, #tpu.memory_space<hbm>> -> memref<3072xf32, #tpu.memory_space<hbm>>
        %dma_start3A_378 = arith.constant 3072 : i32
        %dma_start3A_379 = tpu.memref_slice %arg13[%dma_start3A_378] : memref<6144xf32, #tpu.memory_space<vmem>> -> memref<3072xf32, #tpu.memory_space<vmem>>
        %dma_start3A_380 = tpu.memref_slice %arg5[%mul3A_374] : memref<6400000xf32, #tpu.memory_space<hbm>> -> memref<3072xf32, #tpu.memory_space<hbm>>
        tpu.enqueue_dma source(%dma_start3A_380 : memref<3072xf32, #tpu.memory_space<hbm>>) target(%dma_start3A_379 : memref<3072xf32, #tpu.memory_space<vmem>>) target_semaphore(%arg17 : memref<!tpu.dma_semaphore, #tpu.memory_space<semaphore_mem>>)
        %dma_start3A_381 = arith.constant 48 : i32
        %dma_start3A_382 = tpu.memref_slice %arg14[%dma_start3A_381] : memref<96xi32, #tpu.memory_space<vmem>> -> memref<48xi32, #tpu.memory_space<vmem>>
        %dma_start3A_383 = tpu.memref_slice %arg6[%mul3A_364] : memref<100000xi32, #tpu.memory_space<hbm>> -> memref<48xi32, #tpu.memory_space<hbm>>
        %dma_start3A_384 = arith.constant 48 : i32
        %dma_start3A_385 = tpu.memref_slice %arg14[%dma_start3A_384] : memref<96xi32, #tpu.memory_space<vmem>> -> memref<48xi32, #tpu.memory_space<vmem>>
        %dma_start3A_386 = tpu.memref_slice %arg6[%mul3A_364] : memref<100000xi32, #tpu.memory_space<hbm>> -> memref<48xi32, #tpu.memory_space<hbm>>
        tpu.enqueue_dma source(%dma_start3A_386 : memref<48xi32, #tpu.memory_space<hbm>>) target(%dma_start3A_385 : memref<48xi32, #tpu.memory_space<vmem>>) target_semaphore(%arg17 : memref<!tpu.dma_semaphore, #tpu.memory_space<semaphore_mem>>)
      } else {
      }
    }
    %while3A_165 = arith.constant 1 : i32
    scf.for %while3A_174 = %while3A_163 to %while3A_159 step %while3A_165  : i32 {
      %sub3A = arith.subi %while3A_174, %min3A : i32
      %and3A = arith.constant 1 : i32
      %and3A_175 = arith.andi %sub3A, %and3A : i32
      %mul3A_176 = arith.constant 48 : i32
      %mul3A_177 = arith.muli %while3A_174, %mul3A_176 : i32
      %mul3A_178 = arith.constant 3072 : i32
      %mul3A_179 = arith.muli %and3A_175, %mul3A_178 : i32
      %eq3A_180 = arith.constant 0 : i32
      %eq3A_181 = arith.cmpi eq, %and3A_175, %eq3A_180 : i32
      %convert_element_type3A_182 = arith.extui %eq3A_181 : i1 to i32
      %cond3A_183 = arith.constant 0 : i32
      %cond3A_184 = arith.cmpi ne, %convert_element_type3A_182, %cond3A_183 : i32
      scf.if %cond3A_184 {
        %dma_wait3A = arith.constant 0 : i32
        %dma_wait3A_363 = tpu.memref_slice %arg12[%dma_wait3A] : memref<6144xi32, #tpu.memory_space<vmem>> -> memref<3072xi32, #tpu.memory_space<vmem>>
        %dma_wait3A_364 = arith.constant 0 : i32
        %dma_wait3A_365 = tpu.memref_slice %arg4[%dma_wait3A_364] : memref<6400000xi32, #tpu.memory_space<hbm>> -> memref<3072xi32, #tpu.memory_space<hbm>>
        %dma_wait3A_366 = arith.constant 0 : i32
        %dma_wait3A_367 = tpu.memref_slice %arg12[%dma_wait3A_366] : memref<6144xi32, #tpu.memory_space<vmem>> -> memref<3072xi32, #tpu.memory_space<vmem>>
        %dma_wait3A_368 = arith.constant 0 : i32
        %dma_wait3A_369 = tpu.memref_slice %arg4[%dma_wait3A_368] : memref<6400000xi32, #tpu.memory_space<hbm>> -> memref<3072xi32, #tpu.memory_space<hbm>>
        tpu.wait_dma2 semaphore(%arg16 : memref<!tpu.dma_semaphore, #tpu.memory_space<semaphore_mem>>) src(%dma_wait3A_369 : memref<3072xi32, #tpu.memory_space<hbm>>) dst(%dma_wait3A_367 : memref<3072xi32, #tpu.memory_space<vmem>>)
        %dma_wait3A_370 = arith.constant 0 : i32
        %dma_wait3A_371 = tpu.memref_slice %arg13[%dma_wait3A_370] : memref<6144xf32, #tpu.memory_space<vmem>> -> memref<3072xf32, #tpu.memory_space<vmem>>
        %dma_wait3A_372 = arith.constant 0 : i32
        %dma_wait3A_373 = tpu.memref_slice %arg5[%dma_wait3A_372] : memref<6400000xf32, #tpu.memory_space<hbm>> -> memref<3072xf32, #tpu.memory_space<hbm>>
        %dma_wait3A_374 = arith.constant 0 : i32
        %dma_wait3A_375 = tpu.memref_slice %arg13[%dma_wait3A_374] : memref<6144xf32, #tpu.memory_space<vmem>> -> memref<3072xf32, #tpu.memory_space<vmem>>
        %dma_wait3A_376 = arith.constant 0 : i32
        %dma_wait3A_377 = tpu.memref_slice %arg5[%dma_wait3A_376] : memref<6400000xf32, #tpu.memory_space<hbm>> -> memref<3072xf32, #tpu.memory_space<hbm>>
        tpu.wait_dma2 semaphore(%arg16 : memref<!tpu.dma_semaphore, #tpu.memory_space<semaphore_mem>>) src(%dma_wait3A_377 : memref<3072xf32, #tpu.memory_space<hbm>>) dst(%dma_wait3A_375 : memref<3072xf32, #tpu.memory_space<vmem>>)
        %dma_wait3A_378 = arith.constant 0 : i32
        %dma_wait3A_379 = tpu.memref_slice %arg14[%dma_wait3A_378] : memref<96xi32, #tpu.memory_space<vmem>> -> memref<48xi32, #tpu.memory_space<vmem>>
        %dma_wait3A_380 = arith.constant 0 : i32
        %dma_wait3A_381 = tpu.memref_slice %arg6[%dma_wait3A_380] : memref<100000xi32, #tpu.memory_space<hbm>> -> memref<48xi32, #tpu.memory_space<hbm>>
        %dma_wait3A_382 = arith.constant 0 : i32
        %dma_wait3A_383 = tpu.memref_slice %arg14[%dma_wait3A_382] : memref<96xi32, #tpu.memory_space<vmem>> -> memref<48xi32, #tpu.memory_space<vmem>>
        %dma_wait3A_384 = arith.constant 0 : i32
        %dma_wait3A_385 = tpu.memref_slice %arg6[%dma_wait3A_384] : memref<100000xi32, #tpu.memory_space<hbm>> -> memref<48xi32, #tpu.memory_space<hbm>>
        tpu.wait_dma2 semaphore(%arg16 : memref<!tpu.dma_semaphore, #tpu.memory_space<semaphore_mem>>) src(%dma_wait3A_385 : memref<48xi32, #tpu.memory_space<hbm>>) dst(%dma_wait3A_383 : memref<48xi32, #tpu.memory_space<vmem>>)
      } else {
      }
      %eq3A_185 = arith.constant 1 : i32
      %eq3A_186 = arith.cmpi eq, %and3A_175, %eq3A_185 : i32
      %convert_element_type3A_187 = arith.extui %eq3A_186 : i1 to i32
      %cond3A_188 = arith.constant 0 : i32
      %cond3A_189 = arith.cmpi ne, %convert_element_type3A_187, %cond3A_188 : i32
      scf.if %cond3A_189 {
        %dma_wait3A = arith.constant 3072 : i32
        %dma_wait3A_363 = tpu.memref_slice %arg12[%dma_wait3A] : memref<6144xi32, #tpu.memory_space<vmem>> -> memref<3072xi32, #tpu.memory_space<vmem>>
        %dma_wait3A_364 = arith.constant 0 : i32
        %dma_wait3A_365 = tpu.memref_slice %arg4[%dma_wait3A_364] : memref<6400000xi32, #tpu.memory_space<hbm>> -> memref<3072xi32, #tpu.memory_space<hbm>>
        %dma_wait3A_366 = arith.constant 3072 : i32
        %dma_wait3A_367 = tpu.memref_slice %arg12[%dma_wait3A_366] : memref<6144xi32, #tpu.memory_space<vmem>> -> memref<3072xi32, #tpu.memory_space<vmem>>
        %dma_wait3A_368 = arith.constant 0 : i32
        %dma_wait3A_369 = tpu.memref_slice %arg4[%dma_wait3A_368] : memref<6400000xi32, #tpu.memory_space<hbm>> -> memref<3072xi32, #tpu.memory_space<hbm>>
        tpu.wait_dma2 semaphore(%arg17 : memref<!tpu.dma_semaphore, #tpu.memory_space<semaphore_mem>>) src(%dma_wait3A_369 : memref<3072xi32, #tpu.memory_space<hbm>>) dst(%dma_wait3A_367 : memref<3072xi32, #tpu.memory_space<vmem>>)
        %dma_wait3A_370 = arith.constant 3072 : i32
        %dma_wait3A_371 = tpu.memref_slice %arg13[%dma_wait3A_370] : memref<6144xf32, #tpu.memory_space<vmem>> -> memref<3072xf32, #tpu.memory_space<vmem>>
        %dma_wait3A_372 = arith.constant 0 : i32
        %dma_wait3A_373 = tpu.memref_slice %arg5[%dma_wait3A_372] : memref<6400000xf32, #tpu.memory_space<hbm>> -> memref<3072xf32, #tpu.memory_space<hbm>>
        %dma_wait3A_374 = arith.constant 3072 : i32
        %dma_wait3A_375 = tpu.memref_slice %arg13[%dma_wait3A_374] : memref<6144xf32, #tpu.memory_space<vmem>> -> memref<3072xf32, #tpu.memory_space<vmem>>
        %dma_wait3A_376 = arith.constant 0 : i32
        %dma_wait3A_377 = tpu.memref_slice %arg5[%dma_wait3A_376] : memref<6400000xf32, #tpu.memory_space<hbm>> -> memref<3072xf32, #tpu.memory_space<hbm>>
        tpu.wait_dma2 semaphore(%arg17 : memref<!tpu.dma_semaphore, #tpu.memory_space<semaphore_mem>>) src(%dma_wait3A_377 : memref<3072xf32, #tpu.memory_space<hbm>>) dst(%dma_wait3A_375 : memref<3072xf32, #tpu.memory_space<vmem>>)
        %dma_wait3A_378 = arith.constant 48 : i32
        %dma_wait3A_379 = tpu.memref_slice %arg14[%dma_wait3A_378] : memref<96xi32, #tpu.memory_space<vmem>> -> memref<48xi32, #tpu.memory_space<vmem>>
        %dma_wait3A_380 = arith.constant 0 : i32
        %dma_wait3A_381 = tpu.memref_slice %arg6[%dma_wait3A_380] : memref<100000xi32, #tpu.memory_space<hbm>> -> memref<48xi32, #tpu.memory_space<hbm>>
        %dma_wait3A_382 = arith.constant 48 : i32
        %dma_wait3A_383 = tpu.memref_slice %arg14[%dma_wait3A_382] : memref<96xi32, #tpu.memory_space<vmem>> -> memref<48xi32, #tpu.memory_space<vmem>>
        %dma_wait3A_384 = arith.constant 0 : i32
        %dma_wait3A_385 = tpu.memref_slice %arg6[%dma_wait3A_384] : memref<100000xi32, #tpu.memory_space<hbm>> -> memref<48xi32, #tpu.memory_space<hbm>>
        tpu.wait_dma2 semaphore(%arg17 : memref<!tpu.dma_semaphore, #tpu.memory_space<semaphore_mem>>) src(%dma_wait3A_385 : memref<48xi32, #tpu.memory_space<hbm>>) dst(%dma_wait3A_383 : memref<48xi32, #tpu.memory_space<vmem>>)
      } else {
      }
      %add3A_190 = arith.constant 0 : i32
      %add3A_191 = arith.addi %mul3A_177, %add3A_190 : i32
      %add3A_192 = vector.broadcast %add3A_191 : i32 to vector<16xi32>
      %add3A_193 = arith.addi %add3A_192, %iota3A : vector<16xi32>
      %gather3A_194 = tpu.vector_load_idx %arg8[%add3A_193] : memref<100008xi32, #tpu.memory_space<vmem>>[vector<16xi32>], vector<16xi32>,
      %gather3A_195 = tpu.vector_load_idx %arg10[%gather3A_194] : memref<96xf32, #tpu.memory_space<vmem>>[vector<16xi32>], vector<16xf32>,
      %gather3A_196 = tpu.vector_load_idx %arg11[%gather3A_194] : memref<96xf32, #tpu.memory_space<vmem>>[vector<16xi32>], vector<16xf32>,
      %neg3A = arith.constant 0.000000e+00 : f32
      %neg3A_197 = vector.broadcast %neg3A : f32 to vector<16xf32>
      %neg3A_198 = arith.subf %neg3A_197, %gather3A_195 : vector<16xf32>
      %jit3A = arith.constant 64 : i32
      %div3A = arith.divsi %mul3A_179, %jit3A : i32
      %sign3A = arith.constant 0 : i32
      %sign3A_199 = arith.cmpi sgt, %mul3A_179, %sign3A : i32
      %sign3A_200 = arith.extui %sign3A_199 : i1 to i32
      %sign3A_201 = arith.constant 0 : i32
      %sign3A_202 = arith.cmpi slt, %mul3A_179, %sign3A_201 : i32
      %sign3A_203 = arith.extui %sign3A_202 : i1 to i32
      %sign3A_204 = arith.subi %sign3A_200, %sign3A_203 : i32
      %sign3A_205 = arith.constant 0 : i32
      %sign3A_206 = arith.cmpi sgt, %jit3A, %sign3A_205 : i32
      %sign3A_207 = arith.extui %sign3A_206 : i1 to i32
      %sign3A_208 = arith.constant 0 : i32
      %sign3A_209 = arith.cmpi slt, %jit3A, %sign3A_208 : i32
      %sign3A_210 = arith.extui %sign3A_209 : i1 to i32
      %sign3A_211 = arith.subi %sign3A_207, %sign3A_210 : i32
      %ne3A = arith.cmpi ne, %sign3A_204, %sign3A_211 : i32
      %rem3A = arith.remsi %mul3A_179, %jit3A : i32
      %ne3A_212 = arith.constant 0 : i32
      %ne3A_213 = arith.cmpi ne, %rem3A, %ne3A_212 : i32
      %and3A_214 = arith.andi %ne3A, %ne3A_213 : i1
      %sub3A_215 = arith.constant 1 : i32
      %sub3A_216 = arith.subi %div3A, %sub3A_215 : i32
      %select_n3A = arith.select %and3A_214, %sub3A_216, %div3A : i32
      %add3A_217 = arith.constant 0 : i32
      %add3A_218 = arith.addi %select_n3A, %add3A_217 : i32
      %add3A_219 = vector.broadcast %add3A_218 : i32 to vector<16xi32>
      %add3A_220 = arith.addi %add3A_219, %iota3A : vector<16xi32>
      %gather3A_221 = tpu.vector_load_idx %arg14[%add3A_220] : memref<96xi32, #tpu.memory_space<vmem>>[vector<16xi32>], vector<16xi32>,
      %add3A_222 = arith.constant 0 : i32
      %add3A_223 = arith.addi %mul3A_179, %add3A_222 : i32
      %mul3A_224 = arith.constant 64 : i32
      %mul3A_225 = vector.broadcast %mul3A_224 : i32 to vector<16xi32>
      %mul3A_226 = arith.muli %iota3A, %mul3A_225 : vector<16xi32>
      %add3A_227 = vector.broadcast %add3A_223 : i32 to vector<16xi32>
      %add3A_228 = arith.addi %add3A_227, %mul3A_226 : vector<16xi32>
      %broadcast_in_dim3A_229 = arith.constant 0.000000e+00 : f32
      %broadcast_in_dim3A_230 = vector.broadcast %broadcast_in_dim3A_229 : f32 to vector<16xf32>
      %scan3A_231 = arith.constant 0 : i32
      %scan3A_232 = arith.constant 64 : i32
      %scan3A_233 = arith.addi %scan3A_231, %scan3A_232 : i32
      %scan3A_234 = arith.constant 1 : i32
      %scan3A_235 = scf.for %scan3A_363 = %scan3A_231 to %scan3A_233 step %scan3A_234 iter_args(%scan3A_364 = %broadcast_in_dim3A_230) -> (vector<16xf32>)  : i32 {
        %add3A_365 = vector.broadcast %scan3A_363 : i32 to vector<16xi32>
        %add3A_366 = arith.addi %add3A_228, %add3A_365 : vector<16xi32>
        %gather3A_367 = tpu.vector_load_idx %arg12[%add3A_366] : memref<6144xi32, #tpu.memory_space<vmem>>[vector<16xi32>], vector<16xi32>,
        %gather3A_368 = tpu.vector_load_idx %arg13[%add3A_366] : memref<6144xf32, #tpu.memory_space<vmem>>[vector<16xi32>], vector<16xf32>,
        %gather3A_369 = tpu.vector_load_idx %arg8[%gather3A_367] : memref<100008xi32, #tpu.memory_space<vmem>>[vector<16xi32>], vector<16xi32>,
        %gather3A_370 = tpu.vector_load_idx %arg10[%gather3A_369] : memref<96xf32, #tpu.memory_space<vmem>>[vector<16xi32>], vector<16xf32>,
        %gather3A_371 = tpu.vector_load_idx %arg11[%gather3A_369] : memref<96xf32, #tpu.memory_space<vmem>>[vector<16xi32>], vector<16xf32>,
        %bitcast3A = vector.bitcast %gather3A_368 : vector<16xf32> to vector<16xi32>
        %shift_right_arithmetic3A = arith.constant 1 : i32
        %shift_right_arithmetic3A_372 = vector.broadcast %shift_right_arithmetic3A : i32 to vector<16xi32>
        %shift_right_arithmetic3A_373 = arith.shrsi %bitcast3A, %shift_right_arithmetic3A_372 : vector<16xi32>
        %sub3A_374 = arith.constant 1597463007 : i32
        %sub3A_375 = vector.broadcast %sub3A_374 : i32 to vector<16xi32>
        %sub3A_376 = arith.subi %sub3A_375, %shift_right_arithmetic3A_373 : vector<16xi32>
        %bitcast3A_377 = vector.bitcast %sub3A_376 : vector<16xi32> to vector<16xf32>
        %mul3A_378 = arith.constant 5.000000e-01 : f32
        %mul3A_379 = vector.broadcast %mul3A_378 : f32 to vector<16xf32>
        %mul3A_380 = arith.mulf %mul3A_379, %gather3A_368 : vector<16xf32>
        %mul3A_381 = arith.mulf %mul3A_380, %bitcast3A_377 : vector<16xf32>
        %mul3A_382 = arith.mulf %mul3A_381, %bitcast3A_377 : vector<16xf32>
        %sub3A_383 = arith.constant 1.500000e+00 : f32
        %sub3A_384 = vector.broadcast %sub3A_383 : f32 to vector<16xf32>
        %sub3A_385 = arith.subf %sub3A_384, %mul3A_382 : vector<16xf32>
        %mul3A_386 = arith.mulf %bitcast3A_377, %sub3A_385 : vector<16xf32>
        %mul3A_387 = arith.mulf %mul3A_380, %mul3A_386 : vector<16xf32>
        %mul3A_388 = arith.mulf %mul3A_387, %mul3A_386 : vector<16xf32>
        %sub3A_389 = arith.constant 1.500000e+00 : f32
        %sub3A_390 = vector.broadcast %sub3A_389 : f32 to vector<16xf32>
        %sub3A_391 = arith.subf %sub3A_390, %mul3A_388 : vector<16xf32>
        %mul3A_392 = arith.mulf %mul3A_386, %sub3A_391 : vector<16xf32>
        %mul3A_393 = arith.mulf %neg3A_198, %gather3A_370 : vector<16xf32>
        %mul3A_394 = arith.mulf %gather3A_368, %gather3A_368 : vector<16xf32>
        %mul3A_395 = arith.mulf %mul3A_394, %mul3A_392 : vector<16xf32>
        %mul3A_396 = arith.mulf %mul3A_393, %mul3A_395 : vector<16xf32>
        %exp3A = math.exp %mul3A_396 : vector<16xf32>
        %mul3A_397 = arith.mulf %mul3A_392, %mul3A_392 : vector<16xf32>
        %mul3A_398 = arith.mulf %gather3A_371, %mul3A_397 : vector<16xf32>
        %mul3A_399 = arith.mulf %exp3A, %mul3A_398 : vector<16xf32>
        %add3A_400 = arith.addf %scan3A_364, %mul3A_399 : vector<16xf32>
        scf.yield %add3A_400 : vector<16xf32>
      }
      %scan3A_236 = arith.constant 64 : i32
      %mul3A_237 = arith.mulf %scan3A_235, %gather3A_196 : vector<16xf32>
      tpu.vector_store_idx %arg15[%iota3A, %gather3A_221], %mul3A_237 {add = true} : memref<16x1008xf32, #tpu.memory_space<vmem>>[vector<16xi32>, vector<16xi32>], vector<16xf32>,
      %add3A_238 = arith.constant 16 : i32
      %add3A_239 = arith.addi %mul3A_177, %add3A_238 : i32
      %add3A_240 = vector.broadcast %add3A_239 : i32 to vector<16xi32>
      %add3A_241 = arith.addi %add3A_240, %iota3A : vector<16xi32>
      %gather3A_242 = tpu.vector_load_idx %arg8[%add3A_241] : memref<100008xi32, #tpu.memory_space<vmem>>[vector<16xi32>], vector<16xi32>,
      %gather3A_243 = tpu.vector_load_idx %arg10[%gather3A_242] : memref<96xf32, #tpu.memory_space<vmem>>[vector<16xi32>], vector<16xf32>,
      %gather3A_244 = tpu.vector_load_idx %arg11[%gather3A_242] : memref<96xf32, #tpu.memory_space<vmem>>[vector<16xi32>], vector<16xf32>,
      %neg3A_245 = arith.constant 0.000000e+00 : f32
      %neg3A_246 = vector.broadcast %neg3A_245 : f32 to vector<16xf32>
      %neg3A_247 = arith.subf %neg3A_246, %gather3A_243 : vector<16xf32>
      %jit3A_248 = arith.constant 64 : i32
      %div3A_249 = arith.divsi %mul3A_179, %jit3A_248 : i32
      %sign3A_250 = arith.constant 0 : i32
      %sign3A_251 = arith.cmpi sgt, %mul3A_179, %sign3A_250 : i32
      %sign3A_252 = arith.extui %sign3A_251 : i1 to i32
      %sign3A_253 = arith.constant 0 : i32
      %sign3A_254 = arith.cmpi slt, %mul3A_179, %sign3A_253 : i32
      %sign3A_255 = arith.extui %sign3A_254 : i1 to i32
      %sign3A_256 = arith.subi %sign3A_252, %sign3A_255 : i32
      %sign3A_257 = arith.constant 0 : i32
      %sign3A_258 = arith.cmpi sgt, %jit3A_248, %sign3A_257 : i32
      %sign3A_259 = arith.extui %sign3A_258 : i1 to i32
      %sign3A_260 = arith.constant 0 : i32
      %sign3A_261 = arith.cmpi slt, %jit3A_248, %sign3A_260 : i32
      %sign3A_262 = arith.extui %sign3A_261 : i1 to i32
      %sign3A_263 = arith.subi %sign3A_259, %sign3A_262 : i32
      %ne3A_264 = arith.cmpi ne, %sign3A_256, %sign3A_263 : i32
      %rem3A_265 = arith.remsi %mul3A_179, %jit3A_248 : i32
      %ne3A_266 = arith.constant 0 : i32
      %ne3A_267 = arith.cmpi ne, %rem3A_265, %ne3A_266 : i32
      %and3A_268 = arith.andi %ne3A_264, %ne3A_267 : i1
      %sub3A_269 = arith.constant 1 : i32
      %sub3A_270 = arith.subi %div3A_249, %sub3A_269 : i32
      %select_n3A_271 = arith.select %and3A_268, %sub3A_270, %div3A_249 : i32
      %add3A_272 = arith.constant 16 : i32
      %add3A_273 = arith.addi %select_n3A_271, %add3A_272 : i32
      %add3A_274 = vector.broadcast %add3A_273 : i32 to vector<16xi32>
      %add3A_275 = arith.addi %add3A_274, %iota3A : vector<16xi32>
      %gather3A_276 = tpu.vector_load_idx %arg14[%add3A_275] : memref<96xi32, #tpu.memory_space<vmem>>[vector<16xi32>], vector<16xi32>,
      %add3A_277 = arith.constant 1024 : i32
      %add3A_278 = arith.addi %mul3A_179, %add3A_277 : i32
      %mul3A_279 = arith.constant 64 : i32
      %mul3A_280 = vector.broadcast %mul3A_279 : i32 to vector<16xi32>
      %mul3A_281 = arith.muli %iota3A, %mul3A_280 : vector<16xi32>
      %add3A_282 = vector.broadcast %add3A_278 : i32 to vector<16xi32>
      %add3A_283 = arith.addi %add3A_282, %mul3A_281 : vector<16xi32>
      %broadcast_in_dim3A_284 = arith.constant 0.000000e+00 : f32
      %broadcast_in_dim3A_285 = vector.broadcast %broadcast_in_dim3A_284 : f32 to vector<16xf32>
      %scan3A_286 = arith.constant 0 : i32
      %scan3A_287 = arith.constant 64 : i32
      %scan3A_288 = arith.addi %scan3A_286, %scan3A_287 : i32
      %scan3A_289 = arith.constant 1 : i32
      %scan3A_290 = scf.for %scan3A_363 = %scan3A_286 to %scan3A_288 step %scan3A_289 iter_args(%scan3A_364 = %broadcast_in_dim3A_285) -> (vector<16xf32>)  : i32 {
        %add3A_365 = vector.broadcast %scan3A_363 : i32 to vector<16xi32>
        %add3A_366 = arith.addi %add3A_283, %add3A_365 : vector<16xi32>
        %gather3A_367 = tpu.vector_load_idx %arg12[%add3A_366] : memref<6144xi32, #tpu.memory_space<vmem>>[vector<16xi32>], vector<16xi32>,
        %gather3A_368 = tpu.vector_load_idx %arg13[%add3A_366] : memref<6144xf32, #tpu.memory_space<vmem>>[vector<16xi32>], vector<16xf32>,
        %gather3A_369 = tpu.vector_load_idx %arg8[%gather3A_367] : memref<100008xi32, #tpu.memory_space<vmem>>[vector<16xi32>], vector<16xi32>,
        %gather3A_370 = tpu.vector_load_idx %arg10[%gather3A_369] : memref<96xf32, #tpu.memory_space<vmem>>[vector<16xi32>], vector<16xf32>,
        %gather3A_371 = tpu.vector_load_idx %arg11[%gather3A_369] : memref<96xf32, #tpu.memory_space<vmem>>[vector<16xi32>], vector<16xf32>,
        %bitcast3A = vector.bitcast %gather3A_368 : vector<16xf32> to vector<16xi32>
        %shift_right_arithmetic3A = arith.constant 1 : i32
        %shift_right_arithmetic3A_372 = vector.broadcast %shift_right_arithmetic3A : i32 to vector<16xi32>
        %shift_right_arithmetic3A_373 = arith.shrsi %bitcast3A, %shift_right_arithmetic3A_372 : vector<16xi32>
        %sub3A_374 = arith.constant 1597463007 : i32
        %sub3A_375 = vector.broadcast %sub3A_374 : i32 to vector<16xi32>
        %sub3A_376 = arith.subi %sub3A_375, %shift_right_arithmetic3A_373 : vector<16xi32>
        %bitcast3A_377 = vector.bitcast %sub3A_376 : vector<16xi32> to vector<16xf32>
        %mul3A_378 = arith.constant 5.000000e-01 : f32
        %mul3A_379 = vector.broadcast %mul3A_378 : f32 to vector<16xf32>
        %mul3A_380 = arith.mulf %mul3A_379, %gather3A_368 : vector<16xf32>
        %mul3A_381 = arith.mulf %mul3A_380, %bitcast3A_377 : vector<16xf32>
        %mul3A_382 = arith.mulf %mul3A_381, %bitcast3A_377 : vector<16xf32>
        %sub3A_383 = arith.constant 1.500000e+00 : f32
        %sub3A_384 = vector.broadcast %sub3A_383 : f32 to vector<16xf32>
        %sub3A_385 = arith.subf %sub3A_384, %mul3A_382 : vector<16xf32>
        %mul3A_386 = arith.mulf %bitcast3A_377, %sub3A_385 : vector<16xf32>
        %mul3A_387 = arith.mulf %mul3A_380, %mul3A_386 : vector<16xf32>
        %mul3A_388 = arith.mulf %mul3A_387, %mul3A_386 : vector<16xf32>
        %sub3A_389 = arith.constant 1.500000e+00 : f32
        %sub3A_390 = vector.broadcast %sub3A_389 : f32 to vector<16xf32>
        %sub3A_391 = arith.subf %sub3A_390, %mul3A_388 : vector<16xf32>
        %mul3A_392 = arith.mulf %mul3A_386, %sub3A_391 : vector<16xf32>
        %mul3A_393 = arith.mulf %neg3A_247, %gather3A_370 : vector<16xf32>
        %mul3A_394 = arith.mulf %gather3A_368, %gather3A_368 : vector<16xf32>
        %mul3A_395 = arith.mulf %mul3A_394, %mul3A_392 : vector<16xf32>
        %mul3A_396 = arith.mulf %mul3A_393, %mul3A_395 : vector<16xf32>
        %exp3A = math.exp %mul3A_396 : vector<16xf32>
        %mul3A_397 = arith.mulf %mul3A_392, %mul3A_392 : vector<16xf32>
        %mul3A_398 = arith.mulf %gather3A_371, %mul3A_397 : vector<16xf32>
        %mul3A_399 = arith.mulf %exp3A, %mul3A_398 : vector<16xf32>
        %add3A_400 = arith.addf %scan3A_364, %mul3A_399 : vector<16xf32>
        scf.yield %add3A_400 : vector<16xf32>
      }
      %scan3A_291 = arith.constant 64 : i32
      %mul3A_292 = arith.mulf %scan3A_290, %gather3A_244 : vector<16xf32>
      tpu.vector_store_idx %arg15[%iota3A, %gather3A_276], %mul3A_292 {add = true} : memref<16x1008xf32, #tpu.memory_space<vmem>>[vector<16xi32>, vector<16xi32>], vector<16xf32>,
      %add3A_293 = arith.constant 32 : i32
      %add3A_294 = arith.addi %mul3A_177, %add3A_293 : i32
      %add3A_295 = vector.broadcast %add3A_294 : i32 to vector<16xi32>
      %add3A_296 = arith.addi %add3A_295, %iota3A : vector<16xi32>
      %gather3A_297 = tpu.vector_load_idx %arg8[%add3A_296] : memref<100008xi32, #tpu.memory_space<vmem>>[vector<16xi32>], vector<16xi32>,
      %gather3A_298 = tpu.vector_load_idx %arg10[%gather3A_297] : memref<96xf32, #tpu.memory_space<vmem>>[vector<16xi32>], vector<16xf32>,
      %gather3A_299 = tpu.vector_load_idx %arg11[%gather3A_297] : memref<96xf32, #tpu.memory_space<vmem>>[vector<16xi32>], vector<16xf32>,
      %neg3A_300 = arith.constant 0.000000e+00 : f32
      %neg3A_301 = vector.broadcast %neg3A_300 : f32 to vector<16xf32>
      %neg3A_302 = arith.subf %neg3A_301, %gather3A_298 : vector<16xf32>
      %jit3A_303 = arith.constant 64 : i32
      %div3A_304 = arith.divsi %mul3A_179, %jit3A_303 : i32
      %sign3A_305 = arith.constant 0 : i32
      %sign3A_306 = arith.cmpi sgt, %mul3A_179, %sign3A_305 : i32
      %sign3A_307 = arith.extui %sign3A_306 : i1 to i32
      %sign3A_308 = arith.constant 0 : i32
      %sign3A_309 = arith.cmpi slt, %mul3A_179, %sign3A_308 : i32
      %sign3A_310 = arith.extui %sign3A_309 : i1 to i32
      %sign3A_311 = arith.subi %sign3A_307, %sign3A_310 : i32
      %sign3A_312 = arith.constant 0 : i32
      %sign3A_313 = arith.cmpi sgt, %jit3A_303, %sign3A_312 : i32
      %sign3A_314 = arith.extui %sign3A_313 : i1 to i32
      %sign3A_315 = arith.constant 0 : i32
      %sign3A_316 = arith.cmpi slt, %jit3A_303, %sign3A_315 : i32
      %sign3A_317 = arith.extui %sign3A_316 : i1 to i32
      %sign3A_318 = arith.subi %sign3A_314, %sign3A_317 : i32
      %ne3A_319 = arith.cmpi ne, %sign3A_311, %sign3A_318 : i32
      %rem3A_320 = arith.remsi %mul3A_179, %jit3A_303 : i32
      %ne3A_321 = arith.constant 0 : i32
      %ne3A_322 = arith.cmpi ne, %rem3A_320, %ne3A_321 : i32
      %and3A_323 = arith.andi %ne3A_319, %ne3A_322 : i1
      %sub3A_324 = arith.constant 1 : i32
      %sub3A_325 = arith.subi %div3A_304, %sub3A_324 : i32
      %select_n3A_326 = arith.select %and3A_323, %sub3A_325, %div3A_304 : i32
      %add3A_327 = arith.constant 32 : i32
      %add3A_328 = arith.addi %select_n3A_326, %add3A_327 : i32
      %add3A_329 = vector.broadcast %add3A_328 : i32 to vector<16xi32>
      %add3A_330 = arith.addi %add3A_329, %iota3A : vector<16xi32>
      %gather3A_331 = tpu.vector_load_idx %arg14[%add3A_330] : memref<96xi32, #tpu.memory_space<vmem>>[vector<16xi32>], vector<16xi32>,
      %add3A_332 = arith.constant 2048 : i32
      %add3A_333 = arith.addi %mul3A_179, %add3A_332 : i32
      %mul3A_334 = arith.constant 64 : i32
      %mul3A_335 = vector.broadcast %mul3A_334 : i32 to vector<16xi32>
      %mul3A_336 = arith.muli %iota3A, %mul3A_335 : vector<16xi32>
      %add3A_337 = vector.broadcast %add3A_333 : i32 to vector<16xi32>
      %add3A_338 = arith.addi %add3A_337, %mul3A_336 : vector<16xi32>
      %broadcast_in_dim3A_339 = arith.constant 0.000000e+00 : f32
      %broadcast_in_dim3A_340 = vector.broadcast %broadcast_in_dim3A_339 : f32 to vector<16xf32>
      %scan3A_341 = arith.constant 0 : i32
      %scan3A_342 = arith.constant 64 : i32
      %scan3A_343 = arith.addi %scan3A_341, %scan3A_342 : i32
      %scan3A_344 = arith.constant 1 : i32
      %scan3A_345 = scf.for %scan3A_363 = %scan3A_341 to %scan3A_343 step %scan3A_344 iter_args(%scan3A_364 = %broadcast_in_dim3A_340) -> (vector<16xf32>)  : i32 {
        %add3A_365 = vector.broadcast %scan3A_363 : i32 to vector<16xi32>
        %add3A_366 = arith.addi %add3A_338, %add3A_365 : vector<16xi32>
        %gather3A_367 = tpu.vector_load_idx %arg12[%add3A_366] : memref<6144xi32, #tpu.memory_space<vmem>>[vector<16xi32>], vector<16xi32>,
        %gather3A_368 = tpu.vector_load_idx %arg13[%add3A_366] : memref<6144xf32, #tpu.memory_space<vmem>>[vector<16xi32>], vector<16xf32>,
        %gather3A_369 = tpu.vector_load_idx %arg8[%gather3A_367] : memref<100008xi32, #tpu.memory_space<vmem>>[vector<16xi32>], vector<16xi32>,
        %gather3A_370 = tpu.vector_load_idx %arg10[%gather3A_369] : memref<96xf32, #tpu.memory_space<vmem>>[vector<16xi32>], vector<16xf32>,
        %gather3A_371 = tpu.vector_load_idx %arg11[%gather3A_369] : memref<96xf32, #tpu.memory_space<vmem>>[vector<16xi32>], vector<16xf32>,
        %bitcast3A = vector.bitcast %gather3A_368 : vector<16xf32> to vector<16xi32>
        %shift_right_arithmetic3A = arith.constant 1 : i32
        %shift_right_arithmetic3A_372 = vector.broadcast %shift_right_arithmetic3A : i32 to vector<16xi32>
        %shift_right_arithmetic3A_373 = arith.shrsi %bitcast3A, %shift_right_arithmetic3A_372 : vector<16xi32>
        %sub3A_374 = arith.constant 1597463007 : i32
        %sub3A_375 = vector.broadcast %sub3A_374 : i32 to vector<16xi32>
        %sub3A_376 = arith.subi %sub3A_375, %shift_right_arithmetic3A_373 : vector<16xi32>
        %bitcast3A_377 = vector.bitcast %sub3A_376 : vector<16xi32> to vector<16xf32>
        %mul3A_378 = arith.constant 5.000000e-01 : f32
        %mul3A_379 = vector.broadcast %mul3A_378 : f32 to vector<16xf32>
        %mul3A_380 = arith.mulf %mul3A_379, %gather3A_368 : vector<16xf32>
        %mul3A_381 = arith.mulf %mul3A_380, %bitcast3A_377 : vector<16xf32>
        %mul3A_382 = arith.mulf %mul3A_381, %bitcast3A_377 : vector<16xf32>
        %sub3A_383 = arith.constant 1.500000e+00 : f32
        %sub3A_384 = vector.broadcast %sub3A_383 : f32 to vector<16xf32>
        %sub3A_385 = arith.subf %sub3A_384, %mul3A_382 : vector<16xf32>
        %mul3A_386 = arith.mulf %bitcast3A_377, %sub3A_385 : vector<16xf32>
        %mul3A_387 = arith.mulf %mul3A_380, %mul3A_386 : vector<16xf32>
        %mul3A_388 = arith.mulf %mul3A_387, %mul3A_386 : vector<16xf32>
        %sub3A_389 = arith.constant 1.500000e+00 : f32
        %sub3A_390 = vector.broadcast %sub3A_389 : f32 to vector<16xf32>
        %sub3A_391 = arith.subf %sub3A_390, %mul3A_388 : vector<16xf32>
        %mul3A_392 = arith.mulf %mul3A_386, %sub3A_391 : vector<16xf32>
        %mul3A_393 = arith.mulf %neg3A_302, %gather3A_370 : vector<16xf32>
        %mul3A_394 = arith.mulf %gather3A_368, %gather3A_368 : vector<16xf32>
        %mul3A_395 = arith.mulf %mul3A_394, %mul3A_392 : vector<16xf32>
        %mul3A_396 = arith.mulf %mul3A_393, %mul3A_395 : vector<16xf32>
        %exp3A = math.exp %mul3A_396 : vector<16xf32>
        %mul3A_397 = arith.mulf %mul3A_392, %mul3A_392 : vector<16xf32>
        %mul3A_398 = arith.mulf %gather3A_371, %mul3A_397 : vector<16xf32>
        %mul3A_399 = arith.mulf %exp3A, %mul3A_398 : vector<16xf32>
        %add3A_400 = arith.addf %scan3A_364, %mul3A_399 : vector<16xf32>
        scf.yield %add3A_400 : vector<16xf32>
      }
      %scan3A_346 = arith.constant 64 : i32
      %mul3A_347 = arith.mulf %scan3A_345, %gather3A_299 : vector<16xf32>
      tpu.vector_store_idx %arg15[%iota3A, %gather3A_331], %mul3A_347 {add = true} : memref<16x1008xf32, #tpu.memory_space<vmem>>[vector<16xi32>, vector<16xi32>], vector<16xf32>,
      %add3A_348 = arith.constant 2 : i32
      %add3A_349 = arith.addi %while3A_174, %add3A_348 : i32
      %eq3A_350 = arith.constant 0 : i32
      %eq3A_351 = arith.cmpi eq, %and3A_175, %eq3A_350 : i32
      %lt3A = arith.cmpi slt, %add3A_349, %min3A_108 : i32
      %and3A_352 = arith.andi %eq3A_351, %lt3A : i1
      %convert_element_type3A_353 = arith.extui %and3A_352 : i1 to i32
      %cond3A_354 = arith.constant 0 : i32
      %cond3A_355 = arith.cmpi ne, %convert_element_type3A_353, %cond3A_354 : i32
      scf.if %cond3A_355 {
        %mul3A_363 = arith.constant 48 : i32
        %mul3A_364 = arith.muli %add3A_349, %mul3A_363 : i32
        %mul3A_365 = arith.constant 64 : i32
        %mul3A_366 = arith.muli %mul3A_364, %mul3A_365 : i32
        %dma_start3A_367 = arith.constant 0 : i32
        %dma_start3A_368 = tpu.memref_slice %arg12[%dma_start3A_367] : memref<6144xi32, #tpu.memory_space<vmem>> -> memref<3072xi32, #tpu.memory_space<vmem>>
        %dma_start3A_369 = tpu.memref_slice %arg4[%mul3A_366] : memref<6400000xi32, #tpu.memory_space<hbm>> -> memref<3072xi32, #tpu.memory_space<hbm>>
        %dma_start3A_370 = arith.constant 0 : i32
        %dma_start3A_371 = tpu.memref_slice %arg12[%dma_start3A_370] : memref<6144xi32, #tpu.memory_space<vmem>> -> memref<3072xi32, #tpu.memory_space<vmem>>
        %dma_start3A_372 = tpu.memref_slice %arg4[%mul3A_366] : memref<6400000xi32, #tpu.memory_space<hbm>> -> memref<3072xi32, #tpu.memory_space<hbm>>
        tpu.enqueue_dma source(%dma_start3A_372 : memref<3072xi32, #tpu.memory_space<hbm>>) target(%dma_start3A_371 : memref<3072xi32, #tpu.memory_space<vmem>>) target_semaphore(%arg16 : memref<!tpu.dma_semaphore, #tpu.memory_space<semaphore_mem>>)
        %mul3A_373 = arith.constant 64 : i32
        %mul3A_374 = arith.muli %mul3A_364, %mul3A_373 : i32
        %dma_start3A_375 = arith.constant 0 : i32
        %dma_start3A_376 = tpu.memref_slice %arg13[%dma_start3A_375] : memref<6144xf32, #tpu.memory_space<vmem>> -> memref<3072xf32, #tpu.memory_space<vmem>>
        %dma_start3A_377 = tpu.memref_slice %arg5[%mul3A_374] : memref<6400000xf32, #tpu.memory_space<hbm>> -> memref<3072xf32, #tpu.memory_space<hbm>>
        %dma_start3A_378 = arith.constant 0 : i32
        %dma_start3A_379 = tpu.memref_slice %arg13[%dma_start3A_378] : memref<6144xf32, #tpu.memory_space<vmem>> -> memref<3072xf32, #tpu.memory_space<vmem>>
        %dma_start3A_380 = tpu.memref_slice %arg5[%mul3A_374] : memref<6400000xf32, #tpu.memory_space<hbm>> -> memref<3072xf32, #tpu.memory_space<hbm>>
        tpu.enqueue_dma source(%dma_start3A_380 : memref<3072xf32, #tpu.memory_space<hbm>>) target(%dma_start3A_379 : memref<3072xf32, #tpu.memory_space<vmem>>) target_semaphore(%arg16 : memref<!tpu.dma_semaphore, #tpu.memory_space<semaphore_mem>>)
        %dma_start3A_381 = arith.constant 0 : i32
        %dma_start3A_382 = tpu.memref_slice %arg14[%dma_start3A_381] : memref<96xi32, #tpu.memory_space<vmem>> -> memref<48xi32, #tpu.memory_space<vmem>>
        %dma_start3A_383 = tpu.memref_slice %arg6[%mul3A_364] : memref<100000xi32, #tpu.memory_space<hbm>> -> memref<48xi32, #tpu.memory_space<hbm>>
        %dma_start3A_384 = arith.constant 0 : i32
        %dma_start3A_385 = tpu.memref_slice %arg14[%dma_start3A_384] : memref<96xi32, #tpu.memory_space<vmem>> -> memref<48xi32, #tpu.memory_space<vmem>>
        %dma_start3A_386 = tpu.memref_slice %arg6[%mul3A_364] : memref<100000xi32, #tpu.memory_space<hbm>> -> memref<48xi32, #tpu.memory_space<hbm>>
        tpu.enqueue_dma source(%dma_start3A_386 : memref<48xi32, #tpu.memory_space<hbm>>) target(%dma_start3A_385 : memref<48xi32, #tpu.memory_space<vmem>>) target_semaphore(%arg16 : memref<!tpu.dma_semaphore, #tpu.memory_space<semaphore_mem>>)
      } else {
      }
      %eq3A_356 = arith.constant 1 : i32
      %eq3A_357 = arith.cmpi eq, %and3A_175, %eq3A_356 : i32
      %lt3A_358 = arith.cmpi slt, %add3A_349, %min3A_108 : i32
      %and3A_359 = arith.andi %eq3A_357, %lt3A_358 : i1
      %convert_element_type3A_360 = arith.extui %and3A_359 : i1 to i32
      %cond3A_361 = arith.constant 0 : i32
      %cond3A_362 = arith.cmpi ne, %convert_element_type3A_360, %cond3A_361 : i32
      scf.if %cond3A_362 {
        %mul3A_363 = arith.constant 48 : i32
        %mul3A_364 = arith.muli %add3A_349, %mul3A_363 : i32
        %mul3A_365 = arith.constant 64 : i32
        %mul3A_366 = arith.muli %mul3A_364, %mul3A_365 : i32
        %dma_start3A_367 = arith.constant 3072 : i32
        %dma_start3A_368 = tpu.memref_slice %arg12[%dma_start3A_367] : memref<6144xi32, #tpu.memory_space<vmem>> -> memref<3072xi32, #tpu.memory_space<vmem>>
        %dma_start3A_369 = tpu.memref_slice %arg4[%mul3A_366] : memref<6400000xi32, #tpu.memory_space<hbm>> -> memref<3072xi32, #tpu.memory_space<hbm>>
        %dma_start3A_370 = arith.constant 3072 : i32
        %dma_start3A_371 = tpu.memref_slice %arg12[%dma_start3A_370] : memref<6144xi32, #tpu.memory_space<vmem>> -> memref<3072xi32, #tpu.memory_space<vmem>>
        %dma_start3A_372 = tpu.memref_slice %arg4[%mul3A_366] : memref<6400000xi32, #tpu.memory_space<hbm>> -> memref<3072xi32, #tpu.memory_space<hbm>>
        tpu.enqueue_dma source(%dma_start3A_372 : memref<3072xi32, #tpu.memory_space<hbm>>) target(%dma_start3A_371 : memref<3072xi32, #tpu.memory_space<vmem>>) target_semaphore(%arg17 : memref<!tpu.dma_semaphore, #tpu.memory_space<semaphore_mem>>)
        %mul3A_373 = arith.constant 64 : i32
        %mul3A_374 = arith.muli %mul3A_364, %mul3A_373 : i32
        %dma_start3A_375 = arith.constant 3072 : i32
        %dma_start3A_376 = tpu.memref_slice %arg13[%dma_start3A_375] : memref<6144xf32, #tpu.memory_space<vmem>> -> memref<3072xf32, #tpu.memory_space<vmem>>
        %dma_start3A_377 = tpu.memref_slice %arg5[%mul3A_374] : memref<6400000xf32, #tpu.memory_space<hbm>> -> memref<3072xf32, #tpu.memory_space<hbm>>
        %dma_start3A_378 = arith.constant 3072 : i32
        %dma_start3A_379 = tpu.memref_slice %arg13[%dma_start3A_378] : memref<6144xf32, #tpu.memory_space<vmem>> -> memref<3072xf32, #tpu.memory_space<vmem>>
        %dma_start3A_380 = tpu.memref_slice %arg5[%mul3A_374] : memref<6400000xf32, #tpu.memory_space<hbm>> -> memref<3072xf32, #tpu.memory_space<hbm>>
        tpu.enqueue_dma source(%dma_start3A_380 : memref<3072xf32, #tpu.memory_space<hbm>>) target(%dma_start3A_379 : memref<3072xf32, #tpu.memory_space<vmem>>) target_semaphore(%arg17 : memref<!tpu.dma_semaphore, #tpu.memory_space<semaphore_mem>>)
        %dma_start3A_381 = arith.constant 48 : i32
        %dma_start3A_382 = tpu.memref_slice %arg14[%dma_start3A_381] : memref<96xi32, #tpu.memory_space<vmem>> -> memref<48xi32, #tpu.memory_space<vmem>>
        %dma_start3A_383 = tpu.memref_slice %arg6[%mul3A_364] : memref<100000xi32, #tpu.memory_space<hbm>> -> memref<48xi32, #tpu.memory_space<hbm>>
        %dma_start3A_384 = arith.constant 48 : i32
        %dma_start3A_385 = tpu.memref_slice %arg14[%dma_start3A_384] : memref<96xi32, #tpu.memory_space<vmem>> -> memref<48xi32, #tpu.memory_space<vmem>>
        %dma_start3A_386 = tpu.memref_slice %arg6[%mul3A_364] : memref<100000xi32, #tpu.memory_space<hbm>> -> memref<48xi32, #tpu.memory_space<hbm>>
        tpu.enqueue_dma source(%dma_start3A_386 : memref<48xi32, #tpu.memory_space<hbm>>) target(%dma_start3A_385 : memref<48xi32, #tpu.memory_space<vmem>>) target_semaphore(%arg17 : memref<!tpu.dma_semaphore, #tpu.memory_space<semaphore_mem>>)
      } else {
      }
    }
    %eq3A = arith.constant 31 : i32
    %eq3A_166 = arith.cmpi eq, %add3A, %eq3A : i32
    %convert_element_type3A = arith.extui %eq3A_166 : i1 to i32
    %cond3A = arith.constant 0 : i32
    %cond3A_167 = arith.cmpi ne, %convert_element_type3A, %cond3A : i32
    scf.if %cond3A_167 {
      "tpu.region"() ({
        %run_scoped3A_223 = tpu.sem_alloc : memref<!tpu.dma_semaphore, #tpu.memory_space<semaphore_mem>>
        %dma_start3A_224 = arith.constant 0 : i32
        %dma_start3A_225 = tpu.memref_slice %arg12[%dma_start3A_224] : memref<6144xi32, #tpu.memory_space<vmem>> -> memref<1024xi32, #tpu.memory_space<vmem>>
        %dma_start3A_226 = arith.constant 6398976 : i32
        %dma_start3A_227 = tpu.memref_slice %arg4[%dma_start3A_226] : memref<6400000xi32, #tpu.memory_space<hbm>> -> memref<1024xi32, #tpu.memory_space<hbm>>
        %dma_start3A_228 = arith.constant 0 : i32
        %dma_start3A_229 = tpu.memref_slice %arg12[%dma_start3A_228] : memref<6144xi32, #tpu.memory_space<vmem>> -> memref<1024xi32, #tpu.memory_space<vmem>>
        %dma_start3A_230 = arith.constant 6398976 : i32
        %dma_start3A_231 = tpu.memref_slice %arg4[%dma_start3A_230] : memref<6400000xi32, #tpu.memory_space<hbm>> -> memref<1024xi32, #tpu.memory_space<hbm>>
        tpu.enqueue_dma source(%dma_start3A_231 : memref<1024xi32, #tpu.memory_space<hbm>>) target(%dma_start3A_229 : memref<1024xi32, #tpu.memory_space<vmem>>) target_semaphore(%run_scoped3A_223 : memref<!tpu.dma_semaphore, #tpu.memory_space<semaphore_mem>>)
        %dma_wait3A = arith.constant 0 : i32
        %dma_wait3A_232 = tpu.memref_slice %arg12[%dma_wait3A] : memref<6144xi32, #tpu.memory_space<vmem>> -> memref<1024xi32, #tpu.memory_space<vmem>>
        %dma_wait3A_233 = arith.constant 6398976 : i32
        %dma_wait3A_234 = tpu.memref_slice %arg4[%dma_wait3A_233] : memref<6400000xi32, #tpu.memory_space<hbm>> -> memref<1024xi32, #tpu.memory_space<hbm>>
        %dma_wait3A_235 = arith.constant 0 : i32
        %dma_wait3A_236 = tpu.memref_slice %arg12[%dma_wait3A_235] : memref<6144xi32, #tpu.memory_space<vmem>> -> memref<1024xi32, #tpu.memory_space<vmem>>
        %dma_wait3A_237 = arith.constant 6398976 : i32
        %dma_wait3A_238 = tpu.memref_slice %arg4[%dma_wait3A_237] : memref<6400000xi32, #tpu.memory_space<hbm>> -> memref<1024xi32, #tpu.memory_space<hbm>>
        tpu.wait_dma2 semaphore(%run_scoped3A_223 : memref<!tpu.dma_semaphore, #tpu.memory_space<semaphore_mem>>) src(%dma_wait3A_238 : memref<1024xi32, #tpu.memory_space<hbm>>) dst(%dma_wait3A_236 : memref<1024xi32, #tpu.memory_space<vmem>>)
        tpu.yield
      }) : () -> ()
      "tpu.region"() ({
        %run_scoped3A_223 = tpu.sem_alloc : memref<!tpu.dma_semaphore, #tpu.memory_space<semaphore_mem>>
        %dma_start3A_224 = arith.constant 0 : i32
        %dma_start3A_225 = tpu.memref_slice %arg13[%dma_start3A_224] : memref<6144xf32, #tpu.memory_space<vmem>> -> memref<1024xf32, #tpu.memory_space<vmem>>
        %dma_start3A_226 = arith.constant 6398976 : i32
        %dma_start3A_227 = tpu.memref_slice %arg5[%dma_start3A_226] : memref<6400000xf32, #tpu.memory_space<hbm>> -> memref<1024xf32, #tpu.memory_space<hbm>>
        %dma_start3A_228 = arith.constant 0 : i32
        %dma_start3A_229 = tpu.memref_slice %arg13[%dma_start3A_228] : memref<6144xf32, #tpu.memory_space<vmem>> -> memref<1024xf32, #tpu.memory_space<vmem>>
        %dma_start3A_230 = arith.constant 6398976 : i32
        %dma_start3A_231 = tpu.memref_slice %arg5[%dma_start3A_230] : memref<6400000xf32, #tpu.memory_space<hbm>> -> memref<1024xf32, #tpu.memory_space<hbm>>
        tpu.enqueue_dma source(%dma_start3A_231 : memref<1024xf32, #tpu.memory_space<hbm>>) target(%dma_start3A_229 : memref<1024xf32, #tpu.memory_space<vmem>>) target_semaphore(%run_scoped3A_223 : memref<!tpu.dma_semaphore, #tpu.memory_space<semaphore_mem>>)
        %dma_wait3A = arith.constant 0 : i32
        %dma_wait3A_232 = tpu.memref_slice %arg13[%dma_wait3A] : memref<6144xf32, #tpu.memory_space<vmem>> -> memref<1024xf32, #tpu.memory_space<vmem>>
        %dma_wait3A_233 = arith.constant 6398976 : i32
        %dma_wait3A_234 = tpu.memref_slice %arg5[%dma_wait3A_233] : memref<6400000xf32, #tpu.memory_space<hbm>> -> memref<1024xf32, #tpu.memory_space<hbm>>
        %dma_wait3A_235 = arith.constant 0 : i32
        %dma_wait3A_236 = tpu.memref_slice %arg13[%dma_wait3A_235] : memref<6144xf32, #tpu.memory_space<vmem>> -> memref<1024xf32, #tpu.memory_space<vmem>>
        %dma_wait3A_237 = arith.constant 6398976 : i32
        %dma_wait3A_238 = tpu.memref_slice %arg5[%dma_wait3A_237] : memref<6400000xf32, #tpu.memory_space<hbm>> -> memref<1024xf32, #tpu.memory_space<hbm>>
        tpu.wait_dma2 semaphore(%run_scoped3A_223 : memref<!tpu.dma_semaphore, #tpu.memory_space<semaphore_mem>>) src(%dma_wait3A_238 : memref<1024xf32, #tpu.memory_space<hbm>>) dst(%dma_wait3A_236 : memref<1024xf32, #tpu.memory_space<vmem>>)
        tpu.yield
      }) : () -> ()
      "tpu.region"() ({
        %run_scoped3A_223 = tpu.sem_alloc : memref<!tpu.dma_semaphore, #tpu.memory_space<semaphore_mem>>
        %dma_start3A_224 = arith.constant 0 : i32
        %dma_start3A_225 = tpu.memref_slice %arg14[%dma_start3A_224] : memref<96xi32, #tpu.memory_space<vmem>> -> memref<16xi32, #tpu.memory_space<vmem>>
        %dma_start3A_226 = arith.constant 99984 : i32
        %dma_start3A_227 = tpu.memref_slice %arg6[%dma_start3A_226] : memref<100000xi32, #tpu.memory_space<hbm>> -> memref<16xi32, #tpu.memory_space<hbm>>
        %dma_start3A_228 = arith.constant 0 : i32
        %dma_start3A_229 = tpu.memref_slice %arg14[%dma_start3A_228] : memref<96xi32, #tpu.memory_space<vmem>> -> memref<16xi32, #tpu.memory_space<vmem>>
        %dma_start3A_230 = arith.constant 99984 : i32
        %dma_start3A_231 = tpu.memref_slice %arg6[%dma_start3A_230] : memref<100000xi32, #tpu.memory_space<hbm>> -> memref<16xi32, #tpu.memory_space<hbm>>
        tpu.enqueue_dma source(%dma_start3A_231 : memref<16xi32, #tpu.memory_space<hbm>>) target(%dma_start3A_229 : memref<16xi32, #tpu.memory_space<vmem>>) target_semaphore(%run_scoped3A_223 : memref<!tpu.dma_semaphore, #tpu.memory_space<semaphore_mem>>)
        %dma_wait3A = arith.constant 0 : i32
        %dma_wait3A_232 = tpu.memref_slice %arg14[%dma_wait3A] : memref<96xi32, #tpu.memory_space<vmem>> -> memref<16xi32, #tpu.memory_space<vmem>>
        %dma_wait3A_233 = arith.constant 99984 : i32
        %dma_wait3A_234 = tpu.memref_slice %arg6[%dma_wait3A_233] : memref<100000xi32, #tpu.memory_space<hbm>> -> memref<16xi32, #tpu.memory_space<hbm>>
        %dma_wait3A_235 = arith.constant 0 : i32
        %dma_wait3A_236 = tpu.memref_slice %arg14[%dma_wait3A_235] : memref<96xi32, #tpu.memory_space<vmem>> -> memref<16xi32, #tpu.memory_space<vmem>>
        %dma_wait3A_237 = arith.constant 99984 : i32
        %dma_wait3A_238 = tpu.memref_slice %arg6[%dma_wait3A_237] : memref<100000xi32, #tpu.memory_space<hbm>> -> memref<16xi32, #tpu.memory_space<hbm>>
        tpu.wait_dma2 semaphore(%run_scoped3A_223 : memref<!tpu.dma_semaphore, #tpu.memory_space<semaphore_mem>>) src(%dma_wait3A_238 : memref<16xi32, #tpu.memory_space<hbm>>) dst(%dma_wait3A_236 : memref<16xi32, #tpu.memory_space<vmem>>)
        tpu.yield
      }) : () -> ()
      %add3A_174 = arith.constant 99984 : i32
      %add3A_175 = arith.constant 0 : i32
      %add3A_176 = arith.addi %add3A_174, %add3A_175 : i32
      %add3A_177 = vector.broadcast %add3A_176 : i32 to vector<16xi32>
      %add3A_178 = arith.addi %add3A_177, %iota3A : vector<16xi32>
      %gather3A_179 = tpu.vector_load_idx %arg8[%add3A_178] : memref<100008xi32, #tpu.memory_space<vmem>>[vector<16xi32>], vector<16xi32>,
      %gather3A_180 = tpu.vector_load_idx %arg10[%gather3A_179] : memref<96xf32, #tpu.memory_space<vmem>>[vector<16xi32>], vector<16xf32>,
      %gather3A_181 = tpu.vector_load_idx %arg11[%gather3A_179] : memref<96xf32, #tpu.memory_space<vmem>>[vector<16xi32>], vector<16xf32>,
      %neg3A = arith.constant 0.000000e+00 : f32
      %neg3A_182 = vector.broadcast %neg3A : f32 to vector<16xf32>
      %neg3A_183 = arith.subf %neg3A_182, %gather3A_180 : vector<16xf32>
      %jit3A = arith.constant 0 : i32
      %jit3A_184 = arith.constant 64 : i32
      %div3A = arith.divsi %jit3A, %jit3A_184 : i32
      %sign3A = arith.constant 0 : i32
      %sign3A_185 = arith.cmpi sgt, %jit3A, %sign3A : i32
      %sign3A_186 = arith.extui %sign3A_185 : i1 to i32
      %sign3A_187 = arith.constant 0 : i32
      %sign3A_188 = arith.cmpi slt, %jit3A, %sign3A_187 : i32
      %sign3A_189 = arith.extui %sign3A_188 : i1 to i32
      %sign3A_190 = arith.subi %sign3A_186, %sign3A_189 : i32
      %sign3A_191 = arith.constant 0 : i32
      %sign3A_192 = arith.cmpi sgt, %jit3A_184, %sign3A_191 : i32
      %sign3A_193 = arith.extui %sign3A_192 : i1 to i32
      %sign3A_194 = arith.constant 0 : i32
      %sign3A_195 = arith.cmpi slt, %jit3A_184, %sign3A_194 : i32
      %sign3A_196 = arith.extui %sign3A_195 : i1 to i32
      %sign3A_197 = arith.subi %sign3A_193, %sign3A_196 : i32
      %ne3A = arith.cmpi ne, %sign3A_190, %sign3A_197 : i32
      %rem3A = arith.remsi %jit3A, %jit3A_184 : i32
      %ne3A_198 = arith.constant 0 : i32
      %ne3A_199 = arith.cmpi ne, %rem3A, %ne3A_198 : i32
      %and3A = arith.andi %ne3A, %ne3A_199 : i1
      %sub3A = arith.constant 1 : i32
      %sub3A_200 = arith.subi %div3A, %sub3A : i32
      %select_n3A = arith.select %and3A, %sub3A_200, %div3A : i32
      %add3A_201 = arith.constant 0 : i32
      %add3A_202 = arith.addi %select_n3A, %add3A_201 : i32
      %add3A_203 = vector.broadcast %add3A_202 : i32 to vector<16xi32>
      %add3A_204 = arith.addi %add3A_203, %iota3A : vector<16xi32>
      %gather3A_205 = tpu.vector_load_idx %arg14[%add3A_204] : memref<96xi32, #tpu.memory_space<vmem>>[vector<16xi32>], vector<16xi32>,
      %add3A_206 = arith.constant 0 : i32
      %add3A_207 = arith.constant 0 : i32
      %add3A_208 = arith.addi %add3A_206, %add3A_207 : i32
      %mul3A_209 = arith.constant 64 : i32
      %mul3A_210 = vector.broadcast %mul3A_209 : i32 to vector<16xi32>
      %mul3A_211 = arith.muli %iota3A, %mul3A_210 : vector<16xi32>
      %add3A_212 = vector.broadcast %add3A_208 : i32 to vector<16xi32>
      %add3A_213 = arith.addi %add3A_212, %mul3A_211 : vector<16xi32>
      %broadcast_in_dim3A_214 = arith.constant 0.000000e+00 : f32
      %broadcast_in_dim3A_215 = vector.broadcast %broadcast_in_dim3A_214 : f32 to vector<16xf32>
      %scan3A_216 = arith.constant 0 : i32
      %scan3A_217 = arith.constant 64 : i32
      %scan3A_218 = arith.addi %scan3A_216, %scan3A_217 : i32
      %scan3A_219 = arith.constant 1 : i32
      %scan3A_220 = scf.for %scan3A_223 = %scan3A_216 to %scan3A_218 step %scan3A_219 iter_args(%scan3A_224 = %broadcast_in_dim3A_215) -> (vector<16xf32>)  : i32 {
        %add3A_225 = vector.broadcast %scan3A_223 : i32 to vector<16xi32>
        %add3A_226 = arith.addi %add3A_213, %add3A_225 : vector<16xi32>
        %gather3A_227 = tpu.vector_load_idx %arg12[%add3A_226] : memref<6144xi32, #tpu.memory_space<vmem>>[vector<16xi32>], vector<16xi32>,
        %gather3A_228 = tpu.vector_load_idx %arg13[%add3A_226] : memref<6144xf32, #tpu.memory_space<vmem>>[vector<16xi32>], vector<16xf32>,
        %gather3A_229 = tpu.vector_load_idx %arg8[%gather3A_227] : memref<100008xi32, #tpu.memory_space<vmem>>[vector<16xi32>], vector<16xi32>,
        %gather3A_230 = tpu.vector_load_idx %arg10[%gather3A_229] : memref<96xf32, #tpu.memory_space<vmem>>[vector<16xi32>], vector<16xf32>,
        %gather3A_231 = tpu.vector_load_idx %arg11[%gather3A_229] : memref<96xf32, #tpu.memory_space<vmem>>[vector<16xi32>], vector<16xf32>,
        %bitcast3A = vector.bitcast %gather3A_228 : vector<16xf32> to vector<16xi32>
        %shift_right_arithmetic3A = arith.constant 1 : i32
        %shift_right_arithmetic3A_232 = vector.broadcast %shift_right_arithmetic3A : i32 to vector<16xi32>
        %shift_right_arithmetic3A_233 = arith.shrsi %bitcast3A, %shift_right_arithmetic3A_232 : vector<16xi32>
        %sub3A_234 = arith.constant 1597463007 : i32
        %sub3A_235 = vector.broadcast %sub3A_234 : i32 to vector<16xi32>
        %sub3A_236 = arith.subi %sub3A_235, %shift_right_arithmetic3A_233 : vector<16xi32>
        %bitcast3A_237 = vector.bitcast %sub3A_236 : vector<16xi32> to vector<16xf32>
        %mul3A_238 = arith.constant 5.000000e-01 : f32
        %mul3A_239 = vector.broadcast %mul3A_238 : f32 to vector<16xf32>
        %mul3A_240 = arith.mulf %mul3A_239, %gather3A_228 : vector<16xf32>
        %mul3A_241 = arith.mulf %mul3A_240, %bitcast3A_237 : vector<16xf32>
        %mul3A_242 = arith.mulf %mul3A_241, %bitcast3A_237 : vector<16xf32>
        %sub3A_243 = arith.constant 1.500000e+00 : f32
        %sub3A_244 = vector.broadcast %sub3A_243 : f32 to vector<16xf32>
        %sub3A_245 = arith.subf %sub3A_244, %mul3A_242 : vector<16xf32>
        %mul3A_246 = arith.mulf %bitcast3A_237, %sub3A_245 : vector<16xf32>
        %mul3A_247 = arith.mulf %mul3A_240, %mul3A_246 : vector<16xf32>
        %mul3A_248 = arith.mulf %mul3A_247, %mul3A_246 : vector<16xf32>
        %sub3A_249 = arith.constant 1.500000e+00 : f32
        %sub3A_250 = vector.broadcast %sub3A_249 : f32 to vector<16xf32>
        %sub3A_251 = arith.subf %sub3A_250, %mul3A_248 : vector<16xf32>
        %mul3A_252 = arith.mulf %mul3A_246, %sub3A_251 : vector<16xf32>
        %mul3A_253 = arith.mulf %neg3A_183, %gather3A_230 : vector<16xf32>
        %mul3A_254 = arith.mulf %gather3A_228, %gather3A_228 : vector<16xf32>
        %mul3A_255 = arith.mulf %mul3A_254, %mul3A_252 : vector<16xf32>
        %mul3A_256 = arith.mulf %mul3A_253, %mul3A_255 : vector<16xf32>
        %exp3A = math.exp %mul3A_256 : vector<16xf32>
        %mul3A_257 = arith.mulf %mul3A_252, %mul3A_252 : vector<16xf32>
        %mul3A_258 = arith.mulf %gather3A_231, %mul3A_257 : vector<16xf32>
        %mul3A_259 = arith.mulf %exp3A, %mul3A_258 : vector<16xf32>
        %add3A_260 = arith.addf %scan3A_224, %mul3A_259 : vector<16xf32>
        scf.yield %add3A_260 : vector<16xf32>
      }
      %scan3A_221 = arith.constant 64 : i32
      %mul3A_222 = arith.mulf %scan3A_220, %gather3A_181 : vector<16xf32>
      tpu.vector_store_idx %arg15[%iota3A, %gather3A_205], %mul3A_222 {add = true} : memref<16x1008xf32, #tpu.memory_space<vmem>>[vector<16xi32>, vector<16xi32>], vector<16xf32>,
    } else {
    }
    %scan3A_168 = arith.constant 0 : i32
    %scan3A_169 = arith.constant 1 : i32
    %scan3A_170 = arith.constant 15 : i32
    %scan3A_171 = arith.addi %scan3A_169, %scan3A_170 : i32
    %scan3A_172 = arith.constant 1 : i32
    scf.for %scan3A_174 = %scan3A_169 to %scan3A_171 step %scan3A_172  : i32 {
      %add3A_175 = vector.broadcast %scan3A_174 : i32 to vector<16xi32>
      %add3A_176 = arith.addi %broadcast_in_dim3A_86, %add3A_175 : vector<16xi32>
      %add3A_177 = arith.constant 0 : i32
      %add3A_178 = vector.broadcast %add3A_177 : i32 to vector<16xi32>
      %add3A_179 = arith.addi %add3A_178, %iota3A : vector<16xi32>
      %gather3A_180 = tpu.vector_load_idx %arg15[%add3A_176, %add3A_179] : memref<16x1008xf32, #tpu.memory_space<vmem>>[vector<16xi32>, vector<16xi32>], vector<16xf32>,
      %gather3A_181 = tpu.vector_load_idx %arg15[%broadcast_in_dim3A_86, %add3A_179] : memref<16x1008xf32, #tpu.memory_space<vmem>>[vector<16xi32>, vector<16xi32>], vector<16xf32>,
      %add3A_182 = arith.addf %gather3A_181, %gather3A_180 : vector<16xf32>
      tpu.vector_store_idx %arg15[%broadcast_in_dim3A_86, %add3A_179], %add3A_182 : memref<16x1008xf32, #tpu.memory_space<vmem>>[vector<16xi32>, vector<16xi32>], vector<16xf32>,
      %add3A_183 = arith.constant 16 : i32
      %add3A_184 = vector.broadcast %add3A_183 : i32 to vector<16xi32>
      %add3A_185 = arith.addi %add3A_184, %iota3A : vector<16xi32>
      %gather3A_186 = tpu.vector_load_idx %arg15[%add3A_176, %add3A_185] : memref<16x1008xf32, #tpu.memory_space<vmem>>[vector<16xi32>, vector<16xi32>], vector<16xf32>,
      %gather3A_187 = tpu.vector_load_idx %arg15[%broadcast_in_dim3A_86, %add3A_185] : memref<16x1008xf32, #tpu.memory_space<vmem>>[vector<16xi32>, vector<16xi32>], vector<16xf32>,
      %add3A_188 = arith.addf %gather3A_187, %gather3A_186 : vector<16xf32>
      tpu.vector_store_idx %arg15[%broadcast_in_dim3A_86, %add3A_185], %add3A_188 : memref<16x1008xf32, #tpu.memory_space<vmem>>[vector<16xi32>, vector<16xi32>], vector<16xf32>,
      %add3A_189 = arith.constant 32 : i32
      %add3A_190 = vector.broadcast %add3A_189 : i32 to vector<16xi32>
      %add3A_191 = arith.addi %add3A_190, %iota3A : vector<16xi32>
      %gather3A_192 = tpu.vector_load_idx %arg15[%add3A_176, %add3A_191] : memref<16x1008xf32, #tpu.memory_space<vmem>>[vector<16xi32>, vector<16xi32>], vector<16xf32>,
      %gather3A_193 = tpu.vector_load_idx %arg15[%broadcast_in_dim3A_86, %add3A_191] : memref<16x1008xf32, #tpu.memory_space<vmem>>[vector<16xi32>, vector<16xi32>], vector<16xf32>,
      %add3A_194 = arith.addf %gather3A_193, %gather3A_192 : vector<16xf32>
      tpu.vector_store_idx %arg15[%broadcast_in_dim3A_86, %add3A_191], %add3A_194 : memref<16x1008xf32, #tpu.memory_space<vmem>>[vector<16xi32>, vector<16xi32>], vector<16xf32>,
      %add3A_195 = arith.constant 48 : i32
      %add3A_196 = vector.broadcast %add3A_195 : i32 to vector<16xi32>
      %add3A_197 = arith.addi %add3A_196, %iota3A : vector<16xi32>
      %gather3A_198 = tpu.vector_load_idx %arg15[%add3A_176, %add3A_197] : memref<16x1008xf32, #tpu.memory_space<vmem>>[vector<16xi32>, vector<16xi32>], vector<16xf32>,
      %gather3A_199 = tpu.vector_load_idx %arg15[%broadcast_in_dim3A_86, %add3A_197] : memref<16x1008xf32, #tpu.memory_space<vmem>>[vector<16xi32>, vector<16xi32>], vector<16xf32>,
      %add3A_200 = arith.addf %gather3A_199, %gather3A_198 : vector<16xf32>
      tpu.vector_store_idx %arg15[%broadcast_in_dim3A_86, %add3A_197], %add3A_200 : memref<16x1008xf32, #tpu.memory_space<vmem>>[vector<16xi32>, vector<16xi32>], vector<16xf32>,
      %add3A_201 = arith.constant 64 : i32
      %add3A_202 = vector.broadcast %add3A_201 : i32 to vector<16xi32>
      %add3A_203 = arith.addi %add3A_202, %iota3A : vector<16xi32>
      %gather3A_204 = tpu.vector_load_idx %arg15[%add3A_176, %add3A_203] : memref<16x1008xf32, #tpu.memory_space<vmem>>[vector<16xi32>, vector<16xi32>], vector<16xf32>,
      %gather3A_205 = tpu.vector_load_idx %arg15[%broadcast_in_dim3A_86, %add3A_203] : memref<16x1008xf32, #tpu.memory_space<vmem>>[vector<16xi32>, vector<16xi32>], vector<16xf32>,
      %add3A_206 = arith.addf %gather3A_205, %gather3A_204 : vector<16xf32>
      tpu.vector_store_idx %arg15[%broadcast_in_dim3A_86, %add3A_203], %add3A_206 : memref<16x1008xf32, #tpu.memory_space<vmem>>[vector<16xi32>, vector<16xi32>], vector<16xf32>,
      %add3A_207 = arith.constant 80 : i32
      %add3A_208 = vector.broadcast %add3A_207 : i32 to vector<16xi32>
      %add3A_209 = arith.addi %add3A_208, %iota3A : vector<16xi32>
      %gather3A_210 = tpu.vector_load_idx %arg15[%add3A_176, %add3A_209] : memref<16x1008xf32, #tpu.memory_space<vmem>>[vector<16xi32>, vector<16xi32>], vector<16xf32>,
      %gather3A_211 = tpu.vector_load_idx %arg15[%broadcast_in_dim3A_86, %add3A_209] : memref<16x1008xf32, #tpu.memory_space<vmem>>[vector<16xi32>, vector<16xi32>], vector<16xf32>,
      %add3A_212 = arith.addf %gather3A_211, %gather3A_210 : vector<16xf32>
      tpu.vector_store_idx %arg15[%broadcast_in_dim3A_86, %add3A_209], %add3A_212 : memref<16x1008xf32, #tpu.memory_space<vmem>>[vector<16xi32>, vector<16xi32>], vector<16xf32>,
      %add3A_213 = arith.constant 96 : i32
      %add3A_214 = vector.broadcast %add3A_213 : i32 to vector<16xi32>
      %add3A_215 = arith.addi %add3A_214, %iota3A : vector<16xi32>
      %gather3A_216 = tpu.vector_load_idx %arg15[%add3A_176, %add3A_215] : memref<16x1008xf32, #tpu.memory_space<vmem>>[vector<16xi32>, vector<16xi32>], vector<16xf32>,
      %gather3A_217 = tpu.vector_load_idx %arg15[%broadcast_in_dim3A_86, %add3A_215] : memref<16x1008xf32, #tpu.memory_space<vmem>>[vector<16xi32>, vector<16xi32>], vector<16xf32>,
      %add3A_218 = arith.addf %gather3A_217, %gather3A_216 : vector<16xf32>
      tpu.vector_store_idx %arg15[%broadcast_in_dim3A_86, %add3A_215], %add3A_218 : memref<16x1008xf32, #tpu.memory_space<vmem>>[vector<16xi32>, vector<16xi32>], vector<16xf32>,
      %add3A_219 = arith.constant 112 : i32
      %add3A_220 = vector.broadcast %add3A_219 : i32 to vector<16xi32>
      %add3A_221 = arith.addi %add3A_220, %iota3A : vector<16xi32>
      %gather3A_222 = tpu.vector_load_idx %arg15[%add3A_176, %add3A_221] : memref<16x1008xf32, #tpu.memory_space<vmem>>[vector<16xi32>, vector<16xi32>], vector<16xf32>,
      %gather3A_223 = tpu.vector_load_idx %arg15[%broadcast_in_dim3A_86, %add3A_221] : memref<16x1008xf32, #tpu.memory_space<vmem>>[vector<16xi32>, vector<16xi32>], vector<16xf32>,
      %add3A_224 = arith.addf %gather3A_223, %gather3A_222 : vector<16xf32>
      tpu.vector_store_idx %arg15[%broadcast_in_dim3A_86, %add3A_221], %add3A_224 : memref<16x1008xf32, #tpu.memory_space<vmem>>[vector<16xi32>, vector<16xi32>], vector<16xf32>,
      %add3A_225 = arith.constant 128 : i32
      %add3A_226 = vector.broadcast %add3A_225 : i32 to vector<16xi32>
      %add3A_227 = arith.addi %add3A_226, %iota3A : vector<16xi32>
      %gather3A_228 = tpu.vector_load_idx %arg15[%add3A_176, %add3A_227] : memref<16x1008xf32, #tpu.memory_space<vmem>>[vector<16xi32>, vector<16xi32>], vector<16xf32>,
      %gather3A_229 = tpu.vector_load_idx %arg15[%broadcast_in_dim3A_86, %add3A_227] : memref<16x1008xf32, #tpu.memory_space<vmem>>[vector<16xi32>, vector<16xi32>], vector<16xf32>,
      %add3A_230 = arith.addf %gather3A_229, %gather3A_228 : vector<16xf32>
      tpu.vector_store_idx %arg15[%broadcast_in_dim3A_86, %add3A_227], %add3A_230 : memref<16x1008xf32, #tpu.memory_space<vmem>>[vector<16xi32>, vector<16xi32>], vector<16xf32>,
      %add3A_231 = arith.constant 144 : i32
      %add3A_232 = vector.broadcast %add3A_231 : i32 to vector<16xi32>
      %add3A_233 = arith.addi %add3A_232, %iota3A : vector<16xi32>
      %gather3A_234 = tpu.vector_load_idx %arg15[%add3A_176, %add3A_233] : memref<16x1008xf32, #tpu.memory_space<vmem>>[vector<16xi32>, vector<16xi32>], vector<16xf32>,
      %gather3A_235 = tpu.vector_load_idx %arg15[%broadcast_in_dim3A_86, %add3A_233] : memref<16x1008xf32, #tpu.memory_space<vmem>>[vector<16xi32>, vector<16xi32>], vector<16xf32>,
      %add3A_236 = arith.addf %gather3A_235, %gather3A_234 : vector<16xf32>
      tpu.vector_store_idx %arg15[%broadcast_in_dim3A_86, %add3A_233], %add3A_236 : memref<16x1008xf32, #tpu.memory_space<vmem>>[vector<16xi32>, vector<16xi32>], vector<16xf32>,
      %add3A_237 = arith.constant 160 : i32
      %add3A_238 = vector.broadcast %add3A_237 : i32 to vector<16xi32>
      %add3A_239 = arith.addi %add3A_238, %iota3A : vector<16xi32>
      %gather3A_240 = tpu.vector_load_idx %arg15[%add3A_176, %add3A_239] : memref<16x1008xf32, #tpu.memory_space<vmem>>[vector<16xi32>, vector<16xi32>], vector<16xf32>,
      %gather3A_241 = tpu.vector_load_idx %arg15[%broadcast_in_dim3A_86, %add3A_239] : memref<16x1008xf32, #tpu.memory_space<vmem>>[vector<16xi32>, vector<16xi32>], vector<16xf32>,
      %add3A_242 = arith.addf %gather3A_241, %gather3A_240 : vector<16xf32>
      tpu.vector_store_idx %arg15[%broadcast_in_dim3A_86, %add3A_239], %add3A_242 : memref<16x1008xf32, #tpu.memory_space<vmem>>[vector<16xi32>, vector<16xi32>], vector<16xf32>,
      %add3A_243 = arith.constant 176 : i32
      %add3A_244 = vector.broadcast %add3A_243 : i32 to vector<16xi32>
      %add3A_245 = arith.addi %add3A_244, %iota3A : vector<16xi32>
      %gather3A_246 = tpu.vector_load_idx %arg15[%add3A_176, %add3A_245] : memref<16x1008xf32, #tpu.memory_space<vmem>>[vector<16xi32>, vector<16xi32>], vector<16xf32>,
      %gather3A_247 = tpu.vector_load_idx %arg15[%broadcast_in_dim3A_86, %add3A_245] : memref<16x1008xf32, #tpu.memory_space<vmem>>[vector<16xi32>, vector<16xi32>], vector<16xf32>,
      %add3A_248 = arith.addf %gather3A_247, %gather3A_246 : vector<16xf32>
      tpu.vector_store_idx %arg15[%broadcast_in_dim3A_86, %add3A_245], %add3A_248 : memref<16x1008xf32, #tpu.memory_space<vmem>>[vector<16xi32>, vector<16xi32>], vector<16xf32>,
      %add3A_249 = arith.constant 192 : i32
      %add3A_250 = vector.broadcast %add3A_249 : i32 to vector<16xi32>
      %add3A_251 = arith.addi %add3A_250, %iota3A : vector<16xi32>
      %gather3A_252 = tpu.vector_load_idx %arg15[%add3A_176, %add3A_251] : memref<16x1008xf32, #tpu.memory_space<vmem>>[vector<16xi32>, vector<16xi32>], vector<16xf32>,
      %gather3A_253 = tpu.vector_load_idx %arg15[%broadcast_in_dim3A_86, %add3A_251] : memref<16x1008xf32, #tpu.memory_space<vmem>>[vector<16xi32>, vector<16xi32>], vector<16xf32>,
      %add3A_254 = arith.addf %gather3A_253, %gather3A_252 : vector<16xf32>
      tpu.vector_store_idx %arg15[%broadcast_in_dim3A_86, %add3A_251], %add3A_254 : memref<16x1008xf32, #tpu.memory_space<vmem>>[vector<16xi32>, vector<16xi32>], vector<16xf32>,
      %add3A_255 = arith.constant 208 : i32
      %add3A_256 = vector.broadcast %add3A_255 : i32 to vector<16xi32>
      %add3A_257 = arith.addi %add3A_256, %iota3A : vector<16xi32>
      %gather3A_258 = tpu.vector_load_idx %arg15[%add3A_176, %add3A_257] : memref<16x1008xf32, #tpu.memory_space<vmem>>[vector<16xi32>, vector<16xi32>], vector<16xf32>,
      %gather3A_259 = tpu.vector_load_idx %arg15[%broadcast_in_dim3A_86, %add3A_257] : memref<16x1008xf32, #tpu.memory_space<vmem>>[vector<16xi32>, vector<16xi32>], vector<16xf32>,
      %add3A_260 = arith.addf %gather3A_259, %gather3A_258 : vector<16xf32>
      tpu.vector_store_idx %arg15[%broadcast_in_dim3A_86, %add3A_257], %add3A_260 : memref<16x1008xf32, #tpu.memory_space<vmem>>[vector<16xi32>, vector<16xi32>], vector<16xf32>,
      %add3A_261 = arith.constant 224 : i32
      %add3A_262 = vector.broadcast %add3A_261 : i32 to vector<16xi32>
      %add3A_263 = arith.addi %add3A_262, %iota3A : vector<16xi32>
      %gather3A_264 = tpu.vector_load_idx %arg15[%add3A_176, %add3A_263] : memref<16x1008xf32, #tpu.memory_space<vmem>>[vector<16xi32>, vector<16xi32>], vector<16xf32>,
      %gather3A_265 = tpu.vector_load_idx %arg15[%broadcast_in_dim3A_86, %add3A_263] : memref<16x1008xf32, #tpu.memory_space<vmem>>[vector<16xi32>, vector<16xi32>], vector<16xf32>,
      %add3A_266 = arith.addf %gather3A_265, %gather3A_264 : vector<16xf32>
      tpu.vector_store_idx %arg15[%broadcast_in_dim3A_86, %add3A_263], %add3A_266 : memref<16x1008xf32, #tpu.memory_space<vmem>>[vector<16xi32>, vector<16xi32>], vector<16xf32>,
      %add3A_267 = arith.constant 240 : i32
      %add3A_268 = vector.broadcast %add3A_267 : i32 to vector<16xi32>
      %add3A_269 = arith.addi %add3A_268, %iota3A : vector<16xi32>
      %gather3A_270 = tpu.vector_load_idx %arg15[%add3A_176, %add3A_269] : memref<16x1008xf32, #tpu.memory_space<vmem>>[vector<16xi32>, vector<16xi32>], vector<16xf32>,
      %gather3A_271 = tpu.vector_load_idx %arg15[%broadcast_in_dim3A_86, %add3A_269] : memref<16x1008xf32, #tpu.memory_space<vmem>>[vector<16xi32>, vector<16xi32>], vector<16xf32>,
      %add3A_272 = arith.addf %gather3A_271, %gather3A_270 : vector<16xf32>
      tpu.vector_store_idx %arg15[%broadcast_in_dim3A_86, %add3A_269], %add3A_272 : memref<16x1008xf32, #tpu.memory_space<vmem>>[vector<16xi32>, vector<16xi32>], vector<16xf32>,
      %add3A_273 = arith.constant 256 : i32
      %add3A_274 = vector.broadcast %add3A_273 : i32 to vector<16xi32>
      %add3A_275 = arith.addi %add3A_274, %iota3A : vector<16xi32>
      %gather3A_276 = tpu.vector_load_idx %arg15[%add3A_176, %add3A_275] : memref<16x1008xf32, #tpu.memory_space<vmem>>[vector<16xi32>, vector<16xi32>], vector<16xf32>,
      %gather3A_277 = tpu.vector_load_idx %arg15[%broadcast_in_dim3A_86, %add3A_275] : memref<16x1008xf32, #tpu.memory_space<vmem>>[vector<16xi32>, vector<16xi32>], vector<16xf32>,
      %add3A_278 = arith.addf %gather3A_277, %gather3A_276 : vector<16xf32>
      tpu.vector_store_idx %arg15[%broadcast_in_dim3A_86, %add3A_275], %add3A_278 : memref<16x1008xf32, #tpu.memory_space<vmem>>[vector<16xi32>, vector<16xi32>], vector<16xf32>,
      %add3A_279 = arith.constant 272 : i32
      %add3A_280 = vector.broadcast %add3A_279 : i32 to vector<16xi32>
      %add3A_281 = arith.addi %add3A_280, %iota3A : vector<16xi32>
      %gather3A_282 = tpu.vector_load_idx %arg15[%add3A_176, %add3A_281] : memref<16x1008xf32, #tpu.memory_space<vmem>>[vector<16xi32>, vector<16xi32>], vector<16xf32>,
      %gather3A_283 = tpu.vector_load_idx %arg15[%broadcast_in_dim3A_86, %add3A_281] : memref<16x1008xf32, #tpu.memory_space<vmem>>[vector<16xi32>, vector<16xi32>], vector<16xf32>,
      %add3A_284 = arith.addf %gather3A_283, %gather3A_282 : vector<16xf32>
      tpu.vector_store_idx %arg15[%broadcast_in_dim3A_86, %add3A_281], %add3A_284 : memref<16x1008xf32, #tpu.memory_space<vmem>>[vector<16xi32>, vector<16xi32>], vector<16xf32>,
      %add3A_285 = arith.constant 288 : i32
      %add3A_286 = vector.broadcast %add3A_285 : i32 to vector<16xi32>
      %add3A_287 = arith.addi %add3A_286, %iota3A : vector<16xi32>
      %gather3A_288 = tpu.vector_load_idx %arg15[%add3A_176, %add3A_287] : memref<16x1008xf32, #tpu.memory_space<vmem>>[vector<16xi32>, vector<16xi32>], vector<16xf32>,
      %gather3A_289 = tpu.vector_load_idx %arg15[%broadcast_in_dim3A_86, %add3A_287] : memref<16x1008xf32, #tpu.memory_space<vmem>>[vector<16xi32>, vector<16xi32>], vector<16xf32>,
      %add3A_290 = arith.addf %gather3A_289, %gather3A_288 : vector<16xf32>
      tpu.vector_store_idx %arg15[%broadcast_in_dim3A_86, %add3A_287], %add3A_290 : memref<16x1008xf32, #tpu.memory_space<vmem>>[vector<16xi32>, vector<16xi32>], vector<16xf32>,
      %add3A_291 = arith.constant 304 : i32
      %add3A_292 = vector.broadcast %add3A_291 : i32 to vector<16xi32>
      %add3A_293 = arith.addi %add3A_292, %iota3A : vector<16xi32>
      %gather3A_294 = tpu.vector_load_idx %arg15[%add3A_176, %add3A_293] : memref<16x1008xf32, #tpu.memory_space<vmem>>[vector<16xi32>, vector<16xi32>], vector<16xf32>,
      %gather3A_295 = tpu.vector_load_idx %arg15[%broadcast_in_dim3A_86, %add3A_293] : memref<16x1008xf32, #tpu.memory_space<vmem>>[vector<16xi32>, vector<16xi32>], vector<16xf32>,
      %add3A_296 = arith.addf %gather3A_295, %gather3A_294 : vector<16xf32>
      tpu.vector_store_idx %arg15[%broadcast_in_dim3A_86, %add3A_293], %add3A_296 : memref<16x1008xf32, #tpu.memory_space<vmem>>[vector<16xi32>, vector<16xi32>], vector<16xf32>,
      %add3A_297 = arith.constant 320 : i32
      %add3A_298 = vector.broadcast %add3A_297 : i32 to vector<16xi32>
      %add3A_299 = arith.addi %add3A_298, %iota3A : vector<16xi32>
      %gather3A_300 = tpu.vector_load_idx %arg15[%add3A_176, %add3A_299] : memref<16x1008xf32, #tpu.memory_space<vmem>>[vector<16xi32>, vector<16xi32>], vector<16xf32>,
      %gather3A_301 = tpu.vector_load_idx %arg15[%broadcast_in_dim3A_86, %add3A_299] : memref<16x1008xf32, #tpu.memory_space<vmem>>[vector<16xi32>, vector<16xi32>], vector<16xf32>,
      %add3A_302 = arith.addf %gather3A_301, %gather3A_300 : vector<16xf32>
      tpu.vector_store_idx %arg15[%broadcast_in_dim3A_86, %add3A_299], %add3A_302 : memref<16x1008xf32, #tpu.memory_space<vmem>>[vector<16xi32>, vector<16xi32>], vector<16xf32>,
      %add3A_303 = arith.constant 336 : i32
      %add3A_304 = vector.broadcast %add3A_303 : i32 to vector<16xi32>
      %add3A_305 = arith.addi %add3A_304, %iota3A : vector<16xi32>
      %gather3A_306 = tpu.vector_load_idx %arg15[%add3A_176, %add3A_305] : memref<16x1008xf32, #tpu.memory_space<vmem>>[vector<16xi32>, vector<16xi32>], vector<16xf32>,
      %gather3A_307 = tpu.vector_load_idx %arg15[%broadcast_in_dim3A_86, %add3A_305] : memref<16x1008xf32, #tpu.memory_space<vmem>>[vector<16xi32>, vector<16xi32>], vector<16xf32>,
      %add3A_308 = arith.addf %gather3A_307, %gather3A_306 : vector<16xf32>
      tpu.vector_store_idx %arg15[%broadcast_in_dim3A_86, %add3A_305], %add3A_308 : memref<16x1008xf32, #tpu.memory_space<vmem>>[vector<16xi32>, vector<16xi32>], vector<16xf32>,
      %add3A_309 = arith.constant 352 : i32
      %add3A_310 = vector.broadcast %add3A_309 : i32 to vector<16xi32>
      %add3A_311 = arith.addi %add3A_310, %iota3A : vector<16xi32>
      %gather3A_312 = tpu.vector_load_idx %arg15[%add3A_176, %add3A_311] : memref<16x1008xf32, #tpu.memory_space<vmem>>[vector<16xi32>, vector<16xi32>], vector<16xf32>,
      %gather3A_313 = tpu.vector_load_idx %arg15[%broadcast_in_dim3A_86, %add3A_311] : memref<16x1008xf32, #tpu.memory_space<vmem>>[vector<16xi32>, vector<16xi32>], vector<16xf32>,
      %add3A_314 = arith.addf %gather3A_313, %gather3A_312 : vector<16xf32>
      tpu.vector_store_idx %arg15[%broadcast_in_dim3A_86, %add3A_311], %add3A_314 : memref<16x1008xf32, #tpu.memory_space<vmem>>[vector<16xi32>, vector<16xi32>], vector<16xf32>,
      %add3A_315 = arith.constant 368 : i32
      %add3A_316 = vector.broadcast %add3A_315 : i32 to vector<16xi32>
      %add3A_317 = arith.addi %add3A_316, %iota3A : vector<16xi32>
      %gather3A_318 = tpu.vector_load_idx %arg15[%add3A_176, %add3A_317] : memref<16x1008xf32, #tpu.memory_space<vmem>>[vector<16xi32>, vector<16xi32>], vector<16xf32>,
      %gather3A_319 = tpu.vector_load_idx %arg15[%broadcast_in_dim3A_86, %add3A_317] : memref<16x1008xf32, #tpu.memory_space<vmem>>[vector<16xi32>, vector<16xi32>], vector<16xf32>,
      %add3A_320 = arith.addf %gather3A_319, %gather3A_318 : vector<16xf32>
      tpu.vector_store_idx %arg15[%broadcast_in_dim3A_86, %add3A_317], %add3A_320 : memref<16x1008xf32, #tpu.memory_space<vmem>>[vector<16xi32>, vector<16xi32>], vector<16xf32>,
      %add3A_321 = arith.constant 384 : i32
      %add3A_322 = vector.broadcast %add3A_321 : i32 to vector<16xi32>
      %add3A_323 = arith.addi %add3A_322, %iota3A : vector<16xi32>
      %gather3A_324 = tpu.vector_load_idx %arg15[%add3A_176, %add3A_323] : memref<16x1008xf32, #tpu.memory_space<vmem>>[vector<16xi32>, vector<16xi32>], vector<16xf32>,
      %gather3A_325 = tpu.vector_load_idx %arg15[%broadcast_in_dim3A_86, %add3A_323] : memref<16x1008xf32, #tpu.memory_space<vmem>>[vector<16xi32>, vector<16xi32>], vector<16xf32>,
      %add3A_326 = arith.addf %gather3A_325, %gather3A_324 : vector<16xf32>
      tpu.vector_store_idx %arg15[%broadcast_in_dim3A_86, %add3A_323], %add3A_326 : memref<16x1008xf32, #tpu.memory_space<vmem>>[vector<16xi32>, vector<16xi32>], vector<16xf32>,
      %add3A_327 = arith.constant 400 : i32
      %add3A_328 = vector.broadcast %add3A_327 : i32 to vector<16xi32>
      %add3A_329 = arith.addi %add3A_328, %iota3A : vector<16xi32>
      %gather3A_330 = tpu.vector_load_idx %arg15[%add3A_176, %add3A_329] : memref<16x1008xf32, #tpu.memory_space<vmem>>[vector<16xi32>, vector<16xi32>], vector<16xf32>,
      %gather3A_331 = tpu.vector_load_idx %arg15[%broadcast_in_dim3A_86, %add3A_329] : memref<16x1008xf32, #tpu.memory_space<vmem>>[vector<16xi32>, vector<16xi32>], vector<16xf32>,
      %add3A_332 = arith.addf %gather3A_331, %gather3A_330 : vector<16xf32>
      tpu.vector_store_idx %arg15[%broadcast_in_dim3A_86, %add3A_329], %add3A_332 : memref<16x1008xf32, #tpu.memory_space<vmem>>[vector<16xi32>, vector<16xi32>], vector<16xf32>,
      %add3A_333 = arith.constant 416 : i32
      %add3A_334 = vector.broadcast %add3A_333 : i32 to vector<16xi32>
      %add3A_335 = arith.addi %add3A_334, %iota3A : vector<16xi32>
      %gather3A_336 = tpu.vector_load_idx %arg15[%add3A_176, %add3A_335] : memref<16x1008xf32, #tpu.memory_space<vmem>>[vector<16xi32>, vector<16xi32>], vector<16xf32>,
      %gather3A_337 = tpu.vector_load_idx %arg15[%broadcast_in_dim3A_86, %add3A_335] : memref<16x1008xf32, #tpu.memory_space<vmem>>[vector<16xi32>, vector<16xi32>], vector<16xf32>,
      %add3A_338 = arith.addf %gather3A_337, %gather3A_336 : vector<16xf32>
      tpu.vector_store_idx %arg15[%broadcast_in_dim3A_86, %add3A_335], %add3A_338 : memref<16x1008xf32, #tpu.memory_space<vmem>>[vector<16xi32>, vector<16xi32>], vector<16xf32>,
      %add3A_339 = arith.constant 432 : i32
      %add3A_340 = vector.broadcast %add3A_339 : i32 to vector<16xi32>
      %add3A_341 = arith.addi %add3A_340, %iota3A : vector<16xi32>
      %gather3A_342 = tpu.vector_load_idx %arg15[%add3A_176, %add3A_341] : memref<16x1008xf32, #tpu.memory_space<vmem>>[vector<16xi32>, vector<16xi32>], vector<16xf32>,
      %gather3A_343 = tpu.vector_load_idx %arg15[%broadcast_in_dim3A_86, %add3A_341] : memref<16x1008xf32, #tpu.memory_space<vmem>>[vector<16xi32>, vector<16xi32>], vector<16xf32>,
      %add3A_344 = arith.addf %gather3A_343, %gather3A_342 : vector<16xf32>
      tpu.vector_store_idx %arg15[%broadcast_in_dim3A_86, %add3A_341], %add3A_344 : memref<16x1008xf32, #tpu.memory_space<vmem>>[vector<16xi32>, vector<16xi32>], vector<16xf32>,
      %add3A_345 = arith.constant 448 : i32
      %add3A_346 = vector.broadcast %add3A_345 : i32 to vector<16xi32>
      %add3A_347 = arith.addi %add3A_346, %iota3A : vector<16xi32>
      %gather3A_348 = tpu.vector_load_idx %arg15[%add3A_176, %add3A_347] : memref<16x1008xf32, #tpu.memory_space<vmem>>[vector<16xi32>, vector<16xi32>], vector<16xf32>,
      %gather3A_349 = tpu.vector_load_idx %arg15[%broadcast_in_dim3A_86, %add3A_347] : memref<16x1008xf32, #tpu.memory_space<vmem>>[vector<16xi32>, vector<16xi32>], vector<16xf32>,
      %add3A_350 = arith.addf %gather3A_349, %gather3A_348 : vector<16xf32>
      tpu.vector_store_idx %arg15[%broadcast_in_dim3A_86, %add3A_347], %add3A_350 : memref<16x1008xf32, #tpu.memory_space<vmem>>[vector<16xi32>, vector<16xi32>], vector<16xf32>,
      %add3A_351 = arith.constant 464 : i32
      %add3A_352 = vector.broadcast %add3A_351 : i32 to vector<16xi32>
      %add3A_353 = arith.addi %add3A_352, %iota3A : vector<16xi32>
      %gather3A_354 = tpu.vector_load_idx %arg15[%add3A_176, %add3A_353] : memref<16x1008xf32, #tpu.memory_space<vmem>>[vector<16xi32>, vector<16xi32>], vector<16xf32>,
      %gather3A_355 = tpu.vector_load_idx %arg15[%broadcast_in_dim3A_86, %add3A_353] : memref<16x1008xf32, #tpu.memory_space<vmem>>[vector<16xi32>, vector<16xi32>], vector<16xf32>,
      %add3A_356 = arith.addf %gather3A_355, %gather3A_354 : vector<16xf32>
      tpu.vector_store_idx %arg15[%broadcast_in_dim3A_86, %add3A_353], %add3A_356 : memref<16x1008xf32, #tpu.memory_space<vmem>>[vector<16xi32>, vector<16xi32>], vector<16xf32>,
      %add3A_357 = arith.constant 480 : i32
      %add3A_358 = vector.broadcast %add3A_357 : i32 to vector<16xi32>
      %add3A_359 = arith.addi %add3A_358, %iota3A : vector<16xi32>
      %gather3A_360 = tpu.vector_load_idx %arg15[%add3A_176, %add3A_359] : memref<16x1008xf32, #tpu.memory_space<vmem>>[vector<16xi32>, vector<16xi32>], vector<16xf32>,
      %gather3A_361 = tpu.vector_load_idx %arg15[%broadcast_in_dim3A_86, %add3A_359] : memref<16x1008xf32, #tpu.memory_space<vmem>>[vector<16xi32>, vector<16xi32>], vector<16xf32>,
      %add3A_362 = arith.addf %gather3A_361, %gather3A_360 : vector<16xf32>
      tpu.vector_store_idx %arg15[%broadcast_in_dim3A_86, %add3A_359], %add3A_362 : memref<16x1008xf32, #tpu.memory_space<vmem>>[vector<16xi32>, vector<16xi32>], vector<16xf32>,
      %add3A_363 = arith.constant 496 : i32
      %add3A_364 = vector.broadcast %add3A_363 : i32 to vector<16xi32>
      %add3A_365 = arith.addi %add3A_364, %iota3A : vector<16xi32>
      %gather3A_366 = tpu.vector_load_idx %arg15[%add3A_176, %add3A_365] : memref<16x1008xf32, #tpu.memory_space<vmem>>[vector<16xi32>, vector<16xi32>], vector<16xf32>,
      %gather3A_367 = tpu.vector_load_idx %arg15[%broadcast_in_dim3A_86, %add3A_365] : memref<16x1008xf32, #tpu.memory_space<vmem>>[vector<16xi32>, vector<16xi32>], vector<16xf32>,
      %add3A_368 = arith.addf %gather3A_367, %gather3A_366 : vector<16xf32>
      tpu.vector_store_idx %arg15[%broadcast_in_dim3A_86, %add3A_365], %add3A_368 : memref<16x1008xf32, #tpu.memory_space<vmem>>[vector<16xi32>, vector<16xi32>], vector<16xf32>,
      %add3A_369 = arith.constant 512 : i32
      %add3A_370 = vector.broadcast %add3A_369 : i32 to vector<16xi32>
      %add3A_371 = arith.addi %add3A_370, %iota3A : vector<16xi32>
      %gather3A_372 = tpu.vector_load_idx %arg15[%add3A_176, %add3A_371] : memref<16x1008xf32, #tpu.memory_space<vmem>>[vector<16xi32>, vector<16xi32>], vector<16xf32>,
      %gather3A_373 = tpu.vector_load_idx %arg15[%broadcast_in_dim3A_86, %add3A_371] : memref<16x1008xf32, #tpu.memory_space<vmem>>[vector<16xi32>, vector<16xi32>], vector<16xf32>,
      %add3A_374 = arith.addf %gather3A_373, %gather3A_372 : vector<16xf32>
      tpu.vector_store_idx %arg15[%broadcast_in_dim3A_86, %add3A_371], %add3A_374 : memref<16x1008xf32, #tpu.memory_space<vmem>>[vector<16xi32>, vector<16xi32>], vector<16xf32>,
      %add3A_375 = arith.constant 528 : i32
      %add3A_376 = vector.broadcast %add3A_375 : i32 to vector<16xi32>
      %add3A_377 = arith.addi %add3A_376, %iota3A : vector<16xi32>
      %gather3A_378 = tpu.vector_load_idx %arg15[%add3A_176, %add3A_377] : memref<16x1008xf32, #tpu.memory_space<vmem>>[vector<16xi32>, vector<16xi32>], vector<16xf32>,
      %gather3A_379 = tpu.vector_load_idx %arg15[%broadcast_in_dim3A_86, %add3A_377] : memref<16x1008xf32, #tpu.memory_space<vmem>>[vector<16xi32>, vector<16xi32>], vector<16xf32>,
      %add3A_380 = arith.addf %gather3A_379, %gather3A_378 : vector<16xf32>
      tpu.vector_store_idx %arg15[%broadcast_in_dim3A_86, %add3A_377], %add3A_380 : memref<16x1008xf32, #tpu.memory_space<vmem>>[vector<16xi32>, vector<16xi32>], vector<16xf32>,
      %add3A_381 = arith.constant 544 : i32
      %add3A_382 = vector.broadcast %add3A_381 : i32 to vector<16xi32>
      %add3A_383 = arith.addi %add3A_382, %iota3A : vector<16xi32>
      %gather3A_384 = tpu.vector_load_idx %arg15[%add3A_176, %add3A_383] : memref<16x1008xf32, #tpu.memory_space<vmem>>[vector<16xi32>, vector<16xi32>], vector<16xf32>,
      %gather3A_385 = tpu.vector_load_idx %arg15[%broadcast_in_dim3A_86, %add3A_383] : memref<16x1008xf32, #tpu.memory_space<vmem>>[vector<16xi32>, vector<16xi32>], vector<16xf32>,
      %add3A_386 = arith.addf %gather3A_385, %gather3A_384 : vector<16xf32>
      tpu.vector_store_idx %arg15[%broadcast_in_dim3A_86, %add3A_383], %add3A_386 : memref<16x1008xf32, #tpu.memory_space<vmem>>[vector<16xi32>, vector<16xi32>], vector<16xf32>,
      %add3A_387 = arith.constant 560 : i32
      %add3A_388 = vector.broadcast %add3A_387 : i32 to vector<16xi32>
      %add3A_389 = arith.addi %add3A_388, %iota3A : vector<16xi32>
      %gather3A_390 = tpu.vector_load_idx %arg15[%add3A_176, %add3A_389] : memref<16x1008xf32, #tpu.memory_space<vmem>>[vector<16xi32>, vector<16xi32>], vector<16xf32>,
      %gather3A_391 = tpu.vector_load_idx %arg15[%broadcast_in_dim3A_86, %add3A_389] : memref<16x1008xf32, #tpu.memory_space<vmem>>[vector<16xi32>, vector<16xi32>], vector<16xf32>,
      %add3A_392 = arith.addf %gather3A_391, %gather3A_390 : vector<16xf32>
      tpu.vector_store_idx %arg15[%broadcast_in_dim3A_86, %add3A_389], %add3A_392 : memref<16x1008xf32, #tpu.memory_space<vmem>>[vector<16xi32>, vector<16xi32>], vector<16xf32>,
      %add3A_393 = arith.constant 576 : i32
      %add3A_394 = vector.broadcast %add3A_393 : i32 to vector<16xi32>
      %add3A_395 = arith.addi %add3A_394, %iota3A : vector<16xi32>
      %gather3A_396 = tpu.vector_load_idx %arg15[%add3A_176, %add3A_395] : memref<16x1008xf32, #tpu.memory_space<vmem>>[vector<16xi32>, vector<16xi32>], vector<16xf32>,
      %gather3A_397 = tpu.vector_load_idx %arg15[%broadcast_in_dim3A_86, %add3A_395] : memref<16x1008xf32, #tpu.memory_space<vmem>>[vector<16xi32>, vector<16xi32>], vector<16xf32>,
      %add3A_398 = arith.addf %gather3A_397, %gather3A_396 : vector<16xf32>
      tpu.vector_store_idx %arg15[%broadcast_in_dim3A_86, %add3A_395], %add3A_398 : memref<16x1008xf32, #tpu.memory_space<vmem>>[vector<16xi32>, vector<16xi32>], vector<16xf32>,
      %add3A_399 = arith.constant 592 : i32
      %add3A_400 = vector.broadcast %add3A_399 : i32 to vector<16xi32>
      %add3A_401 = arith.addi %add3A_400, %iota3A : vector<16xi32>
      %gather3A_402 = tpu.vector_load_idx %arg15[%add3A_176, %add3A_401] : memref<16x1008xf32, #tpu.memory_space<vmem>>[vector<16xi32>, vector<16xi32>], vector<16xf32>,
      %gather3A_403 = tpu.vector_load_idx %arg15[%broadcast_in_dim3A_86, %add3A_401] : memref<16x1008xf32, #tpu.memory_space<vmem>>[vector<16xi32>, vector<16xi32>], vector<16xf32>,
      %add3A_404 = arith.addf %gather3A_403, %gather3A_402 : vector<16xf32>
      tpu.vector_store_idx %arg15[%broadcast_in_dim3A_86, %add3A_401], %add3A_404 : memref<16x1008xf32, #tpu.memory_space<vmem>>[vector<16xi32>, vector<16xi32>], vector<16xf32>,
      %add3A_405 = arith.constant 608 : i32
      %add3A_406 = vector.broadcast %add3A_405 : i32 to vector<16xi32>
      %add3A_407 = arith.addi %add3A_406, %iota3A : vector<16xi32>
      %gather3A_408 = tpu.vector_load_idx %arg15[%add3A_176, %add3A_407] : memref<16x1008xf32, #tpu.memory_space<vmem>>[vector<16xi32>, vector<16xi32>], vector<16xf32>,
      %gather3A_409 = tpu.vector_load_idx %arg15[%broadcast_in_dim3A_86, %add3A_407] : memref<16x1008xf32, #tpu.memory_space<vmem>>[vector<16xi32>, vector<16xi32>], vector<16xf32>,
      %add3A_410 = arith.addf %gather3A_409, %gather3A_408 : vector<16xf32>
      tpu.vector_store_idx %arg15[%broadcast_in_dim3A_86, %add3A_407], %add3A_410 : memref<16x1008xf32, #tpu.memory_space<vmem>>[vector<16xi32>, vector<16xi32>], vector<16xf32>,
      %add3A_411 = arith.constant 624 : i32
      %add3A_412 = vector.broadcast %add3A_411 : i32 to vector<16xi32>
      %add3A_413 = arith.addi %add3A_412, %iota3A : vector<16xi32>
      %gather3A_414 = tpu.vector_load_idx %arg15[%add3A_176, %add3A_413] : memref<16x1008xf32, #tpu.memory_space<vmem>>[vector<16xi32>, vector<16xi32>], vector<16xf32>,
      %gather3A_415 = tpu.vector_load_idx %arg15[%broadcast_in_dim3A_86, %add3A_413] : memref<16x1008xf32, #tpu.memory_space<vmem>>[vector<16xi32>, vector<16xi32>], vector<16xf32>,
      %add3A_416 = arith.addf %gather3A_415, %gather3A_414 : vector<16xf32>
      tpu.vector_store_idx %arg15[%broadcast_in_dim3A_86, %add3A_413], %add3A_416 : memref<16x1008xf32, #tpu.memory_space<vmem>>[vector<16xi32>, vector<16xi32>], vector<16xf32>,
      %add3A_417 = arith.constant 640 : i32
      %add3A_418 = vector.broadcast %add3A_417 : i32 to vector<16xi32>
      %add3A_419 = arith.addi %add3A_418, %iota3A : vector<16xi32>
      %gather3A_420 = tpu.vector_load_idx %arg15[%add3A_176, %add3A_419] : memref<16x1008xf32, #tpu.memory_space<vmem>>[vector<16xi32>, vector<16xi32>], vector<16xf32>,
      %gather3A_421 = tpu.vector_load_idx %arg15[%broadcast_in_dim3A_86, %add3A_419] : memref<16x1008xf32, #tpu.memory_space<vmem>>[vector<16xi32>, vector<16xi32>], vector<16xf32>,
      %add3A_422 = arith.addf %gather3A_421, %gather3A_420 : vector<16xf32>
      tpu.vector_store_idx %arg15[%broadcast_in_dim3A_86, %add3A_419], %add3A_422 : memref<16x1008xf32, #tpu.memory_space<vmem>>[vector<16xi32>, vector<16xi32>], vector<16xf32>,
      %add3A_423 = arith.constant 656 : i32
      %add3A_424 = vector.broadcast %add3A_423 : i32 to vector<16xi32>
      %add3A_425 = arith.addi %add3A_424, %iota3A : vector<16xi32>
      %gather3A_426 = tpu.vector_load_idx %arg15[%add3A_176, %add3A_425] : memref<16x1008xf32, #tpu.memory_space<vmem>>[vector<16xi32>, vector<16xi32>], vector<16xf32>,
      %gather3A_427 = tpu.vector_load_idx %arg15[%broadcast_in_dim3A_86, %add3A_425] : memref<16x1008xf32, #tpu.memory_space<vmem>>[vector<16xi32>, vector<16xi32>], vector<16xf32>,
      %add3A_428 = arith.addf %gather3A_427, %gather3A_426 : vector<16xf32>
      tpu.vector_store_idx %arg15[%broadcast_in_dim3A_86, %add3A_425], %add3A_428 : memref<16x1008xf32, #tpu.memory_space<vmem>>[vector<16xi32>, vector<16xi32>], vector<16xf32>,
      %add3A_429 = arith.constant 672 : i32
      %add3A_430 = vector.broadcast %add3A_429 : i32 to vector<16xi32>
      %add3A_431 = arith.addi %add3A_430, %iota3A : vector<16xi32>
      %gather3A_432 = tpu.vector_load_idx %arg15[%add3A_176, %add3A_431] : memref<16x1008xf32, #tpu.memory_space<vmem>>[vector<16xi32>, vector<16xi32>], vector<16xf32>,
      %gather3A_433 = tpu.vector_load_idx %arg15[%broadcast_in_dim3A_86, %add3A_431] : memref<16x1008xf32, #tpu.memory_space<vmem>>[vector<16xi32>, vector<16xi32>], vector<16xf32>,
      %add3A_434 = arith.addf %gather3A_433, %gather3A_432 : vector<16xf32>
      tpu.vector_store_idx %arg15[%broadcast_in_dim3A_86, %add3A_431], %add3A_434 : memref<16x1008xf32, #tpu.memory_space<vmem>>[vector<16xi32>, vector<16xi32>], vector<16xf32>,
      %add3A_435 = arith.constant 688 : i32
      %add3A_436 = vector.broadcast %add3A_435 : i32 to vector<16xi32>
      %add3A_437 = arith.addi %add3A_436, %iota3A : vector<16xi32>
      %gather3A_438 = tpu.vector_load_idx %arg15[%add3A_176, %add3A_437] : memref<16x1008xf32, #tpu.memory_space<vmem>>[vector<16xi32>, vector<16xi32>], vector<16xf32>,
      %gather3A_439 = tpu.vector_load_idx %arg15[%broadcast_in_dim3A_86, %add3A_437] : memref<16x1008xf32, #tpu.memory_space<vmem>>[vector<16xi32>, vector<16xi32>], vector<16xf32>,
      %add3A_440 = arith.addf %gather3A_439, %gather3A_438 : vector<16xf32>
      tpu.vector_store_idx %arg15[%broadcast_in_dim3A_86, %add3A_437], %add3A_440 : memref<16x1008xf32, #tpu.memory_space<vmem>>[vector<16xi32>, vector<16xi32>], vector<16xf32>,
      %add3A_441 = arith.constant 704 : i32
      %add3A_442 = vector.broadcast %add3A_441 : i32 to vector<16xi32>
      %add3A_443 = arith.addi %add3A_442, %iota3A : vector<16xi32>
      %gather3A_444 = tpu.vector_load_idx %arg15[%add3A_176, %add3A_443] : memref<16x1008xf32, #tpu.memory_space<vmem>>[vector<16xi32>, vector<16xi32>], vector<16xf32>,
      %gather3A_445 = tpu.vector_load_idx %arg15[%broadcast_in_dim3A_86, %add3A_443] : memref<16x1008xf32, #tpu.memory_space<vmem>>[vector<16xi32>, vector<16xi32>], vector<16xf32>,
      %add3A_446 = arith.addf %gather3A_445, %gather3A_444 : vector<16xf32>
      tpu.vector_store_idx %arg15[%broadcast_in_dim3A_86, %add3A_443], %add3A_446 : memref<16x1008xf32, #tpu.memory_space<vmem>>[vector<16xi32>, vector<16xi32>], vector<16xf32>,
      %add3A_447 = arith.constant 720 : i32
      %add3A_448 = vector.broadcast %add3A_447 : i32 to vector<16xi32>
      %add3A_449 = arith.addi %add3A_448, %iota3A : vector<16xi32>
      %gather3A_450 = tpu.vector_load_idx %arg15[%add3A_176, %add3A_449] : memref<16x1008xf32, #tpu.memory_space<vmem>>[vector<16xi32>, vector<16xi32>], vector<16xf32>,
      %gather3A_451 = tpu.vector_load_idx %arg15[%broadcast_in_dim3A_86, %add3A_449] : memref<16x1008xf32, #tpu.memory_space<vmem>>[vector<16xi32>, vector<16xi32>], vector<16xf32>,
      %add3A_452 = arith.addf %gather3A_451, %gather3A_450 : vector<16xf32>
      tpu.vector_store_idx %arg15[%broadcast_in_dim3A_86, %add3A_449], %add3A_452 : memref<16x1008xf32, #tpu.memory_space<vmem>>[vector<16xi32>, vector<16xi32>], vector<16xf32>,
      %add3A_453 = arith.constant 736 : i32
      %add3A_454 = vector.broadcast %add3A_453 : i32 to vector<16xi32>
      %add3A_455 = arith.addi %add3A_454, %iota3A : vector<16xi32>
      %gather3A_456 = tpu.vector_load_idx %arg15[%add3A_176, %add3A_455] : memref<16x1008xf32, #tpu.memory_space<vmem>>[vector<16xi32>, vector<16xi32>], vector<16xf32>,
      %gather3A_457 = tpu.vector_load_idx %arg15[%broadcast_in_dim3A_86, %add3A_455] : memref<16x1008xf32, #tpu.memory_space<vmem>>[vector<16xi32>, vector<16xi32>], vector<16xf32>,
      %add3A_458 = arith.addf %gather3A_457, %gather3A_456 : vector<16xf32>
      tpu.vector_store_idx %arg15[%broadcast_in_dim3A_86, %add3A_455], %add3A_458 : memref<16x1008xf32, #tpu.memory_space<vmem>>[vector<16xi32>, vector<16xi32>], vector<16xf32>,
      %add3A_459 = arith.constant 752 : i32
      %add3A_460 = vector.broadcast %add3A_459 : i32 to vector<16xi32>
      %add3A_461 = arith.addi %add3A_460, %iota3A : vector<16xi32>
      %gather3A_462 = tpu.vector_load_idx %arg15[%add3A_176, %add3A_461] : memref<16x1008xf32, #tpu.memory_space<vmem>>[vector<16xi32>, vector<16xi32>], vector<16xf32>,
      %gather3A_463 = tpu.vector_load_idx %arg15[%broadcast_in_dim3A_86, %add3A_461] : memref<16x1008xf32, #tpu.memory_space<vmem>>[vector<16xi32>, vector<16xi32>], vector<16xf32>,
      %add3A_464 = arith.addf %gather3A_463, %gather3A_462 : vector<16xf32>
      tpu.vector_store_idx %arg15[%broadcast_in_dim3A_86, %add3A_461], %add3A_464 : memref<16x1008xf32, #tpu.memory_space<vmem>>[vector<16xi32>, vector<16xi32>], vector<16xf32>,
      %add3A_465 = arith.constant 768 : i32
      %add3A_466 = vector.broadcast %add3A_465 : i32 to vector<16xi32>
      %add3A_467 = arith.addi %add3A_466, %iota3A : vector<16xi32>
      %gather3A_468 = tpu.vector_load_idx %arg15[%add3A_176, %add3A_467] : memref<16x1008xf32, #tpu.memory_space<vmem>>[vector<16xi32>, vector<16xi32>], vector<16xf32>,
      %gather3A_469 = tpu.vector_load_idx %arg15[%broadcast_in_dim3A_86, %add3A_467] : memref<16x1008xf32, #tpu.memory_space<vmem>>[vector<16xi32>, vector<16xi32>], vector<16xf32>,
      %add3A_470 = arith.addf %gather3A_469, %gather3A_468 : vector<16xf32>
      tpu.vector_store_idx %arg15[%broadcast_in_dim3A_86, %add3A_467], %add3A_470 : memref<16x1008xf32, #tpu.memory_space<vmem>>[vector<16xi32>, vector<16xi32>], vector<16xf32>,
      %add3A_471 = arith.constant 784 : i32
      %add3A_472 = vector.broadcast %add3A_471 : i32 to vector<16xi32>
      %add3A_473 = arith.addi %add3A_472, %iota3A : vector<16xi32>
      %gather3A_474 = tpu.vector_load_idx %arg15[%add3A_176, %add3A_473] : memref<16x1008xf32, #tpu.memory_space<vmem>>[vector<16xi32>, vector<16xi32>], vector<16xf32>,
      %gather3A_475 = tpu.vector_load_idx %arg15[%broadcast_in_dim3A_86, %add3A_473] : memref<16x1008xf32, #tpu.memory_space<vmem>>[vector<16xi32>, vector<16xi32>], vector<16xf32>,
      %add3A_476 = arith.addf %gather3A_475, %gather3A_474 : vector<16xf32>
      tpu.vector_store_idx %arg15[%broadcast_in_dim3A_86, %add3A_473], %add3A_476 : memref<16x1008xf32, #tpu.memory_space<vmem>>[vector<16xi32>, vector<16xi32>], vector<16xf32>,
      %add3A_477 = arith.constant 800 : i32
      %add3A_478 = vector.broadcast %add3A_477 : i32 to vector<16xi32>
      %add3A_479 = arith.addi %add3A_478, %iota3A : vector<16xi32>
      %gather3A_480 = tpu.vector_load_idx %arg15[%add3A_176, %add3A_479] : memref<16x1008xf32, #tpu.memory_space<vmem>>[vector<16xi32>, vector<16xi32>], vector<16xf32>,
      %gather3A_481 = tpu.vector_load_idx %arg15[%broadcast_in_dim3A_86, %add3A_479] : memref<16x1008xf32, #tpu.memory_space<vmem>>[vector<16xi32>, vector<16xi32>], vector<16xf32>,
      %add3A_482 = arith.addf %gather3A_481, %gather3A_480 : vector<16xf32>
      tpu.vector_store_idx %arg15[%broadcast_in_dim3A_86, %add3A_479], %add3A_482 : memref<16x1008xf32, #tpu.memory_space<vmem>>[vector<16xi32>, vector<16xi32>], vector<16xf32>,
      %add3A_483 = arith.constant 816 : i32
      %add3A_484 = vector.broadcast %add3A_483 : i32 to vector<16xi32>
      %add3A_485 = arith.addi %add3A_484, %iota3A : vector<16xi32>
      %gather3A_486 = tpu.vector_load_idx %arg15[%add3A_176, %add3A_485] : memref<16x1008xf32, #tpu.memory_space<vmem>>[vector<16xi32>, vector<16xi32>], vector<16xf32>,
      %gather3A_487 = tpu.vector_load_idx %arg15[%broadcast_in_dim3A_86, %add3A_485] : memref<16x1008xf32, #tpu.memory_space<vmem>>[vector<16xi32>, vector<16xi32>], vector<16xf32>,
      %add3A_488 = arith.addf %gather3A_487, %gather3A_486 : vector<16xf32>
      tpu.vector_store_idx %arg15[%broadcast_in_dim3A_86, %add3A_485], %add3A_488 : memref<16x1008xf32, #tpu.memory_space<vmem>>[vector<16xi32>, vector<16xi32>], vector<16xf32>,
      %add3A_489 = arith.constant 832 : i32
      %add3A_490 = vector.broadcast %add3A_489 : i32 to vector<16xi32>
      %add3A_491 = arith.addi %add3A_490, %iota3A : vector<16xi32>
      %gather3A_492 = tpu.vector_load_idx %arg15[%add3A_176, %add3A_491] : memref<16x1008xf32, #tpu.memory_space<vmem>>[vector<16xi32>, vector<16xi32>], vector<16xf32>,
      %gather3A_493 = tpu.vector_load_idx %arg15[%broadcast_in_dim3A_86, %add3A_491] : memref<16x1008xf32, #tpu.memory_space<vmem>>[vector<16xi32>, vector<16xi32>], vector<16xf32>,
      %add3A_494 = arith.addf %gather3A_493, %gather3A_492 : vector<16xf32>
      tpu.vector_store_idx %arg15[%broadcast_in_dim3A_86, %add3A_491], %add3A_494 : memref<16x1008xf32, #tpu.memory_space<vmem>>[vector<16xi32>, vector<16xi32>], vector<16xf32>,
      %add3A_495 = arith.constant 848 : i32
      %add3A_496 = vector.broadcast %add3A_495 : i32 to vector<16xi32>
      %add3A_497 = arith.addi %add3A_496, %iota3A : vector<16xi32>
      %gather3A_498 = tpu.vector_load_idx %arg15[%add3A_176, %add3A_497] : memref<16x1008xf32, #tpu.memory_space<vmem>>[vector<16xi32>, vector<16xi32>], vector<16xf32>,
      %gather3A_499 = tpu.vector_load_idx %arg15[%broadcast_in_dim3A_86, %add3A_497] : memref<16x1008xf32, #tpu.memory_space<vmem>>[vector<16xi32>, vector<16xi32>], vector<16xf32>,
      %add3A_500 = arith.addf %gather3A_499, %gather3A_498 : vector<16xf32>
      tpu.vector_store_idx %arg15[%broadcast_in_dim3A_86, %add3A_497], %add3A_500 : memref<16x1008xf32, #tpu.memory_space<vmem>>[vector<16xi32>, vector<16xi32>], vector<16xf32>,
      %add3A_501 = arith.constant 864 : i32
      %add3A_502 = vector.broadcast %add3A_501 : i32 to vector<16xi32>
      %add3A_503 = arith.addi %add3A_502, %iota3A : vector<16xi32>
      %gather3A_504 = tpu.vector_load_idx %arg15[%add3A_176, %add3A_503] : memref<16x1008xf32, #tpu.memory_space<vmem>>[vector<16xi32>, vector<16xi32>], vector<16xf32>,
      %gather3A_505 = tpu.vector_load_idx %arg15[%broadcast_in_dim3A_86, %add3A_503] : memref<16x1008xf32, #tpu.memory_space<vmem>>[vector<16xi32>, vector<16xi32>], vector<16xf32>,
      %add3A_506 = arith.addf %gather3A_505, %gather3A_504 : vector<16xf32>
      tpu.vector_store_idx %arg15[%broadcast_in_dim3A_86, %add3A_503], %add3A_506 : memref<16x1008xf32, #tpu.memory_space<vmem>>[vector<16xi32>, vector<16xi32>], vector<16xf32>,
      %add3A_507 = arith.constant 880 : i32
      %add3A_508 = vector.broadcast %add3A_507 : i32 to vector<16xi32>
      %add3A_509 = arith.addi %add3A_508, %iota3A : vector<16xi32>
      %gather3A_510 = tpu.vector_load_idx %arg15[%add3A_176, %add3A_509] : memref<16x1008xf32, #tpu.memory_space<vmem>>[vector<16xi32>, vector<16xi32>], vector<16xf32>,
      %gather3A_511 = tpu.vector_load_idx %arg15[%broadcast_in_dim3A_86, %add3A_509] : memref<16x1008xf32, #tpu.memory_space<vmem>>[vector<16xi32>, vector<16xi32>], vector<16xf32>,
      %add3A_512 = arith.addf %gather3A_511, %gather3A_510 : vector<16xf32>
      tpu.vector_store_idx %arg15[%broadcast_in_dim3A_86, %add3A_509], %add3A_512 : memref<16x1008xf32, #tpu.memory_space<vmem>>[vector<16xi32>, vector<16xi32>], vector<16xf32>,
      %add3A_513 = arith.constant 896 : i32
      %add3A_514 = vector.broadcast %add3A_513 : i32 to vector<16xi32>
      %add3A_515 = arith.addi %add3A_514, %iota3A : vector<16xi32>
      %gather3A_516 = tpu.vector_load_idx %arg15[%add3A_176, %add3A_515] : memref<16x1008xf32, #tpu.memory_space<vmem>>[vector<16xi32>, vector<16xi32>], vector<16xf32>,
      %gather3A_517 = tpu.vector_load_idx %arg15[%broadcast_in_dim3A_86, %add3A_515] : memref<16x1008xf32, #tpu.memory_space<vmem>>[vector<16xi32>, vector<16xi32>], vector<16xf32>,
      %add3A_518 = arith.addf %gather3A_517, %gather3A_516 : vector<16xf32>
      tpu.vector_store_idx %arg15[%broadcast_in_dim3A_86, %add3A_515], %add3A_518 : memref<16x1008xf32, #tpu.memory_space<vmem>>[vector<16xi32>, vector<16xi32>], vector<16xf32>,
      %add3A_519 = arith.constant 912 : i32
      %add3A_520 = vector.broadcast %add3A_519 : i32 to vector<16xi32>
      %add3A_521 = arith.addi %add3A_520, %iota3A : vector<16xi32>
      %gather3A_522 = tpu.vector_load_idx %arg15[%add3A_176, %add3A_521] : memref<16x1008xf32, #tpu.memory_space<vmem>>[vector<16xi32>, vector<16xi32>], vector<16xf32>,
      %gather3A_523 = tpu.vector_load_idx %arg15[%broadcast_in_dim3A_86, %add3A_521] : memref<16x1008xf32, #tpu.memory_space<vmem>>[vector<16xi32>, vector<16xi32>], vector<16xf32>,
      %add3A_524 = arith.addf %gather3A_523, %gather3A_522 : vector<16xf32>
      tpu.vector_store_idx %arg15[%broadcast_in_dim3A_86, %add3A_521], %add3A_524 : memref<16x1008xf32, #tpu.memory_space<vmem>>[vector<16xi32>, vector<16xi32>], vector<16xf32>,
      %add3A_525 = arith.constant 928 : i32
      %add3A_526 = vector.broadcast %add3A_525 : i32 to vector<16xi32>
      %add3A_527 = arith.addi %add3A_526, %iota3A : vector<16xi32>
      %gather3A_528 = tpu.vector_load_idx %arg15[%add3A_176, %add3A_527] : memref<16x1008xf32, #tpu.memory_space<vmem>>[vector<16xi32>, vector<16xi32>], vector<16xf32>,
      %gather3A_529 = tpu.vector_load_idx %arg15[%broadcast_in_dim3A_86, %add3A_527] : memref<16x1008xf32, #tpu.memory_space<vmem>>[vector<16xi32>, vector<16xi32>], vector<16xf32>,
      %add3A_530 = arith.addf %gather3A_529, %gather3A_528 : vector<16xf32>
      tpu.vector_store_idx %arg15[%broadcast_in_dim3A_86, %add3A_527], %add3A_530 : memref<16x1008xf32, #tpu.memory_space<vmem>>[vector<16xi32>, vector<16xi32>], vector<16xf32>,
      %add3A_531 = arith.constant 944 : i32
      %add3A_532 = vector.broadcast %add3A_531 : i32 to vector<16xi32>
      %add3A_533 = arith.addi %add3A_532, %iota3A : vector<16xi32>
      %gather3A_534 = tpu.vector_load_idx %arg15[%add3A_176, %add3A_533] : memref<16x1008xf32, #tpu.memory_space<vmem>>[vector<16xi32>, vector<16xi32>], vector<16xf32>,
      %gather3A_535 = tpu.vector_load_idx %arg15[%broadcast_in_dim3A_86, %add3A_533] : memref<16x1008xf32, #tpu.memory_space<vmem>>[vector<16xi32>, vector<16xi32>], vector<16xf32>,
      %add3A_536 = arith.addf %gather3A_535, %gather3A_534 : vector<16xf32>
      tpu.vector_store_idx %arg15[%broadcast_in_dim3A_86, %add3A_533], %add3A_536 : memref<16x1008xf32, #tpu.memory_space<vmem>>[vector<16xi32>, vector<16xi32>], vector<16xf32>,
      %add3A_537 = arith.constant 960 : i32
      %add3A_538 = vector.broadcast %add3A_537 : i32 to vector<16xi32>
      %add3A_539 = arith.addi %add3A_538, %iota3A : vector<16xi32>
      %gather3A_540 = tpu.vector_load_idx %arg15[%add3A_176, %add3A_539] : memref<16x1008xf32, #tpu.memory_space<vmem>>[vector<16xi32>, vector<16xi32>], vector<16xf32>,
      %gather3A_541 = tpu.vector_load_idx %arg15[%broadcast_in_dim3A_86, %add3A_539] : memref<16x1008xf32, #tpu.memory_space<vmem>>[vector<16xi32>, vector<16xi32>], vector<16xf32>,
      %add3A_542 = arith.addf %gather3A_541, %gather3A_540 : vector<16xf32>
      tpu.vector_store_idx %arg15[%broadcast_in_dim3A_86, %add3A_539], %add3A_542 : memref<16x1008xf32, #tpu.memory_space<vmem>>[vector<16xi32>, vector<16xi32>], vector<16xf32>,
      %add3A_543 = arith.constant 976 : i32
      %add3A_544 = vector.broadcast %add3A_543 : i32 to vector<16xi32>
      %add3A_545 = arith.addi %add3A_544, %iota3A : vector<16xi32>
      %gather3A_546 = tpu.vector_load_idx %arg15[%add3A_176, %add3A_545] : memref<16x1008xf32, #tpu.memory_space<vmem>>[vector<16xi32>, vector<16xi32>], vector<16xf32>,
      %gather3A_547 = tpu.vector_load_idx %arg15[%broadcast_in_dim3A_86, %add3A_545] : memref<16x1008xf32, #tpu.memory_space<vmem>>[vector<16xi32>, vector<16xi32>], vector<16xf32>,
      %add3A_548 = arith.addf %gather3A_547, %gather3A_546 : vector<16xf32>
      tpu.vector_store_idx %arg15[%broadcast_in_dim3A_86, %add3A_545], %add3A_548 : memref<16x1008xf32, #tpu.memory_space<vmem>>[vector<16xi32>, vector<16xi32>], vector<16xf32>,
      %add3A_549 = arith.constant 992 : i32
      %add3A_550 = vector.broadcast %add3A_549 : i32 to vector<16xi32>
      %add3A_551 = arith.addi %add3A_550, %iota3A : vector<16xi32>
      %gather3A_552 = tpu.vector_load_idx %arg15[%add3A_176, %add3A_551] : memref<16x1008xf32, #tpu.memory_space<vmem>>[vector<16xi32>, vector<16xi32>], vector<16xf32>,
      %gather3A_553 = tpu.vector_load_idx %arg15[%broadcast_in_dim3A_86, %add3A_551] : memref<16x1008xf32, #tpu.memory_space<vmem>>[vector<16xi32>, vector<16xi32>], vector<16xf32>,
      %add3A_554 = arith.addf %gather3A_553, %gather3A_552 : vector<16xf32>
      tpu.vector_store_idx %arg15[%broadcast_in_dim3A_86, %add3A_551], %add3A_554 : memref<16x1008xf32, #tpu.memory_space<vmem>>[vector<16xi32>, vector<16xi32>], vector<16xf32>,
    }
    %scan3A_173 = arith.constant 15 : i32
    %run_scoped3A = arith.constant 0 : i32
    "tpu.region"() ({
      %run_scoped3A_174 = tpu.sem_alloc : memref<!tpu.dma_semaphore, #tpu.memory_space<semaphore_mem>>
      %dma_start3A_175 = arith.constant 0 : i32
      %dma_start3A_176 = tpu.memref_slice %arg15[%run_scoped3A, %dma_start3A_175] : memref<16x1008xf32, #tpu.memory_space<vmem>> -> memref<1x1008xf32, #tpu.memory_space<vmem>>
      %dma_start3A_177 = tpu.memref_squeeze %dma_start3A_176 : memref<1x1008xf32, #tpu.memory_space<vmem>> -> memref<1008xf32, #tpu.memory_space<vmem>>
      %dma_start3A_178 = arith.constant 0 : i32
      %dma_start3A_179 = tpu.memref_slice %arg7[%add3A, %dma_start3A_178] : memref<32x1008xf32, #tpu.memory_space<hbm>> -> memref<1x1008xf32, #tpu.memory_space<hbm>>
      %dma_start3A_180 = tpu.memref_squeeze %dma_start3A_179 : memref<1x1008xf32, #tpu.memory_space<hbm>> -> memref<1008xf32, #tpu.memory_space<hbm>>
      %dma_start3A_181 = arith.constant 0 : i32
      %dma_start3A_182 = tpu.memref_slice %arg7[%add3A, %dma_start3A_181] : memref<32x1008xf32, #tpu.memory_space<hbm>> -> memref<1x1008xf32, #tpu.memory_space<hbm>>
      %dma_start3A_183 = tpu.memref_squeeze %dma_start3A_182 : memref<1x1008xf32, #tpu.memory_space<hbm>> -> memref<1008xf32, #tpu.memory_space<hbm>>
      %dma_start3A_184 = arith.constant 0 : i32
      %dma_start3A_185 = tpu.memref_slice %arg15[%run_scoped3A, %dma_start3A_184] : memref<16x1008xf32, #tpu.memory_space<vmem>> -> memref<1x1008xf32, #tpu.memory_space<vmem>>
      %dma_start3A_186 = tpu.memref_squeeze %dma_start3A_185 : memref<1x1008xf32, #tpu.memory_space<vmem>> -> memref<1008xf32, #tpu.memory_space<vmem>>
      tpu.enqueue_dma source(%dma_start3A_186 : memref<1008xf32, #tpu.memory_space<vmem>>) target(%dma_start3A_183 : memref<1008xf32, #tpu.memory_space<hbm>>) target_semaphore(%run_scoped3A_174 : memref<!tpu.dma_semaphore, #tpu.memory_space<semaphore_mem>>)
      %dma_wait3A = arith.constant 0 : i32
      %dma_wait3A_187 = tpu.memref_slice %arg15[%run_scoped3A, %dma_wait3A] : memref<16x1008xf32, #tpu.memory_space<vmem>> -> memref<1x1008xf32, #tpu.memory_space<vmem>>
      %dma_wait3A_188 = tpu.memref_squeeze %dma_wait3A_187 : memref<1x1008xf32, #tpu.memory_space<vmem>> -> memref<1008xf32, #tpu.memory_space<vmem>>
      %dma_wait3A_189 = arith.constant 0 : i32
      %dma_wait3A_190 = tpu.memref_slice %arg7[%add3A, %dma_wait3A_189] : memref<32x1008xf32, #tpu.memory_space<hbm>> -> memref<1x1008xf32, #tpu.memory_space<hbm>>
      %dma_wait3A_191 = tpu.memref_squeeze %dma_wait3A_190 : memref<1x1008xf32, #tpu.memory_space<hbm>> -> memref<1008xf32, #tpu.memory_space<hbm>>
      %dma_wait3A_192 = arith.constant 0 : i32
      %dma_wait3A_193 = tpu.memref_slice %arg7[%add3A, %dma_wait3A_192] : memref<32x1008xf32, #tpu.memory_space<hbm>> -> memref<1x1008xf32, #tpu.memory_space<hbm>>
      %dma_wait3A_194 = tpu.memref_squeeze %dma_wait3A_193 : memref<1x1008xf32, #tpu.memory_space<hbm>> -> memref<1008xf32, #tpu.memory_space<hbm>>
      %dma_wait3A_195 = arith.constant 0 : i32
      %dma_wait3A_196 = tpu.memref_slice %arg15[%run_scoped3A, %dma_wait3A_195] : memref<16x1008xf32, #tpu.memory_space<vmem>> -> memref<1x1008xf32, #tpu.memory_space<vmem>>
      %dma_wait3A_197 = tpu.memref_squeeze %dma_wait3A_196 : memref<1x1008xf32, #tpu.memory_space<vmem>> -> memref<1008xf32, #tpu.memory_space<vmem>>
      tpu.wait_dma2 semaphore(%run_scoped3A_174 : memref<!tpu.dma_semaphore, #tpu.memory_space<semaphore_mem>>) src(%dma_wait3A_197 : memref<1008xf32, #tpu.memory_space<vmem>>) dst(%dma_wait3A_194 : memref<1008xf32, #tpu.memory_space<hbm>>)
      tpu.yield
    }) : () -> ()
    return
  }
}

module attributes {stable_mosaic.version = 14 : i64} {
  func.func @_combine_body(%arg0: memref<32x1008xf32, #tpu.memory_space<vmem>>, %arg1: memref<1x1008xf32, #tpu.memory_space<vmem>>) attributes {dimension_semantics = [], scalar_prefetch = 0 : i64, scratch_operands = 0 : i64, tpu.core_type = #tpu.core_type<tc>} {
    %get3A = arith.constant 0 : index
    %get3A_0 = arith.constant 0 : index
    %get3A_1 = vector.load %arg0[%get3A, %get3A_0] : memref<32x1008xf32, #tpu.memory_space<vmem>>, vector<32x1008xf32>
    %reduce_sum3A = arith.constant dense<0.000000e+00> : vector<1008xf32>
    %reduce_sum3A_2 = vector.multi_reduction <add>, %get3A_1, %reduce_sum3A [0] : vector<32x1008xf32> to vector<1008xf32>
    %broadcast_in_dim3A = vector.shape_cast %reduce_sum3A_2 : vector<1008xf32> to vector<1x1008xf32>
    %swap3A = arith.constant 0 : index
    %swap3A_3 = arith.constant 0 : index
    %swap3A_4 = vector.load %arg1[%swap3A, %swap3A_3] : memref<1x1008xf32, #tpu.memory_space<vmem>>, vector<1x1008xf32>
    tpu.vector_store %arg1[%swap3A, %swap3A_3], %broadcast_in_dim3A {strides = array<i32>} : memref<1x1008xf32, #tpu.memory_space<vmem>>, vector<1x1008xf32>,
    return
  }
}

</mosaic_0001>

<sc_bundles>
// kernel: kernel.4.cloned.1.call-start
scs
__scs_entry_jumppad:
0x0: {  	(pc) =	sbr.rel $0x88, $3  }
0x1: {  	(tag) =	ssettag $0x0;
	lr =	simm.s32 $0x1  }
0x2: {  	[smem:$0x3F9C] =	sst lr;
	_ =	strace $0xD0000000  }
0x3: {  	_ = 	snop  }
0x4: {  	_ = 	snop  }
0x5: {  	_ = 	snop  }
0x6: {  	_ = 	snop  }
0x7: {  	_ = 	snop  }
__scs_overlays_trampoline_lowered:
0x8: {  	[smem:$0x3FAB] =	sst s0  }
0x9: {  	[smem:$0x3FAC] =	sst s1  }
0xa: {  	[smem:$0x3FAD] =	sst s2  }
0xb: {  	[smem:$0x3FAE] =	sst s3  }
0xc: {  	[smem:$0x3FAF] =	sst s4  }
0xd: {  	[smem:$0x3FB0] =	sst s5  }
0xe: {  	[smem:$0x3FB1] =	sst s6  }
0xf: {  	[smem:$0x3FB2] =	sst s7  }
0x10: {  	[smem:$0x3FB3] =	sst s8  }
0x11: {  	[smem:$0x3FB4] =	sst s9;
	s0 =	simm.s32 @!p0 $0x0  }
0x12: {  	s1 =	sld [smem:$0x3F9A];
	s0 =	simm.s32 @p0 $0x1  }
0x13: {  	[smem:$0x3FB5] =	sst s0;
	s0 =	simm.s32 @!p1 $0x0  }
0x14: {  	s2 =	sld [smem:$0x3F99];
	s0 =	simm.s32 @p1 $0x1  }
0x15: {  	[smem:$0x3FB6] =	sst s0;
	s0 =	simm.s32 @!p2 $0x0  }
0x16: {  	s3 =	sld [smem:$0x3FDB];
	s0 =	simm.s32 @p2 $0x1  }
0x17: {  	s4 =	simm.s32 $0x1BF5;
	[smem:$0x3FB8] =	sst s0  }
0x18: {  	s0 =	sld [smem:$0x3F9B];
	_ =	swait.ge [sflag:s4], $0x0  }
0x19: {  	s7 =	sld [smem:$0x3F9C]  }
0x1a: {  	s8 =	sadd.s32 $0xFFFFE003, lr  }
0x1b: {  	s9 =	sadd.s32 $0xFFFFFEF7, lr;
	s5 =	simm.s32 $0xFFFFFFFF;
	p2 =	slt.u32 s8, $0xFFFFF086  }
0x1c: {  	p1 =	slt.u32 s9, $0xF7A;
	s5 =	simm.s32 @!p2 $0x0  }
0x1d: {  	s5 =	simm.s32 @p1 $0x1;
	p0 =	seq.s32 s7, s2  }
0x1e: {  	s7 =	smul.u32 @!p0 $0xF7A, s2;
	p2 =	seq.s32 @!p0 s5, $0x0  }
0x1f: {  	s9 =	smul.u32 $0xF7A, s1;
	s8 =	simm.s32 @!p0 $0x1BF5;
	p2 =	por !p2, p0  }
0x20: {  	[sflag:s8] =	ssyncset.s32 @!p0 $0xFFFFF086;
	s6 =	sadd.s32 @!p0 s3, s7;
	s7 =	simm.s32 @!p0 $0x108  }
0x21: {  	s3 =	sadd.s32 s3, s9;
	s6 =	sadd.s32 @!p0 $0x88, s6;
	s7 =	simm.s32 @p2 $0x1082  }
0x22: {  	[simem:s7], [sflag:s8] =	dma.local @!p0 [hbm:s6], $0xF7A  }
0x23: {  	s9 =	sor.u32 $0xD0000000, s2;
	s6 =	simm.s32 $0x108;
	_ =	swait.ge @!p0 [sflag:s8], $0x0  }
0x24: {  	s3 =	sadd.s32 $0x88, s3;
	s6 =	simm.s32 @!p1 $0x1082;
	[sflag:s4] =	ssyncset.s32 $0xFFFFF086  }
0x25: {  	[simem:s6], [sflag:s4] =	dma.local [hbm:s3], $0xF7A  }
0x26: {  	[smem:$0x3F9C] =	sst s1;
	(tag) =	ssettag s2;
	_ =	strace s9  }
0x27: {  	s1 =	sld [smem:$0x3FAC]  }
0x28: {  	s2 =	sld [smem:$0x3FAD]  }
0x29: {  	s4 =	sld [smem:$0x3FAF]  }
0x2a: {  	p0 =	seq.s32 s5, $0x0;
	s5 =	sld [smem:$0x3FB0]  }
0x2b: {  	s6 =	sld [smem:$0x3FB1]  }
0x2c: {  	s7 =	sld [smem:$0x3FB2]  }
0x2d: {  	s3 =	simm.s32 $0x108;
	s8 =	sld [smem:$0x3FB3]  }
0x2e: {  	s3 =	simm.s32 @!p0 $0x1082;
	s9 =	sld [smem:$0x3FB4]  }
0x2f: {  	lr =	sadd.s32 s0, s3;
	s0 =	sld [smem:$0x3FAB]  }
0x30: {  	s3 =	sld [smem:$0x3FAE]  }
0x31: {  	[smem:$0x3FB7] =	sst s10  }
0x32: {  	s10 =	sld [smem:$0x3FB5];
	_ =	sdelay $0x3  }
0x33: {  	p0 =	seq.s32 s10, $0x1;
	s10 =	sld [smem:$0x3FB7];
	_ =	sdelay $0x3  }
0x34: {  	[smem:$0x3FB7] =	sst s10  }
0x35: {  	s10 =	sld [smem:$0x3FB6];
	_ =	sdelay $0x3  }
0x36: {  	p1 =	seq.s32 s10, $0x1;
	s10 =	sld [smem:$0x3FB7];
	_ =	sdelay $0x3  }
0x37: {  	[smem:$0x3FB7] =	sst s10  }
0x38: {  	s10 =	sld [smem:$0x3FB8]  }
0x39: {  	_ = 	snop;
	(pc) =	sbr.ind lr, $3  }
0x3a: {  	_ = 	snop  }
0x3b: {  	_ = 	snop  }
0x3c: {  	p2 =	seq.s32 s10, $0x1;
	s10 =	sld [smem:$0x3FB7]  }
0x3d: {  	_ =	shalt  }
0x3e: {  	_ =	shalt  }
0x3f: {  	_ =	shalt  }
0x40: {  	_ =	shalt  }
0x41: {  	_ =	shalt  }
0x42: {  	_ =	shalt  }
0x43: {  	_ =	shalt  }
0x44: {  	_ =	shalt  }
0x45: {  	_ =	shalt  }
0x46: {  	_ =	shalt  }
0x47: {  	_ =	shalt  }
0x48: {  	_ =	shalt  }
0x49: {  	_ =	shalt  }
0x4a: {  	_ =	shalt  }
0x4b: {  	_ =	shalt  }
0x4c: {  	_ =	shalt  }
0x4d: {  	_ =	shalt  }
0x4e: {  	_ =	shalt  }
0x4f: {  	_ =	shalt  }
0x50: {  	_ =	shalt  }
0x51: {  	_ =	shalt  }
0x52: {  	_ =	shalt  }
0x53: {  	_ =	shalt  }
0x54: {  	_ =	shalt  }
0x55: {  	_ =	shalt  }
0x56: {  	_ =	shalt  }
0x57: {  	_ =	shalt  }
0x58: {  	_ =	shalt  }
0x59: {  	_ =	shalt  }
0x5a: {  	_ =	shalt  }
0x5b: {  	_ =	shalt  }
0x5c: {  	_ =	shalt  }
0x5d: {  	_ =	shalt  }
0x5e: {  	_ =	shalt  }
0x5f: {  	_ =	shalt  }
0x60: {  	_ =	shalt  }
0x61: {  	_ =	shalt  }
0x62: {  	_ =	shalt  }
0x63: {  	_ =	shalt  }
0x64: {  	_ =	shalt  }
0x65: {  	_ =	shalt  }
0x66: {  	_ =	shalt  }
0x67: {  	_ =	shalt  }
0x68: {  	_ =	shalt  }
0x69: {  	_ =	shalt  }
0x6a: {  	_ =	shalt  }
0x6b: {  	_ =	shalt  }
0x6c: {  	_ =	shalt  }
0x6d: {  	_ =	shalt  }
0x6e: {  	_ =	shalt  }
0x6f: {  	_ =	shalt  }
0x70: {  	_ =	shalt  }
0x71: {  	_ =	shalt  }
0x72: {  	_ =	shalt  }
0x73: {  	_ =	shalt  }
0x74: {  	_ =	shalt  }
0x75: {  	_ =	shalt  }
0x76: {  	_ =	shalt  }
0x77: {  	_ =	shalt  }
0x78: {  	_ =	shalt  }
0x79: {  	_ =	shalt  }
0x7a: {  	_ =	shalt  }
0x7b: {  	_ =	shalt  }
0x7c: {  	_ =	shalt  }
0x7d: {  	_ =	shalt  }
0x7e: {  	_ =	shalt  }
0x7f: {  	_ =	shalt  }
0x80: {  	_ =	shalt  }
0x81: {  	_ =	shalt  }
0x82: {  	_ =	shalt  }
0x83: {  	_ =	shalt  }
0x84: {  	_ =	shalt  }
0x85: {  	_ =	shalt  }
0x86: {  	_ =	shalt  }
0x87: {  	_ =	shalt  }
.Lfunc_end0:
.L_simem_size_0:
called_computation_lowered:
.L_overlay_start_0:
0x88: {  	s2 =	sld [smem:$0x3FD9]  }
0x89: {  	s3 =	sld [smem:$0x3FFE];
	_ =	sdelay $0x1  }
0x8a: {  	s1 =	srdreg.scid  }
0x8b: {  	s0 =	sand.u32 $0x1, s1  }
0x8c: {  	s17 =	sshll.u32 s0, $0xA;
	s2 =	sadd.s32 s3, s2  }
0x8d: {  	s2 =	sadd.s32 s2, s17  }
0x8e: {  	[smem:$0x3FC3] =	sst s2  }
0x8f: {  	_ = 	snop  }
0x90: {  	s2 =	sld [smem:$0x3FC6]  }
0x91: {  	s18 =	sld [smem:$0x3FD0];
	(tm) =	ssettm $0x1  }
0x92: {  	s4 =	sld [smem:$0x3FFB];
	_ =	sdelay $0x3  }
0x93: {  	_ =	strace s4  }
0x94: {  	s4 =	sld [smem:$0x3FFC];
	_ =	sdelay $0x3  }
0x95: {  	_ =	strace s4  }
0x96: {  	s4 =	sld [smem:$0x3FFD];
	_ =	sdelay $0x3  }
0x97: {  	_ =	strace s4  }
0x98: {  	_ =	strace $0x8FFFFFFF  }
0x99: {  	s19 =	sld [smem:$0x3FDB];
	_ =	sdelay $0x1  }
0x9a: {  	s5 =	simm.s32 $_scs_section_size  }
0x9b: {  	s6 =	simm.s32 $_size__tile_overlayer_lowered;
	s7 =	simm.s32 $_tile_overlayer_lowered  }
0x9c: {  	s22 =	simm.s32 $0x1BFF;
	s21 =	sshll.u32 s7, $0x1;
	s4 =	sadd.s32 s5, s19  }
0x9d: {  	s8 =	simm.s32 $0x0;
	s20 =	sshll.u32 s6, $0x1;
	s6 =	sadd.s32 s21, s4  }
0x9e: {  	[timem:s8], [sflag:s22] =	dma.local [hbm:s6], s20  }
0x9f: {  	_ =	swait.ge [sflag:s22], s20  }
0xa0: {  	s5 =	ssub.s32 $0x0, s20;
	[sflag:s22] =	ssyncset.done $0x0  }
0xa1: {  	[sflag:s22] =	ssyncadd.s32 s5;
	_ =	sdelay $0x1  }
0xa2: {  	s23 =	simm.s32 $0x1B8B  }
0xa3: {  	_ =	swait.ge [sflag:s23], $0x1  }
0xa4: {  	[sflag:s23] =	ssyncset.done $0x0  }
0xa5: {  	s25 =	simm.s32 $0x1B8E;
	s24 =	sld [smem:$0x3FFE];
	[sflag:s23] =	ssyncadd.s32 $0xFFFFFFFF  }
0xa6: {  	s26 =	simm.s32 $execute0_lowered;
	[smem:$0x3FD2] =	sst s25  }
0xa7: {  	s6 =	sshll.u32 s26, $0x1;
	_ =	strace $0x80000046;
	[dreg:$0x1] =	wrdreg $0xFFFFFFFF  }
0xa8: {  	s28 =	simm.s32 $_size_execute0_lowered;
	s4 =	sadd.s32 s4, s6;
	[dreg:$0x0] =	wrdreg $0x0  }
0xa9: {  	s6 =	sshll.u32 s28, $0x1;
	[dreg:$0x2] =	wrdreg s4  }
0xaa: {  	[dreg:$0x3] =	wrdreg s6  }
0xab: {  	[dreg:$0x4] =	wrdreg $0xC0  }
0xac: {  	_ =	task [dreg:s8], $0x5FFFF  }
0xad: {  	[dreg:$0x1] =	wrdreg $0xFFFFFFFF  }
0xae: {  	[dreg:$0x0] =	wrdreg $0x60  }
0xaf: {  	[dreg:$0x2] =	wrdreg s24  }
0xb0: {  	[dreg:$0x3] =	wrdreg s18  }
0xb1: {  	[dreg:$0x4] =	wrdreg s2  }
0xb2: {  	[dreg:$0x5] =	wrdreg $0x9  }
0xb3: {  	_ =	task.clear_ibuf [dreg:s8], $0x6FFFF;
	_ =	strace $0x90000046  }
0xb4: {  	s29 =	simm.s32 $0x9;
	_ =	strace $0x80000048  }
0xb5: {  	_ =	swait.ge [sflag:s29], $0x1  }
0xb6: {  	[sflag:s29] =	ssyncadd.s32 $0xFFFFFFFF  }
0xb7: {  	_ =	strace $0x90000048  }
0xb8: {  	_ =	sfence  }
0xb9: {  	s30 =	sld [smem:$0x0];
	_ =	sdelay $0x2  }
0xba: {  	s31 =	sshll.u32 s1, $0xD;
	s1 =	sshrl.u32 s1, $0x2  }
0xbb: {  	s3 =	sand.u32 $0x4000, s31;
	s1 =	sadd.s32 s1, s30  }
0xbc: {  	s0 =	sor.u32 s3, s0;
	s1 =	sshll.u32 s1, $0x11  }
0xbd: {  	s0 =	sor.u32 s1, s0  }
0xbe: {  	s0 =	sadd.s32 $0x8F2B, s0  }
0xbf: {  	[sflag:s0] =	ssyncadd.remote.s32 $0x1  }
0xc0: {  	_ =	sfence.sel $0xFFFF  }
0xc1: {  	[dreg:$0x0] =	wrdreg $0xFFFFFFFF;
	(pc) =	sbr.abs _section_cstart, $3  }
0xc2: {  	[dreg:$0x1] =	wrdreg $0xFFFFFFFF  }
0xc3: {  	_ =	task.clear_ibuf [dreg:s8], $0x2FFFF;
	_ =	strace $0x9FFFFFFF  }
0xc4: {  	(tm) =	ssettm $0x7FFFFFFF  }
0xc5: {  	_ =	shalt  }
tec
execute0_lowered:
.L_overlay_start_1:
0x0: {  	(tag) =	ssettag $0x1  }
0x1: {  	v63 =	vlaneseq.u32  }
0x2: {  	v0 =	vmul.u32 $0x2, v63;
	_ =	sdelay $0x1  }
0x3: {  	v1 =	vor.u32 $0x1, v0;
	[tilespmem:$0x1FD50] =	vst v0  }
0x4: {  	[tilespmem:$0x1FCB0] =	vst v1;
	v1 =	vor.u32 $0x20, v0  }
0x5: {  	[tilespmem:$0x1FCC0] =	vst v1;
	v1 =	vor.u32 $0x21, v0  }
0x6: {  	[tilespmem:$0x1FCD0] =	vst v1;
	v1 =	vor.u32 $0x40, v0  }
0x7: {  	[tilespmem:$0x1FCE0] =	vst v1;
	v1 =	vor.u32 $0x41, v0  }
0x8: {  	[tilespmem:$0x1FCF0] =	vst v1;
	v1 =	vor.u32 $0x60, v0  }
0x9: {  	[tilespmem:$0x1FD00] =	vst v1;
	v1 =	vor.u32 $0x61, v0  }
0xa: {  	[tilespmem:$0x1FD10] =	vst v1;
	v1 =	vor.u32 $0x80, v0  }
0xb: {  	[tilespmem:$0x1FD20] =	vst v1;
	v1 =	vor.u32 $0x81, v0  }
0xc: {  	[tilespmem:$0x1FD30] =	vst v1;
	v1 =	vor.u32 $0xA0, v0  }
0xd: {  	s0 =	rddreg [dreg:$0x0];
	s4 =	simm.s32 $0x0;
	v0 =	vor.u32 $0xA1, v0;
	[tilespmem:$0x1FD40] =	vst v1  }
0xe: {  	[smem:$0x7FF] =	sst s4;
	[tilespmem:$0x1FD60] =	vst v0;
	v0 =	vor.u32 $0xC20, v63  }
0xf: {  	s2 =	rddreg [dreg:$0x2];
	v1 =	vor.u32 $0x1060, v63;
	_ =	strace $0x80000047;
	[tilespmem:$0x1FD70] =	vst v0  }
0x10: {  	v23 =	vor.u32 $0x10, v63;
	[tilespmem:$0x1FD80] =	vst v1  }
0x11: {  	v26 =	vor.u32 $0x20, v63;
	[tilespmem:$0x1FDB0] =	vst v23  }
0x12: {  	v20 =	vor.u32 $0x30, v63;
	[tilespmem:$0x1FDC0] =	vst v26  }
0x13: {  	v35 =	vor.u32 $0x40, v63;
	[tilespmem:$0x1FDD0] =	vst v20  }
0x14: {  	v36 =	vor.u32 $0x50, v63;
	[tilespmem:$0x1FDE0] =	vst v35  }
0x15: {  	v49 =	vor.u32 $0x60, v63;
	[tilespmem:$0x1FDF0] =	vst v36  }
0x16: {  	v19 =	vor.u32 $0x70, v63;
	[tilespmem:$0x1FE00] =	vst v49  }
0x17: {  	v14 =	vor.u32 $0x400, v63;
	[tilespmem:$0x1FE10] =	vst v19  }
0x18: {  	v11 =	vor.u32 $0x410, v63;
	[tilespmem:$0x1FE20] =	vst v14  }
0x19: {  	v9 =	vor.u32 $0x420, v63;
	[tilespmem:$0x1FE30] =	vst v11  }
0x1a: {  	v34 =	vor.u32 $0x430, v63;
	[tilespmem:$0x1FE40] =	vst v9  }
0x1b: {  	v21 =	vor.u32 $0x440, v63;
	[tilespmem:$0x1FE50] =	vst v34  }
0x1c: {  	v22 =	vor.u32 $0x450, v63;
	[tilespmem:$0x1FE60] =	vst v21  }
0x1d: {  	v16 =	vor.u32 $0x460, v63;
	[tilespmem:$0x1FE70] =	vst v22  }
0x1e: {  	v40 =	vor.u32 $0x470, v63;
	[tilespmem:$0x1FE80] =	vst v16  }
0x1f: {  	v50 =	vor.u32 $0x800, v63;
	[tilespmem:$0x1FE90] =	vst v40  }
0x20: {  	v17 =	vor.u32 $0x810, v63;
	[tilespmem:$0x1FEA0] =	vst v50  }
0x21: {  	v24 =	vor.u32 $0x820, v63;
	[tilespmem:$0x1FEB0] =	vst v17  }
0x22: {  	v37 =	vor.u32 $0x830, v63;
	[tilespmem:$0x1FEC0] =	vst v24  }
0x23: {  	vm0 =	vcmask $0x300;
	vm14 =	vcmask $0x704;
	v47 =	vor.u32 $0x840, v63;
	[tilespmem:$0x1FED0] =	vst v37  }
0x24: {  	vm15 =	vcmask $0xB08;
	vm4 =	vcmask $0xF0C;
	v46 =	vor.u32 $0x850, v63;
	[tilespmem:$0x1FEE0] =	vst v47  }
0x25: {  	vm5 =	vcmask $0x1310;
	vm6 =	vcmask $0x1714;
	v42 =	vor.u32 $0xC00, v63;
	[tilespmem:$0x1FEF0] =	vst v46  }
0x26: {  	s5 =	stileid.u32;
	s1 =	srdreg.scid;
	vm7 =	vcmask $0x1B18;
	vm8 =	vcmask $0x1F1C;
	v31 =	vor.u32 $0xC10, v63;
	[tilespmem:$0x1FF00] =	vst v42  }
0x27: {  	vm9 =	vcmask $0x2320;
	s28 =	simm.s32 $0x1A100;
	s29 =	simm.s32 $0x1B900;
	s30 =	simm.s32 $0x0;
	v29 =	vor.u32 $0x870, v63;
	v0 =	vimm.s32 $0x2380;
	[tilespmem:$0x1FF10] =	vst v31  }
0x28: {  	vm10 =	vcmask $0x2724;
	s3 =	sand.u32 $0x1, s1;
	s20 =	sshll.u32 s5, $0x1;
	v56 =	vor.u32 $0x860, v63;
	s6 =	sadd.s32 $0x2600, s0;
	[tilespmem:$0x1FF20] =	vst v29;
	v0 =	vsel vm0, $0x0, v0  }
0x29: {  	s7 =	sadd.s32 $0x24C600, s0;
	s9 =	sshll.u32 s5, $0x8;
	v30 =	vor.u32 $0x1000, v63;
	v32 =	vor.u32 $0x1010, v63;
	s1 =	sor.u32 s3, s20;
	[tilespmem:$0x1FF30] =	vst v56;
	v0 =	vsel vm14, $0x80, v0  }
0x2a: {  	s24 =	sadd.s32 $0x24C480, s0;
	s26 =	sadd.s32 $0x30D2, s2;
	s8 =	smul.u32 $0x41, s1;
	[tilespmem:$0x1FF40] =	vst v32;
	v0 =	vsel vm15, $0x100, v0  }
0x2b: {  	vm11 =	vcmask $0x2B28;
	v41 =	vor.u32 $0xC70, v63;
	s9 =	sand.u32 $0xC00, s9;
	s3 =	ssub.s32 $0x2, s3;
	s10 =	smul.u32 $0x42, s1;
	[tilespmem:$0x1FF50] =	vst v30;
	v0 =	vsel vm4, $0x180, v0  }
0x2c: {  	vm12 =	vcmask $0x2F2C;
	v15 =	vor.u32 $0x1470, v63;
	s15 =	sadd.s32 s9, s0;
	s21 =	sshrl.u32 s3, $0x1;
	s23 =	sshll.u32 s1, $0x4;
	[tilespmem:$0x1FF60] =	vst v41;
	v0 =	vsel vm5, $0x200, v0  }
0x2d: {  	vm13 =	vcmask $0x3330;
	v13 =	vor.u32 $0x1460, v63;
	p0 =	sne.s32 s1, $0x1F;
	s3 =	ssub.s32 s3, s21;
	s11 =	sadd.s32 $0x3, s8;
	[tilespmem:$0x1FF70] =	vst v15;
	v0 =	vsel vm6, $0x280, v0  }
0x2e: {  	v10 =	vor.u32 $0xC30, v63;
	v61 =	vor.u32 $0x1450, v63;
	s21 =	simm.s32 $0x3;
	s8 =	sadd.s32 $0x44, s8;
	s31 =	smin.u32 s10, s11;
	[tilespmem:$0x1FF80] =	vst v13;
	v0 =	vsel vm7, $0x300, v0  }
0x2f: {  	v12 =	vor.u32 $0xC40, v63;
	v60 =	vor.u32 $0x1440, v63;
	s20 =	smax.u32 s3, $0x1;
	s10 =	sadd.s32 $0x42, s10;
	s12 =	smul.u32 $0x180, s31;
	[tilespmem:$0x1FF90] =	vst v61;
	v0 =	vsel vm8, $0x380, v0  }
0x30: {  	v44 =	vor.u32 $0xC50, v63;
	v43 =	vor.u32 $0x1810, v63;
	s9 =	smin.u32 s10, s8;
	s22 =	smul.u32 $0x6, s31;
	s8 =	sand.u32 $0x70, s23;
	[tilespmem:$0x1FFA0] =	vst v60;
	v0 =	vsel vm9, $0x2000, v0  }
0x31: {  	v48 =	vor.u32 $0xC60, v63;
	v2 =	vor.u32 $0x1430, v63;
	s23 =	simm.s32 $0x18800;
	s25 =	sadd.s32 s8, s15;
	p1 =	sge.u32 s31, s9;
	[tilespmem:$0x1FFB0] =	vst v43;
	v0 =	vsel vm10, $0x2080, v0  }
0x32: {  	v25 =	vor.u32 $0x1020, v63;
	v59 =	vor.u32 $0x1800, v63;
	s11 =	sadd.s32 s7, s12;
	s14 =	sadd.s32 $0x180, s12;
	[dreg:$0x4] =	wrdreg s6;
	[tilespmem:$0x1FFC0] =	vst v2;
	v0 =	vsel vm11, $0x2100, v0  }
0x33: {  	v39 =	vor.u32 $0x1030, v63;
	v27 =	vor.u32 $0x1040, v63;
	s19 =	sadd.s32 $0x5800, s25;
	s25 =	simm.s32 $0x1B980;
	[dreg:$0x5] =	wrdreg s24;
	[tilespmem:$0x1FFD0] =	vst v59;
	v0 =	vsel vm12, $0x2180, v0  }
0x34: {  	v18 =	vimm.f32 $0.0e+00;
	s6 =	sadd.s32 $0x189000, s0;
	s0 =	sadd.s32 $0x30FA80, s0;
	[dreg:$0x7] =	wrdreg s26;
	[tilespmem:$0x1FFE0] =	vst v12;
	vm14 =	vcmask $0x3734;
	v0 =	vsel vm13, $0x2200, v0  }
0x35: {  	v1 =	vor.u32 $0x1070, v63;
	s24 =	simm.s32 $0x18880;
	s26 =	simm.s32 $0x18900;
	[tilespmem:$0x1FFF0] =	vst v44;
	s10 =	sadd.s32 s6, s12;
	vm15 =	vcmask $0x3B38;
	v0 =	vsel vm14, $0x2280, v0  }
0x36: {  	v45 =	vor.u32 $0x1050, v63;
	v55 =	vor.u32 $0x1400, v63;
	s12 =	sadd.s32 s2, s22;
	s13 =	sadd.s32 s6, s14;
	[tilespmem:$0x1FD90] =	vst v1;
	s14 =	sadd.s32 s7, s14;
	v0 =	vsel vm15, $0x2300, v0  }
0x37: {  	v57 =	vor.u32 $0x1410, v63;
	v58 =	vor.u32 $0x1420, v63;
	v62 =	vor.u32 $0x1820, v63;
	[dreg:$0x6] =	wrdreg s0;
	s22 =	simm.s32 $0x18700;
	s16 =	sadd.s32 $0x6, s12;
	[tilespmem:$0x1FDA0] =	vst v0  }
.LBB2_1:
0x38: {  	s0 =	rddreg [dreg:$0x4]  }
0x39: {  	[tilespmem:s4], [sflag:$0x3] =	stream.linear.gather [hbm4b:s0+s4], $0x18700, $0x38;
	[tilespmem:$0x1F980] =	vst v63  }
0x3a: {  	_ =	swait.ge [sflag:s21], $0x18700  }
0x3b: {  	[sflag:s21] =	ssyncset.done $0x0  }
0x3c: {  	[sflag:s21] =	ssyncadd.s32 $0xFFFE7900  }
0x3d: {  	s18 =	rddreg [dreg:$0x1]  }
0x3e: {  	[tilespmem:s22], [sflag:$0x3] =	stream.linear.gather [hbm4b:s18+s4], $0x100, $0x38;
	[tilespmem:$0x1F980] =	vst v63  }
0x3f: {  	_ =	swait.ge [sflag:s21], $0x100  }
0x40: {  	v0 =	vld [tilespmem:$0x1FD50]  }
0x41: {  	v1 =	vld [tilespmem:$0x1FCB0];
	_ =	sdelay $0x4  }
0x42: {  	[sflag:s21] =	ssyncset.done $0x0  }
0x43: {  	[sflag:s21] =	ssyncadd.s32 $0xFFFFFF00  }
0x44: {  	v0 =	vld.idx.msk [tilespmem:v0+s22+$0x0], $0xffff  }
0x45: {  	v1 =	vld.idx.msk [tilespmem:v1+s22+$0x0], $0xffff;
	_ =	sdelay $0x3  }
0x46: {  	[tilespmem:v63+s23+$0x0] =	vst.idx.msk $0xffff, v0;
	v0 =	vld [tilespmem:$0x1FCC0]  }
0x47: {  	[tilespmem:v63+s24+$0x0] =	vst.idx.msk $0xffff, v1;
	v1 =	vld [tilespmem:$0x1FCD0];
	_ =	sdelay $0x6  }
0x48: {  	v0 =	vld.idx.msk [tilespmem:v0+s22+$0x0], $0xffff  }
0x49: {  	v1 =	vld.idx.msk [tilespmem:v1+s22+$0x0], $0xffff;
	_ =	sdelay $0x3  }
0x4a: {  	[tilespmem:v23+s23+$0x0] =	vst.idx.msk $0xffff, v0;
	v0 =	vld [tilespmem:$0x1FCE0]  }
0x4b: {  	[tilespmem:v23+s24+$0x0] =	vst.idx.msk $0xffff, v1;
	v1 =	vld [tilespmem:$0x1FCF0];
	_ =	sdelay $0x6  }
0x4c: {  	v0 =	vld.idx.msk [tilespmem:v0+s22+$0x0], $0xffff  }
0x4d: {  	v1 =	vld.idx.msk [tilespmem:v1+s22+$0x0], $0xffff;
	_ =	sdelay $0x3  }
0x4e: {  	[tilespmem:v26+s23+$0x0] =	vst.idx.msk $0xffff, v0;
	v0 =	vld [tilespmem:$0x1FD00]  }
0x4f: {  	[tilespmem:v26+s24+$0x0] =	vst.idx.msk $0xffff, v1;
	v1 =	vld [tilespmem:$0x1FD10];
	_ =	sdelay $0x6  }
0x50: {  	v0 =	vld.idx.msk [tilespmem:v0+s22+$0x0], $0xffff  }
0x51: {  	v1 =	vld.idx.msk [tilespmem:v1+s22+$0x0], $0xffff;
	_ =	sdelay $0x3  }
0x52: {  	[tilespmem:v20+s23+$0x0] =	vst.idx.msk $0xffff, v0;
	v0 =	vld [tilespmem:$0x1FD20]  }
0x53: {  	[tilespmem:v20+s24+$0x0] =	vst.idx.msk $0xffff, v1;
	v1 =	vld [tilespmem:$0x1FD30];
	_ =	sdelay $0x4  }
0x54: {  	v3 =	vld [tilespmem:$0x1FD40]  }
0x55: {  	v5 =	vld [tilespmem:$0x1FD60]  }
0x56: {  	v0 =	vld.idx.msk [tilespmem:v0+s22+$0x0], $0xffff  }
0x57: {  	v1 =	vld.idx.msk [tilespmem:v1+s22+$0x0], $0xffff;
	_ =	sdelay $0x3  }
0x58: {  	[tilespmem:v35+s23+$0x0] =	vst.idx.msk $0xffff, v0;
	v0 =	vmov s4  }
0x59: {  	[tilespmem:v35+s24+$0x0] =	vst.idx.msk $0xffff, v1;
	v28 =	vshll.u32 v0, $0xA;
	v0 =	vshll.u32 v0, $0x7  }
0x5a: {  	v3 =	vld.idx.msk [tilespmem:v3+s22+$0x0], $0xffff;
	v4 =	vand.u32 $0x2000, v28;
	v0 =	vand.u32 $0x380, v0  }
0x5b: {  	v5 =	vld.idx.msk [tilespmem:v5+s22+$0x0], $0xffff;
	v7 =	vor.u32 v0, v4  }
0x5c: {  	v4 =	vor.u32 v63, v7  }
0x5d: {  	v6 =	vor.u32 v23, v7  }
0x5e: {  	v8 =	vor.u32 v26, v7  }
0x5f: {  	[tilespmem:v36+s23+$0x0] =	vst.idx.msk $0xffff, v3;
	v3 =	vor.u32 v20, v7  }
0x60: {  	[tilespmem:v36+s24+$0x0] =	vst.idx.msk $0xffff, v5;
	v5 =	vor.u32 v35, v7  }
0x61: {  	[tilespmem:v4+s25+$0x0] =	vst.idx.msk $0xffff, v18;
	v4 =	vor.u32 v36, v7  }
0x62: {  	[tilespmem:v6+s25+$0x0] =	vst.idx.msk $0xffff, v18;
	v6 =	vor.u32 v49, v7  }
0x63: {  	[tilespmem:v8+s25+$0x0] =	vst.idx.msk $0xffff, v18;
	v8 =	vor.u32 v19, v7  }
0x64: {  	[tilespmem:v3+s25+$0x0] =	vst.idx.msk $0xffff, v18;
	v3 =	vor.u32 v14, v7  }
0x65: {  	[tilespmem:v5+s25+$0x0] =	vst.idx.msk $0xffff, v18;
	v5 =	vor.u32 v11, v7  }
0x66: {  	[tilespmem:v4+s25+$0x0] =	vst.idx.msk $0xffff, v18;
	v4 =	vor.u32 v9, v7  }
0x67: {  	[tilespmem:v6+s25+$0x0] =	vst.idx.msk $0xffff, v18;
	v6 =	vor.u32 v34, v7  }
0x68: {  	[tilespmem:v8+s25+$0x0] =	vst.idx.msk $0xffff, v18;
	v8 =	vor.u32 v21, v7  }
0x69: {  	[tilespmem:v3+s25+$0x0] =	vst.idx.msk $0xffff, v18;
	v3 =	vor.u32 v22, v7  }
0x6a: {  	[tilespmem:v5+s25+$0x0] =	vst.idx.msk $0xffff, v18;
	v5 =	vor.u32 v16, v7  }
0x6b: {  	[tilespmem:v4+s25+$0x0] =	vst.idx.msk $0xffff, v18;
	v4 =	vor.u32 v40, v7  }
0x6c: {  	[tilespmem:v6+s25+$0x0] =	vst.idx.msk $0xffff, v18;
	v6 =	vor.u32 v50, v7  }
0x6d: {  	[tilespmem:v8+s25+$0x0] =	vst.idx.msk $0xffff, v18;
	v8 =	vor.u32 v17, v7  }
0x6e: {  	[tilespmem:v3+s25+$0x0] =	vst.idx.msk $0xffff, v18;
	v3 =	vor.u32 v24, v7  }
0x6f: {  	[tilespmem:v5+s25+$0x0] =	vst.idx.msk $0xffff, v18;
	v5 =	vor.u32 v37, v7  }
0x70: {  	[tilespmem:v4+s25+$0x0] =	vst.idx.msk $0xffff, v18;
	v4 =	vor.u32 v47, v7  }
0x71: {  	v1 =	vld [tilespmem:$0x1FD70];
	[tilespmem:v6+s25+$0x0] =	vst.idx.msk $0xffff, v18;
	v6 =	vor.u32 v46, v7  }
0x72: {  	[tilespmem:v8+s25+$0x0] =	vst.idx.msk $0xffff, v18;
	v8 =	vor.u32 v56, v7  }
0x73: {  	[tilespmem:v3+s25+$0x0] =	vst.idx.msk $0xffff, v18;
	v3 =	vor.u32 v29, v7  }
0x74: {  	[tilespmem:v5+s25+$0x0] =	vst.idx.msk $0xffff, v18;
	v5 =	vor.u32 v42, v7  }
0x75: {  	[tilespmem:v4+s25+$0x0] =	vst.idx.msk $0xffff, v18;
	v4 =	vor.u32 v31, v7  }
0x76: {  	[tilespmem:v6+s25+$0x0] =	vst.idx.msk $0xffff, v18;
	v6 =	vor.u32 v1, v7  }
0x77: {  	[tilespmem:v8+s25+$0x0] =	vst.idx.msk $0xffff, v18;
	v8 =	vor.u32 v10, v7  }
0x78: {  	[tilespmem:v3+s25+$0x0] =	vst.idx.msk $0xffff, v18;
	v3 =	vor.u32 v12, v7  }
0x79: {  	[tilespmem:v5+s25+$0x0] =	vst.idx.msk $0xffff, v18;
	v5 =	vor.u32 v44, v7  }
0x7a: {  	[tilespmem:v4+s25+$0x0] =	vst.idx.msk $0xffff, v18;
	v4 =	vor.u32 v48, v7  }
0x7b: {  	[tilespmem:v6+s25+$0x0] =	vst.idx.msk $0xffff, v18;
	v6 =	vor.u32 v41, v7  }
0x7c: {  	[tilespmem:v8+s25+$0x0] =	vst.idx.msk $0xffff, v18;
	v8 =	vor.u32 v30, v7  }
0x7d: {  	[tilespmem:v3+s25+$0x0] =	vst.idx.msk $0xffff, v18;
	v3 =	vor.u32 v32, v7  }
0x7e: {  	[tilespmem:v5+s25+$0x0] =	vst.idx.msk $0xffff, v18;
	v5 =	vor.u32 v25, v7  }
0x7f: {  	[tilespmem:v4+s25+$0x0] =	vst.idx.msk $0xffff, v18  }
0x80: {  	[tilespmem:v6+s25+$0x0] =	vst.idx.msk $0xffff, v18  }
0x81: {  	[tilespmem:v8+s25+$0x0] =	vst.idx.msk $0xffff, v18  }
0x82: {  	v51 =	vmov v25;
	v25 =	vld [tilespmem:$0x1FD80];
	[tilespmem:v3+s25+$0x0] =	vst.idx.msk $0xffff, v18  }
0x83: {  	[tilespmem:v5+s25+$0x0] =	vst.idx.msk $0xffff, v18;
	v5 =	vld [tilespmem:$0x1FD90]  }
0x84: {  	v4 =	vor.u32 v39, v7  }
0x85: {  	v6 =	vor.u32 v27, v7  }
0x86: {  	v8 =	vor.u32 v45, v7  }
0x87: {  	v3 =	vor.u32 v25, v7  }
0x88: {  	v5 =	vor.u32 v5, v7  }
0x89: {  	[tilespmem:v4+s25+$0x0] =	vst.idx.msk $0xffff, v18;
	v4 =	vor.u32 v55, v7  }
0x8a: {  	[tilespmem:v6+s25+$0x0] =	vst.idx.msk $0xffff, v18;
	v6 =	vor.u32 v57, v7  }
0x8b: {  	[tilespmem:v8+s25+$0x0] =	vst.idx.msk $0xffff, v18  }
0x8c: {  	v52 =	vmov v10;
	v53 =	vmov v27;
	v8 =	vor.u32 v58, v7;
	[tilespmem:v3+s25+$0x0] =	vst.idx.msk $0xffff, v18  }
0x8d: {  	v54 =	vmovc v45;
	v33 =	vmov v55;
	v38 =	vmov v49;
	v3 =	vor.u32 v2, v7;
	[tilespmem:v5+s25+$0x0] =	vst.idx.msk $0xffff, v18  }
0x8e: {  	v49 =	vmovc v42;
	v10 =	vmov v14;
	v12 =	vmov v19;
	v5 =	vor.u32 v60, v7;
	[tilespmem:v4+s25+$0x0] =	vst.idx.msk $0xffff, v18  }
0x8f: {  	v44 =	vmovc v39;
	v4 =	vor.u32 v61, v7;
	v61 =	vmov v1;
	v1 =	vor.u32 $0x1830, v63;
	[tilespmem:v6+s25+$0x0] =	vst.idx.msk $0xffff, v18  }
0x90: {  	v39 =	vmovc v16;
	v16 =	vmovc v11;
	v11 =	vor.u32 v43, v7;
	v43 =	vor.u32 $0x1C40, v63;
	v27 =	vmov v37;
	[tilespmem:$0x1FC80] =	vst v1  }
0x91: {  	v37 =	vmovc v36;
	v36 =	vmov v35;
	v35 =	vmov v20;
	v6 =	vor.u32 v13, v7;
	[tilespmem:v8+s25+$0x0] =	vst.idx.msk $0xffff, v18  }
0x92: {  	v45 =	vmovc v47;
	v47 =	vmovc v56;
	v56 =	vmov v41;
	v41 =	vmov v50;
	v50 =	vmov v31;
	[tilespmem:v3+s25+$0x0] =	vst.idx.msk $0xffff, v18  }
0x93: {  	v31 =	vor.u32 $0x1C00, v63;
	v55 =	vmovc v48;
	v48 =	vmov v29;
	v8 =	vor.u32 v15, v7;
	[tilespmem:v5+s25+$0x0] =	vst.idx.msk $0xffff, v18  }
0x94: {  	v29 =	vor.u32 $0x1860, v63;
	v13 =	vmovc v9;
	v9 =	vor.u32 v59, v7;
	v5 =	vor.u32 $0x1850, v63;
	[tilespmem:v4+s25+$0x0] =	vst.idx.msk $0xffff, v18  }
0x95: {  	v19 =	vor.u32 v29, v7;
	v2 =	vmovc v25;
	v25 =	vmov v34;
	v59 =	vor.u32 v62, v7;
	[tilespmem:$0x1FCA0] =	vst v5  }
0x96: {  	v34 =	vmovc v21;
	v14 =	vor.u32 v1, v7;
	v15 =	vor.u32 $0x1C50, v63;
	v4 =	vor.u32 $0x1840, v63;
	[tilespmem:v6+s25+$0x0] =	vst.idx.msk $0xffff, v18  }
0x97: {  	v1 =	vmovc v13;
	v3 =	vmovc v43;
	v13 =	vmov v23;
	[tilespmem:$0x1FC90] =	vst v4;
	v60 =	vor.u32 v4, v7;
	v6 =	vmov v57  }
0x98: {  	v57 =	vmovc v30;
	v30 =	vor.u32 $0x1870, v63;
	[tilespmem:v8+s25+$0x0] =	vst.idx.msk $0xffff, v18;
	v8 =	vmov v17;
	v17 =	vor.u32 v5, v7  }
0x99: {  	v5 =	vor.u32 v0, v28;
	v28 =	vor.u32 $0x1C30, v63;
	v20 =	vor.u32 v30, v7;
	[tilespmem:v9+s25+$0x0] =	vst.idx.msk $0xffff, v18  }
0x9a: {  	v7 =	vmovc v43;
	v43 =	vmov v24;
	v4 =	vmov v33;
	v0 =	vor.u32 v28, v5;
	[tilespmem:v11+s25+$0x0] =	vst.idx.msk $0xffff, v18  }
0x9b: {  	v9 =	vmovc v58;
	v58 =	vmovc v32;
	v42 =	vmov v8;
	v32 =	vor.u32 $0x1C10, v63;
	v33 =	vor.u32 $0x1C20, v63;
	[tilespmem:v59+s25+$0x0] =	vst.idx.msk $0xffff, v18  }
0x9c: {  	v8 =	vor.u32 $0x1C60, v63;
	v63 =	vmovc v62;
	v62 =	vmov v54;
	v11 =	vor.u32 v31, v5;
	[tilespmem:v14+s25+$0x0] =	vst.idx.msk $0xffff, v18  }
0x9d: {  	v54 =	vld [tilespmem:$0x1FFF0];
	v59 =	vmovc v51;
	v51 =	vmov v61;
	v61 =	vmov v53;
	v14 =	vor.u32 v32, v5;
	[tilespmem:v60+s25+$0x0] =	vst.idx.msk $0xffff, v18  }
0x9e: {  	s0 =	simm.s32 $0x1;
	v53 =	vld [tilespmem:$0x1FFE0];
	v60 =	vmovc v44;
	v44 =	vmov v27;
	v27 =	vmov v22;
	[tilespmem:v17+s25+$0x0] =	vst.idx.msk $0xffff, v18;
	v17 =	vor.u32 v33, v5  }
.LBB2_2:
0x9f: {  	_ =	sdelay $0x3  }
0xa0: {  	v21 =	vmov s0;
	[tilespmem:v19+s25+$0x0] =	vst.idx.msk $0xffff, v18  }
0xa1: {  	v22 =	vshll.u32 v21, $0xA;
	v21 =	vshll.u32 v21, $0x7;
	[tilespmem:v20+s25+$0x0] =	vst.idx.msk $0xffff, v18;
	v20 =	vor.u32 v7, v5  }
0xa2: {  	v24 =	vor.u32 v15, v5;
	v23 =	vand.u32 $0x2000, v22;
	v21 =	vand.u32 $0x380, v21;
	[tilespmem:v11+s25+$0x0] =	vst.idx.msk $0xffff, v18  }
0xa3: {  	v19 =	vor.u32 v8, v5;
	v11 =	vor.u32 v21, v23;
	[tilespmem:v14+s25+$0x0] =	vst.idx.msk $0xffff, v18;
	v14 =	vlaneseq.u32  }
0xa4: {  	v5 =	vor.u32 v21, v22;
	v14 =	vor.u32 v14, v11;
	[tilespmem:v17+s25+$0x0] =	vst.idx.msk $0xffff, v18  }
0xa5: {  	v21 =	vor.u32 v28, v5;
	v17 =	vor.u32 v13, v11;
	[tilespmem:v0+s25+$0x0] =	vst.idx.msk $0xffff, v18  }
0xa6: {  	v0 =	vmov v21;
	v21 =	vor.u32 v26, v11;
	[tilespmem:v20+s25+$0x0] =	vst.idx.msk $0xffff, v18  }
0xa7: {  	v20 =	vor.u32 v35, v11;
	[tilespmem:v24+s25+$0x0] =	vst.idx.msk $0xffff, v18  }
0xa8: {  	v22 =	vor.u32 v36, v11;
	[tilespmem:v19+s25+$0x0] =	vst.idx.msk $0xffff, v18  }
0xa9: {  	[tilespmem:v14+s25+$0x0] =	vst.idx.msk $0xffff, v18;
	v14 =	vor.u32 v37, v11  }
0xaa: {  	[tilespmem:v17+s25+$0x0] =	vst.idx.msk $0xffff, v18;
	v17 =	vor.u32 v38, v11  }
0xab: {  	v19 =	vor.u32 v12, v11;
	[tilespmem:v21+s25+$0x0] =	vst.idx.msk $0xffff, v18  }
0xac: {  	[tilespmem:v20+s25+$0x0] =	vst.idx.msk $0xffff, v18;
	v20 =	vor.u32 v10, v11  }
0xad: {  	v21 =	vor.u32 v16, v11;
	[tilespmem:v22+s25+$0x0] =	vst.idx.msk $0xffff, v18  }
0xae: {  	[tilespmem:v14+s25+$0x0] =	vst.idx.msk $0xffff, v18;
	v14 =	vor.u32 v1, v11  }
0xaf: {  	[tilespmem:v17+s25+$0x0] =	vst.idx.msk $0xffff, v18;
	v17 =	vor.u32 v25, v11  }
0xb0: {  	[tilespmem:v19+s25+$0x0] =	vst.idx.msk $0xffff, v18;
	v19 =	vor.u32 v34, v11  }
0xb1: {  	[tilespmem:v20+s25+$0x0] =	vst.idx.msk $0xffff, v18;
	v20 =	vor.u32 v27, v11  }
0xb2: {  	[tilespmem:v21+s25+$0x0] =	vst.idx.msk $0xffff, v18;
	v21 =	vor.u32 v39, v11  }
0xb3: {  	[tilespmem:v14+s25+$0x0] =	vst.idx.msk $0xffff, v18;
	v14 =	vor.u32 v40, v11  }
0xb4: {  	[tilespmem:v17+s25+$0x0] =	vst.idx.msk $0xffff, v18;
	v17 =	vor.u32 v41, v11  }
0xb5: {  	[tilespmem:v19+s25+$0x0] =	vst.idx.msk $0xffff, v18;
	v19 =	vor.u32 v42, v11  }
0xb6: {  	[tilespmem:v20+s25+$0x0] =	vst.idx.msk $0xffff, v18;
	v20 =	vor.u32 v43, v11  }
0xb7: {  	[tilespmem:v21+s25+$0x0] =	vst.idx.msk $0xffff, v18;
	v21 =	vor.u32 v44, v11  }
0xb8: {  	[tilespmem:v14+s25+$0x0] =	vst.idx.msk $0xffff, v18;
	v14 =	vor.u32 v45, v11  }
0xb9: {  	[tilespmem:v17+s25+$0x0] =	vst.idx.msk $0xffff, v18;
	v17 =	vor.u32 v46, v11  }
0xba: {  	[tilespmem:v19+s25+$0x0] =	vst.idx.msk $0xffff, v18;
	v19 =	vor.u32 v47, v11  }
0xbb: {  	[tilespmem:v20+s25+$0x0] =	vst.idx.msk $0xffff, v18;
	v20 =	vor.u32 v48, v11  }
0xbc: {  	[tilespmem:v21+s25+$0x0] =	vst.idx.msk $0xffff, v18;
	v21 =	vor.u32 v49, v11  }
0xbd: {  	[tilespmem:v14+s25+$0x0] =	vst.idx.msk $0xffff, v18;
	v14 =	vor.u32 v50, v11  }
0xbe: {  	[tilespmem:v17+s25+$0x0] =	vst.idx.msk $0xffff, v18;
	v17 =	vor.u32 v51, v11  }
0xbf: {  	[tilespmem:v19+s25+$0x0] =	vst.idx.msk $0xffff, v18;
	v19 =	vor.u32 v52, v11  }
0xc0: {  	[tilespmem:v20+s25+$0x0] =	vst.idx.msk $0xffff, v18;
	v20 =	vor.u32 v53, v11  }
0xc1: {  	[tilespmem:v21+s25+$0x0] =	vst.idx.msk $0xffff, v18;
	v21 =	vor.u32 v54, v11  }
0xc2: {  	[tilespmem:v14+s25+$0x0] =	vst.idx.msk $0xffff, v18;
	v14 =	vor.u32 v55, v11  }
0xc3: {  	[tilespmem:v17+s25+$0x0] =	vst.idx.msk $0xffff, v18;
	v17 =	vor.u32 v56, v11  }
0xc4: {  	[tilespmem:v19+s25+$0x0] =	vst.idx.msk $0xffff, v18;
	v19 =	vor.u32 v57, v11  }
0xc5: {  	[tilespmem:v20+s25+$0x0] =	vst.idx.msk $0xffff, v18;
	v20 =	vor.u32 v58, v11  }
0xc6: {  	[tilespmem:v21+s25+$0x0] =	vst.idx.msk $0xffff, v18;
	v21 =	vor.u32 v59, v11  }
0xc7: {  	[tilespmem:v14+s25+$0x0] =	vst.idx.msk $0xffff, v18  }
0xc8: {  	[tilespmem:v17+s25+$0x0] =	vst.idx.msk $0xffff, v18  }
0xc9: {  	[tilespmem:v19+s25+$0x0] =	vst.idx.msk $0xffff, v18  }
0xca: {  	[tilespmem:v20+s25+$0x0] =	vst.idx.msk $0xffff, v18  }
0xcb: {  	[tilespmem:v21+s25+$0x0] =	vst.idx.msk $0xffff, v18;
	v21 =	vld [tilespmem:$0x1FD90]  }
0xcc: {  	v14 =	vor.u32 v60, v11  }
0xcd: {  	v17 =	vor.u32 v61, v11  }
0xce: {  	v19 =	vor.u32 v62, v11  }
0xcf: {  	v20 =	vor.u32 v2, v11  }
0xd0: {  	v21 =	vor.u32 v21, v11  }
0xd1: {  	[tilespmem:v14+s25+$0x0] =	vst.idx.msk $0xffff, v18;
	v14 =	vor.u32 v4, v11  }
0xd2: {  	[tilespmem:v17+s25+$0x0] =	vst.idx.msk $0xffff, v18;
	v17 =	vor.u32 v6, v11  }
0xd3: {  	[tilespmem:v19+s25+$0x0] =	vst.idx.msk $0xffff, v18;
	v19 =	vor.u32 v9, v11  }
0xd4: {  	[tilespmem:v20+s25+$0x0] =	vst.idx.msk $0xffff, v18;
	v20 =	vld [tilespmem:$0x1FFC0]  }
0xd5: {  	[tilespmem:v21+s25+$0x0] =	vst.idx.msk $0xffff, v18;
	v21 =	vld [tilespmem:$0x1FFA0]  }
0xd6: {  	[tilespmem:v14+s25+$0x0] =	vst.idx.msk $0xffff, v18;
	v14 =	vld [tilespmem:$0x1FF90]  }
0xd7: {  	[tilespmem:v17+s25+$0x0] =	vst.idx.msk $0xffff, v18;
	v17 =	vld [tilespmem:$0x1FF80]  }
0xd8: {  	[tilespmem:v19+s25+$0x0] =	vst.idx.msk $0xffff, v18;
	v19 =	vld [tilespmem:$0x1FF70]  }
0xd9: {  	v20 =	vor.u32 v20, v11  }
0xda: {  	v21 =	vor.u32 v21, v11  }
0xdb: {  	v14 =	vor.u32 v14, v11  }
0xdc: {  	v17 =	vor.u32 v17, v11  }
0xdd: {  	v19 =	vor.u32 v19, v11  }
0xde: {  	[tilespmem:v20+s25+$0x0] =	vst.idx.msk $0xffff, v18  }
0xdf: {  	[tilespmem:v21+s25+$0x0] =	vst.idx.msk $0xffff, v18  }
0xe0: {  	[tilespmem:v14+s25+$0x0] =	vst.idx.msk $0xffff, v18  }
0xe1: {  	v20 =	vld [tilespmem:$0x1FFD0];
	[tilespmem:v17+s25+$0x0] =	vst.idx.msk $0xffff, v18  }
0xe2: {  	[tilespmem:v19+s25+$0x0] =	vst.idx.msk $0xffff, v18;
	v19 =	vld [tilespmem:$0x1FC90]  }
0xe3: {  	v21 =	vld [tilespmem:$0x1FFB0];
	_ =	sdelay $0x1  }
0xe4: {  	v17 =	vld [tilespmem:$0x1FC80];
	_ =	sdelay $0x1  }
0xe5: {  	v20 =	vor.u32 v20, v11;
	v22 =	vor.u32 v19, v11;
	v19 =	vld [tilespmem:$0x1FCA0]  }
0xe6: {  	v21 =	vor.u32 v21, v11  }
0xe7: {  	v14 =	vor.u32 v63, v11  }
0xe8: {  	v17 =	vor.u32 v17, v11;
	_ =	sdelay $0x1  }
0xe9: {  	p2 =	sne.s32 s0, $0xF;
	[tilespmem:v20+s25+$0x0] =	vst.idx.msk $0xffff, v18;
	v23 =	vor.u32 v19, v11  }
.Ltmp0:
0xea: {  	[tilespmem:v21+s25+$0x0] =	vst.idx.msk $0xffff, v18;
	(pc) =	sbr.rel @p2 .LBB2_2-.Ltmp0, $4  }
0xeb: {  	[tilespmem:v14+s25+$0x0] =	vst.idx.msk $0xffff, v18  }
0xec: {  	v20 =	vor.u32 v30, v11;
	[tilespmem:v17+s25+$0x0] =	vst.idx.msk $0xffff, v18  }
0xed: {  	v14 =	vor.u32 v32, v5;
	v17 =	vor.u32 v33, v5;
	[tilespmem:v22+s25+$0x0] =	vst.idx.msk $0xffff, v18  }
0xee: {  	s0 =	sadd.s32 $0x1, s0;
	v7 =	vmov v3;
	v19 =	vor.u32 v29, v11;
	v11 =	vor.u32 v31, v5;
	[tilespmem:v23+s25+$0x0] =	vst.idx.msk $0xffff, v18  }
0xef: {  	_ =	sdelay $0x1  }
0xf0: {  	[tilespmem:$0x1FC00] =	vst v33  }
0xf1: {  	[tilespmem:$0x1FC10] =	vst v32  }
0xf2: {  	[tilespmem:v19+s25+$0x0] =	vst.idx.msk $0xffff, v18  }
0xf3: {  	v7 =	vor.u32 v7, v5;
	[tilespmem:v20+s25+$0x0] =	vst.idx.msk $0xffff, v18  }
0xf4: {  	[tilespmem:v11+s25+$0x0] =	vst.idx.msk $0xffff, v18;
	v11 =	vor.u32 v15, v5  }
0xf5: {  	v5 =	vor.u32 v8, v5;
	[tilespmem:v14+s25+$0x0] =	vst.idx.msk $0xffff, v18  }
0xf6: {  	[tilespmem:v17+s25+$0x0] =	vst.idx.msk $0xffff, v18  }
0xf7: {  	[tilespmem:v0+s25+$0x0] =	vst.idx.msk $0xffff, v18  }
0xf8: {  	[tilespmem:v7+s25+$0x0] =	vst.idx.msk $0xffff, v18  }
0xf9: {  	[tilespmem:v11+s25+$0x0] =	vst.idx.msk $0xffff, v18  }
0xfa: {  	[tilespmem:v5+s25+$0x0] =	vst.idx.msk $0xffff, v18  }
0xfb: {  	[tilespmem:s26], [sflag:$0x1] =	stream.linear.gather [hbm4b:s10+s4], $0xC00, $0x38;
	[tilespmem:$0x1F980] =	vst v63  }
0xfc: {  	[tilespmem:$0x1FC20] =	vst v31  }
0xfd: {  	v2 =	vld [tilespmem:$0x1FFC0];
	[tilespmem:s28], [sflag:$0x1] =	stream.linear.gather [hbm4b:s11+s4], $0xC00, $0x38  }
0xfe: {  	[tilespmem:$0x1FC30] =	vst v30;
	v39 =	vmov v60;
	v60 =	vld [tilespmem:$0x1FFA0]  }
0xff: {  	v42 =	vmov v61;
	v61 =	vld [tilespmem:$0x1FF90];
	[tilespmem:s29], [sflag:$0x1] =	stream.linear.gather [hbm4b:s12+s4], $0x30, $0x38  }
0x100: {  	[tilespmem:$0x1FC40] =	vst v29;
	s0 =	simm.s32 $0x19500;
	v13 =	vld [tilespmem:$0x1FF80]  }
0x101: {  	v40 =	vmov v59;
	v59 =	vld [tilespmem:$0x1FFD0];
	[tilespmem:s0], [sflag:$0x2] =	stream.linear.gather [hbm4b:s13+s4], $0xC00, $0x38  }
.Ltmp1:
0x102: {  	[tilespmem:$0x1FC50] =	vst v28;
	v43 =	vld [tilespmem:$0x1FFB0];
	(pc) =	sbr.rel @p1 .LBB2_11-.Ltmp1, $4  }
0x103: {  	[tilespmem:$0x1FC60] =	vst v15;
	s17 =	simm.s32 $0x1AD00;
	v56 =	vld [tilespmem:$0x1FC80]  }
0x104: {  	v48 =	vmov v55;
	v55 =	vmov v4;
	v4 =	vld [tilespmem:$0x1FC90];
	[tilespmem:s17], [sflag:$0x2] =	stream.linear.gather [hbm4b:s14+s4], $0xC00, $0x38  }
0x105: {  	[tilespmem:$0x1FC70] =	vst v8;
	s18 =	simm.s32 $0x1B930;
	s8 =	smov.u32 s31;
	v12 =	vmov v53;
	v44 =	vmov v54;
	v57 =	vmov v6;
	v6 =	vld [tilespmem:$0x1FCA0]  }
0x106: {  	v45 =	vmovc v62;
	v58 =	vmovc v9;
	v62 =	vmov v63;
	v63 =	vlaneseq.u32;
	v15 =	vld [tilespmem:$0x1FF70];
	v8 =	vmov v3;
	[tilespmem:s18], [sflag:$0x2] =	stream.linear.gather [hbm4b:s16+s4], $0x30, $0x38  }
.LBB2_4:
0x107: {  	s0 =	ssub.s32 s8, s31  }
0x108: {  	s1 =	sand.u32 $0x1, s0  }
0x109: {  	p2 =	seq.s32 s1, $0x1  }
0x10a: {  	s0 =	simm.s32 @!p2 $0x1  }
0x10b: {  	_ =	swait.ge @!p2 [sflag:s0], $0xC00  }
0x10c: {  	[sflag:s0] =	ssyncset.done @!p2 $0x0  }
0x10d: {  	[sflag:s0] =	ssyncadd.s32 @!p2 $0xFFFFF400  }
0x10e: {  	_ =	swait.ge @!p2 [sflag:s0], $0xC00  }
0x10f: {  	[sflag:s0] =	ssyncset.done @!p2 $0x0  }
0x110: {  	[sflag:s0] =	ssyncadd.s32 @!p2 $0xFFFFF400  }
0x111: {  	_ =	swait.ge @!p2 [sflag:s0], $0x30  }
0x112: {  	p3 =	seq.s32 s1, $0x0;
	[sflag:s0] =	ssyncset.done @!p2 $0x0  }
0x113: {  	s3 =	simm.s32 @!p3 $0x2;
	[sflag:s0] =	ssyncadd.s32 @!p2 $0xFFFFFFD0  }
0x114: {  	_ =	swait.ge @!p3 [sflag:s3], $0xC00  }
0x115: {  	s15 =	smul.u32 $0xC00, s1;
	[sflag:s3] =	ssyncset.done @!p3 $0x0  }
0x116: {  	s17 =	simm.s32 $0x0;
	v0 =	vmul.u32 $0x40, v63;
	[sflag:s3] =	ssyncadd.s32 @!p3 $0xFFFFF400  }
0x117: {  	s18 =	sor.u32 s15, s17;
	_ =	swait.ge @!p3 [sflag:s3], $0xC00  }
0x118: {  	v5 =	vor.u32 s18, v0;
	[sflag:s3] =	ssyncset.done @!p3 $0x0  }
0x119: {  	[sflag:s3] =	ssyncadd.s32 @!p3 $0xFFFFF400  }
0x11a: {  	_ =	swait.ge @!p3 [sflag:s3], $0x30  }
0x11b: {  	s0 =	smul.u32 $0x30, s8;
	[sflag:s3] =	ssyncset.done @!p3 $0x0  }
0x11c: {  	[sflag:s3] =	ssyncadd.s32 @!p3 $0xFFFFFFD0  }
0x11d: {  	s5 =	simm.s32 $0x1;
	v11 =	vor.u32 s0, v63;
	v14 =	vld.idx.msk [tilespmem:v5+s28+$0x0], $0xffff  }
0x11e: {  	s3 =	sor.u32 s15, s5;
	v7 =	vld.idx.msk [tilespmem:v5+s26+$0x0], $0xffff  }
0x11f: {  	v5 =	vor.u32 s3, v0;
	_ =	sdelay $0x2  }
0x120: {  	v19 =	vld.idx.msk [tilespmem:v11+s17+$0x0], $0xffff;
	v11 =	vshra.s32 v14, $0x1;
	v20 =	vmul.f32 $5.000000000e-01, v14  }
0x121: {  	v11 =	vsub.s32 $0x5F3759DF, v11  }
0x122: {  	v21 =	vld.idx.msk [tilespmem:v5+s28+$0x0], $0xffff;
	v17 =	vmul.f32 v11, v20  }
0x123: {  	v5 =	vld.idx.msk [tilespmem:v5+s26+$0x0], $0xffff  }
0x124: {  	s17 =	simm.s32 $0x2;
	v22 =	vld.idx.msk [tilespmem:v7+s4+$0x0], $0xffff;
	v7 =	vmul.f32 v11, v17  }
0x125: {  	s3 =	sor.u32 s15, s17  }
0x126: {  	v23 =	vor.u32 s3, v0;
	v7 =	vsub.f32 $1.500000000e+00, v7;
	_ =	sdelay $0x1  }
0x127: {  	v17 =	vshra.s32 v21, $0x1;
	v24 =	vmul.f32 $5.000000000e-01, v21;
	v7 =	vmul.f32 v11, v7  }
0x128: {  	v26 =	vsub.s32 $0x5F3759DF, v17  }
0x129: {  	v25 =	vld.idx.msk [tilespmem:v19+s23+$0x0], $0xffff;
	v27 =	vmul.f32 v26, v24;
	v20 =	vmul.f32 v7, v20  }
0x12a: {  	v17 =	vld.idx.msk [tilespmem:v23+s28+$0x0], $0xffff  }
0x12b: {  	s18 =	simm.s32 $0x3;
	v11 =	vld.idx.msk [tilespmem:v5+s4+$0x0], $0xffff;
	v5 =	vmul.f32 v26, v27;
	v20 =	vmul.f32 v20, v7  }
0x12c: {  	s3 =	sor.u32 s15, s18;
	v28 =	vld.idx.msk [tilespmem:v22+s23+$0x0], $0xffff  }
0x12d: {  	v23 =	vld.idx.msk [tilespmem:v23+s26+$0x0], $0xffff;
	v27 =	vor.u32 s3, v0;
	v29 =	vsub.f32 $1.500000000e+00, v5;
	v20 =	vsub.f32 $1.500000000e+00, v20  }
0x12e: {  	v14 =	vmul.f32 v14, v14  }
0x12f: {  	v5 =	vsub.f32 $0.0e+00, v25;
	v25 =	vmul.f32 v26, v29;
	v29 =	vmul.f32 v20, v7  }
0x130: {  	v30 =	vmul.f32 $5.000000000e-01, v17  }
0x131: {  	v7 =	vshra.s32 v17, $0x1;
	v26 =	vmul.f32 v28, v5;
	v14 =	vmul.f32 v29, v14  }
0x132: {  	v33 =	vld.idx.msk [tilespmem:v27+s26+$0x0], $0xffff;
	v28 =	vsub.s32 $0x5F3759DF, v7;
	v7 =	vmul.f32 v25, v24  }
0x133: {  	v20 =	vld.idx.msk [tilespmem:v27+s28+$0x0], $0xffff;
	v24 =	vmul.f32 v28, v30;
	v14 =	vmul.f32 v14, v26  }
0x134: {  	s3 =	smul.u32 $0x30, s1;
	v31 =	vld.idx.msk [tilespmem:v11+s23+$0x0], $0xffff;
	v32 =	vmul.f32 v7, v25  }
0x135: {  	s5 =	simm.s32 $0x4;
	v7 =	vld.idx.msk [tilespmem:v23+s4+$0x0], $0xffff;
	v23 =	vmul.f32 v28, v24;
	v27 =	vmul.f32 $1.442695020e+00, v14  }
0x136: {  	s17 =	sor.u32 s15, s5;
	v26 =	vor.u32 s3, v63;
	v24 =	vsub.f32 $1.500000000e+00, v32  }
0x137: {  	v34 =	vor.u32 s17, v0;
	v63 =	vsub.f32 $1.500000000e+00, v23;
	(erf) = vpow2.f32 v27  }
0x138: {  	v21 =	vmul.f32 v21, v21;
	v14 =	vmul.f32 v24, v25  }
0x139: {  	v3 =	vld.idx.msk [tilespmem:v19+s24+$0x0], $0xffff;
	v23 =	vmul.f32 $5.000000000e-01, v20;
	v24 =	vmul.f32 v28, v63  }
0x13a: {  	v19 =	vshra.s32 v20, $0x1;
	v25 =	vld.idx.msk [tilespmem:v22+s24+$0x0], $0xffff;
	v28 =	vmul.f32 v31, v5;
	v21 =	vmul.f32 v14, v21  }
0x13b: {  	v1 =	vld.idx.msk [tilespmem:v26+s29+$0x0], $0xffff;
	v26 =	vsub.s32 $0x5F3759DF, v19;
	v19 =	vmul.f32 v24, v30  }
0x13c: {  	s18 =	simm.s32 $0x5;
	v22 =	vld.idx.msk [tilespmem:v34+s28+$0x0], $0xffff;
	v30 =	vmul.f32 v26, v23;
	v28 =	vmul.f32 v21, v28  }
0x13d: {  	s17 =	sor.u32 s15, s18;
	v35 =	vmul.f32 v29, v29;
	v27 =	vld.idx.msk [tilespmem:v7+s23+$0x0], $0xffff;
	v31 =	vmul.f32 v19, v24  }
0x13e: {  	v29 =	vor.u32 s17, v0;
	v21 =	vld.idx.msk [tilespmem:v33+s4+$0x0], $0xffff;
	v32 =	vmul.f32 v26, v30;
	v30 =	vmul.f32 $1.442695020e+00, v28  }
0x13f: {  	s17 =	simm.s32 $0x6;
	v19 =	vimm.f32 $0.0e+00;
	v25 =	vmul.f32 v35, v25;
	v28 =	vld.idx.msk [tilespmem:v34+s26+$0x0], $0xffff;
	v31 =	vsub.f32 $1.500000000e+00, v31  }
.LBB2_5:
0x140: {  	p3 =	sne.s32 s17, $0x3F;
	v32 =	vsub.f32 $1.500000000e+00, v32;
	v33 =	vmul.f32 v17, v17;
	(erf) = vpow2.f32 v30;
	v17 =	vpop (erf)  }
0x141: {  	v30 =	vmul.f32 v31, v24;
	v25 =	vmul.f32 v17, v25;
	v17 =	vmov v20  }
0x142: {  	v31 =	vshra.s32 v22, $0x1;
	v34 =	vmul.f32 $5.000000000e-01, v22;
	v20 =	vmovc v22;
	v24 =	vmul.f32 v26, v32;
	v35 =	vld.idx.msk [tilespmem:v11+s24+$0x0], $0xffff;
	v11 =	vmovc v7  }
0x143: {  	v27 =	vmul.f32 v27, v5;
	v32 =	vmul.f32 v30, v33;
	v19 =	vadd.f32 v25, v19;
	v7 =	vmovc v21  }
.Ltmp2:
0x144: {  	v26 =	vsub.s32 $0x5F3759DF, v31;
	v25 =	vmul.f32 v24, v23;
	v23 =	vmov v34;
	(pc) =	sbr.rel @p3 .LBB2_5-.Ltmp2, $4  }
0x145: {  	v22 =	vld.idx.msk [tilespmem:v29+s28+$0x0], $0xffff;
	v31 =	vmul.f32 v26, v23;
	v33 =	vmul.f32 v32, v27  }
0x146: {  	v34 =	vmul.f32 v14, v14;
	v14 =	vmov v30;
	v27 =	vld.idx.msk [tilespmem:v21+s23+$0x0], $0xffff;
	v25 =	vmul.f32 v25, v24  }
0x147: {  	s18 =	sor.u32 s15, s17;
	v21 =	vld.idx.msk [tilespmem:v28+s4+$0x0], $0xffff;
	v32 =	vmul.f32 v26, v31;
	v30 =	vmul.f32 $1.442695020e+00, v33  }
0x148: {  	s17 =	sadd.s32 $0x1, s17;
	v28 =	vld.idx.msk [tilespmem:v29+s26+$0x0], $0xffff;
	v29 =	vor.u32 s18, v0;
	v31 =	vsub.f32 $1.500000000e+00, v25;
	v25 =	vmul.f32 v34, v35  }
0x149: {  	_ =	sdelay $0x3  }
0x14a: {  	v33 =	vld.idx.msk [tilespmem:v29+s28+$0x0], $0xffff  }
0x14b: {  	v29 =	vld.idx.msk [tilespmem:v29+s26+$0x0], $0xffff;
	v34 =	vshra.s32 v22, $0x1;
	v35 =	vmul.f32 $5.000000000e-01, v22  }
0x14c: {  	v34 =	vsub.s32 $0x5F3759DF, v34  }
0x14d: {  	v36 =	vmul.f32 v34, v35  }
0x14e: {  	v32 =	vsub.f32 $1.500000000e+00, v32;
	v17 =	vmul.f32 v17, v17  }
0x14f: {  	v37 =	vshra.s32 v33, $0x1;
	v38 =	vmul.f32 $5.000000000e-01, v33;
	v36 =	vmul.f32 v34, v36  }
0x150: {  	(erf) = vpow2.f32 v30;
	v26 =	vmul.f32 v26, v32;
	v28 =	vld.idx.msk [tilespmem:v28+s4+$0x0], $0xffff;
	v37 =	vsub.s32 $0x5F3759DF, v37  }
0x151: {  	v24 =	vmul.f32 v31, v24;
	v47 =	vmul.f32 v37, v38;
	v31 =	vsub.f32 $1.500000000e+00, v36  }
0x152: {  	v27 =	vmul.f32 v27, v5;
	v23 =	vmul.f32 v26, v23  }
0x153: {  	v29 =	vld.idx.msk [tilespmem:v29+s4+$0x0], $0xffff;
	v32 =	vmul.f32 v37, v47;
	v31 =	vmul.f32 v34, v31  }
0x154: {  	v17 =	vmul.f32 v24, v17;
	v23 =	vmul.f32 v23, v26  }
0x155: {  	v20 =	vmul.f32 v20, v20;
	v49 =	vld.idx.msk [tilespmem:v21+s23+$0x0], $0xffff;
	v32 =	vsub.f32 $1.500000000e+00, v32;
	v30 =	vmul.f32 v31, v35  }
0x156: {  	v14 =	vmul.f32 v14, v14;
	v17 =	vmul.f32 v17, v27;
	v23 =	vsub.f32 $1.500000000e+00, v23  }
0x157: {  	v27 =	vmul.f32 v37, v32;
	v30 =	vmul.f32 v30, v31  }
0x158: {  	v22 =	vmul.f32 v22, v22;
	v23 =	vmul.f32 v23, v26;
	v26 =	vld.idx.msk [tilespmem:v28+s23+$0x0], $0xffff  }
0x159: {  	v17 =	vmul.f32 $1.442695020e+00, v17;
	v32 =	vmul.f32 v27, v38;
	v30 =	vsub.f32 $1.500000000e+00, v30  }
0x15a: {  	v34 =	vmul.f32 v49, v5;
	v20 =	vmul.f32 v23, v20  }
0x15b: {  	v32 =	vmul.f32 v32, v27;
	v30 =	vmul.f32 v30, v31;
	v31 =	vld.idx.msk [tilespmem:v29+s23+$0x0], $0xffff  }
0x15c: {  	(erf) = vpow2.f32 v17;
	v17 =	vmul.f32 v20, v34  }
0x15d: {  	v26 =	vmul.f32 v26, v5;
	v20 =	vsub.f32 $1.500000000e+00, v32;
	v22 =	vmul.f32 v30, v22  }
0x15e: {  	v11 =	vld.idx.msk [tilespmem:v11+s24+$0x0], $0xffff;
	v50 =	vmul.f32 v33, v33;
	v17 =	vmul.f32 $1.442695020e+00, v17  }
0x15f: {  	v20 =	vmul.f32 v20, v27;
	v22 =	vmul.f32 v22, v26  }
0x160: {  	(erf) = vpow2.f32 v17;
	v5 =	vmul.f32 v31, v5  }
0x161: {  	v7 =	vld.idx.msk [tilespmem:v7+s24+$0x0], $0xffff;
	v26 =	vmul.f32 v20, v50;
	v17 =	vmul.f32 $1.442695020e+00, v22;
	_ =	sdelay $0x1  }
0x162: {  	v11 =	vmul.f32 v14, v11;
	v14 =	vpop (erf);
	v5 =	vmul.f32 v26, v5  }
0x163: {  	v21 =	vld.idx.msk [tilespmem:v21+s24+$0x0], $0xffff;
	v14 =	vmul.f32 v14, v25;
	v22 =	vmul.f32 v24, v24  }
0x164: {  	(erf) = vpow2.f32 v17;
	v5 =	vmul.f32 $1.442695020e+00, v5;
	v17 =	vpop (erf)  }
0x165: {  	v7 =	vmul.f32 v22, v7;
	v11 =	vmul.f32 v17, v11  }
0x166: {  	(erf) = vpow2.f32 v5;
	v5 =	vadd.f32 v14, v19;
	v14 =	vmul.f32 v23, v23  }
0x167: {  	v19 =	vpop (erf)  }
0x168: {  	v17 =	vld.idx.msk [tilespmem:v28+s24+$0x0], $0xffff;
	v7 =	vmul.f32 v19, v7;
	v5 =	vadd.f32 v11, v5;
	v11 =	vmul.f32 v14, v21  }
0x169: {  	v19 =	vpop (erf)  }
0x16a: {  	v14 =	vld.idx.msk [tilespmem:v29+s24+$0x0], $0xffff;
	v5 =	vadd.f32 v7, v5;
	v7 =	vmul.f32 v19, v11  }
0x16b: {  	v21 =	vmul.f32 v30, v30;
	_ =	sdelay $0x1  }
0x16c: {  	v11 =	vmul.f32 v21, v17;
	v17 =	vmul.f32 v20, v20  }
0x16d: {  	v19 =	vand.u32 $0x7F, v1;
	v5 =	vadd.f32 v7, v5;
	v7 =	vpop (erf)  }
0x16e: {  	v7 =	vmul.f32 v7, v11;
	v11 =	vmul.f32 v17, v14;
	v14 =	vshll.u32 v1, $0x3;
	v1 =	vld [tilespmem:$0x1FDA0];
	_ =	sdelay $0x2  }
0x16f: {  	v17 =	vpop (erf);
	v14 =	vand.u32 $0xFFFFFC00, v14  }
0x170: {  	s18 =	simm.s32 $0x0;
	s17 =	sadd.s32 $0x400, s15;
	v5 =	vadd.f32 v7, v5;
	v7 =	vmul.f32 v17, v11;
	v11 =	vor.u32 v19, v14  }
0x171: {  	s5 =	sor.u32 s17, s18;
	v11 =	vadd.s32 v1, v11  }
0x172: {  	v5 =	vadd.f32 v7, v5;
	v7 =	vor.u32 s5, v0;
	_ =	sdelay $0x1  }
0x173: {  	v5 =	vmul.f32 v5, v3;
	_ =	sdelay $0x1  }
0x174: {  	[tilespmem:v11+s25+$0x0] =	vst.idx.add.f32.msk $0xffff, v5  }
0x175: {  	v5 =	vld.idx.msk [tilespmem:v7+s28+$0x0], $0xffff  }
0x176: {  	v51 =	vlaneseq.u32;
	s5 =	sadd.s32 $0x10, s0  }
0x177: {  	v11 =	vor.u32 s5, v51;
	s5 =	simm.s32 $0x1;
	v7 =	vld.idx.msk [tilespmem:v7+s26+$0x0], $0xffff  }
0x178: {  	s5 =	sor.u32 s17, s5  }
0x179: {  	v14 =	vor.u32 s5, v0  }
0x17a: {  	v17 =	vshra.s32 v5, $0x1;
	v19 =	vmul.f32 $5.000000000e-01, v5  }
0x17b: {  	v17 =	vsub.s32 $0x5F3759DF, v17  }
0x17c: {  	v20 =	vld.idx.msk [tilespmem:v11+s18+$0x0], $0xffff;
	v11 =	vmul.f32 v17, v19;
	_ =	sdelay $0x1  }
0x17d: {  	v21 =	vld.idx.msk [tilespmem:v14+s28+$0x0], $0xffff;
	v11 =	vmul.f32 v17, v11  }
0x17e: {  	s18 =	simm.s32 $0x2;
	v22 =	vld.idx.msk [tilespmem:v7+s4+$0x0], $0xffff  }
0x17f: {  	s5 =	sor.u32 s17, s18;
	v7 =	vld.idx.msk [tilespmem:v14+s26+$0x0], $0xffff;
	v11 =	vsub.f32 $1.500000000e+00, v11  }
0x180: {  	v14 =	vor.u32 s5, v0  }
0x181: {  	v17 =	vmul.f32 v17, v11  }
0x182: {  	v23 =	vmul.f32 $5.000000000e-01, v21;
	v11 =	vshra.s32 v21, $0x1  }
0x183: {  	v24 =	vld.idx.msk [tilespmem:v20+s23+$0x0], $0xffff;
	v25 =	vsub.s32 $0x5F3759DF, v11;
	v11 =	vmul.f32 v17, v19  }
0x184: {  	v19 =	vmul.f32 v25, v23  }
0x185: {  	v26 =	vld.idx.msk [tilespmem:v14+s28+$0x0], $0xffff;
	v27 =	vmul.f32 v11, v17  }
0x186: {  	s18 =	simm.s32 $0x3;
	v28 =	vld.idx.msk [tilespmem:v22+s23+$0x0], $0xffff;
	v19 =	vmul.f32 v25, v19  }
0x187: {  	s5 =	sor.u32 s17, s18;
	v11 =	vld.idx.msk [tilespmem:v7+s4+$0x0], $0xffff;
	v27 =	vsub.f32 $1.500000000e+00, v27  }
0x188: {  	v14 =	vld.idx.msk [tilespmem:v14+s26+$0x0], $0xffff;
	v7 =	vsub.f32 $0.0e+00, v24;
	v24 =	vor.u32 s5, v0;
	v19 =	vsub.f32 $1.500000000e+00, v19  }
0x189: {  	v5 =	vmul.f32 v5, v5;
	v27 =	vmul.f32 v27, v17  }
0x18a: {  	v29 =	vmul.f32 $5.000000000e-01, v26;
	v19 =	vmul.f32 v25, v19  }
0x18b: {  	v17 =	vshra.s32 v26, $0x1;
	v25 =	vmul.f32 v28, v7;
	v5 =	vmul.f32 v27, v5  }
0x18c: {  	v28 =	vsub.s32 $0x5F3759DF, v17;
	v23 =	vmul.f32 v19, v23  }
0x18d: {  	v17 =	vld.idx.msk [tilespmem:v24+s28+$0x0], $0xffff;
	v30 =	vmul.f32 v28, v29;
	v5 =	vmul.f32 v5, v25  }
0x18e: {  	v24 =	vld.idx.msk [tilespmem:v24+s26+$0x0], $0xffff;
	v23 =	vmul.f32 v23, v19  }
0x18f: {  	s18 =	simm.s32 $0x4;
	v25 =	vld.idx.msk [tilespmem:v11+s23+$0x0], $0xffff;
	v30 =	vmul.f32 v28, v30;
	v31 =	vmul.f32 $1.442695020e+00, v5  }
0x190: {  	s18 =	sor.u32 s17, s18;
	v5 =	vld.idx.msk [tilespmem:v14+s4+$0x0], $0xffff;
	v14 =	vsub.f32 $1.500000000e+00, v23  }
0x191: {  	v23 =	vsub.f32 $1.500000000e+00, v30;
	v30 =	vor.u32 s18, v0;
	(erf) = vpow2.f32 v31  }
0x192: {  	v31 =	vmul.f32 v21, v21;
	v14 =	vmul.f32 v14, v19  }
0x193: {  	v21 =	vmul.f32 $5.000000000e-01, v17;
	v23 =	vmul.f32 v28, v23;
	v19 =	vshra.s32 v17, $0x1  }
0x194: {  	s5 =	sadd.s32 $0x10, s3;
	v28 =	vld.idx.msk [tilespmem:v22+s24+$0x0], $0xffff;
	v22 =	vmul.f32 v25, v7;
	v25 =	vsub.s32 $0x5F3759DF, v19;
	v31 =	vmul.f32 v14, v31  }
0x195: {  	v3 =	vld.idx.msk [tilespmem:v20+s24+$0x0], $0xffff;
	v32 =	vor.u32 s5, v51;
	v19 =	vmul.f32 v23, v29;
	v20 =	vmul.f32 v25, v21  }
0x196: {  	v53 =	vmul.f32 v27, v27;
	v29 =	vmul.f32 v31, v22;
	v22 =	vld.idx.msk [tilespmem:v30+s28+$0x0], $0xffff  }
0x197: {  	v31 =	vmul.f32 v19, v23;
	v54 =	vmul.f32 v25, v20;
	v20 =	vld.idx.msk [tilespmem:v24+s4+$0x0], $0xffff  }
0x198: {  	s18 =	simm.s32 $0x5;
	v19 =	vimm.f32 $0.0e+00;
	v27 =	vld.idx.msk [tilespmem:v5+s23+$0x0], $0xffff;
	v63 =	vmul.f32 $1.442695020e+00, v29  }
0x199: {  	s5 =	sor.u32 s17, s18;
	v24 =	vmul.f32 v53, v28;
	v28 =	vld.idx.msk [tilespmem:v30+s26+$0x0], $0xffff;
	v30 =	vmul.f32 v26, v26;
	v31 =	vsub.f32 $1.500000000e+00, v31  }
0x19a: {  	v1 =	vld.idx.msk [tilespmem:v32+s29+$0x0], $0xffff;
	s18 =	simm.s32 $0x6;
	v29 =	vor.u32 s5, v0;
	v32 =	vsub.f32 $1.500000000e+00, v54;
	(erf) = vpow2.f32 v63;
	v26 =	vpop (erf)  }
.LBB2_7:
0x19b: {  	p3 =	sne.s32 s18, $0x3F;
	v31 =	vmul.f32 v31, v23;
	v24 =	vmul.f32 v26, v24;
	v26 =	vmov v17  }
0x19c: {  	v33 =	vshra.s32 v22, $0x1;
	v34 =	vmul.f32 $5.000000000e-01, v22;
	v17 =	vmovc v22;
	v23 =	vmul.f32 v25, v32;
	v32 =	vld.idx.msk [tilespmem:v11+s24+$0x0], $0xffff;
	v11 =	vmovc v5  }
0x19d: {  	v27 =	vmul.f32 v27, v7;
	v30 =	vmul.f32 v31, v30;
	v19 =	vadd.f32 v24, v19;
	v5 =	vmovc v20  }
0x19e: {  	v25 =	vsub.s32 $0x5F3759DF, v33;
	v24 =	vmul.f32 v23, v21;
	v21 =	vmov v34  }
.Ltmp3:
0x19f: {  	v22 =	vld.idx.msk [tilespmem:v29+s28+$0x0], $0xffff;
	v33 =	vmul.f32 v25, v21;
	v30 =	vmul.f32 v30, v27;
	(pc) =	sbr.rel @p3 .LBB2_7-.Ltmp3, $4  }
0x1a0: {  	v34 =	vmul.f32 v14, v14;
	v14 =	vmov v31;
	v27 =	vld.idx.msk [tilespmem:v20+s23+$0x0], $0xffff;
	v24 =	vmul.f32 v24, v23  }
0x1a1: {  	s5 =	sor.u32 s17, s18;
	v20 =	vld.idx.msk [tilespmem:v28+s4+$0x0], $0xffff;
	v33 =	vmul.f32 v25, v33;
	v35 =	vmul.f32 $1.442695020e+00, v30  }
0x1a2: {  	v28 =	vld.idx.msk [tilespmem:v29+s26+$0x0], $0xffff;
	v29 =	vor.u32 s5, v0;
	v31 =	vsub.f32 $1.500000000e+00, v24;
	v24 =	vmul.f32 v34, v32  }
0x1a3: {  	s18 =	sadd.s32 $0x1, s18;
	v30 =	vmul.f32 v26, v26;
	v32 =	vsub.f32 $1.500000000e+00, v33;
	(erf) = vpow2.f32 v35;
	v26 =	vpop (erf)  }
0x1a4: {  	_ =	sdelay $0x3  }
0x1a5: {  	v33 =	vld.idx.msk [tilespmem:v29+s28+$0x0], $0xffff;
	_ =	sdelay $0x1  }
0x1a6: {  	v34 =	vshra.s32 v22, $0x1;
	v35 =	vmul.f32 $5.000000000e-01, v22;
	v29 =	vld.idx.msk [tilespmem:v29+s26+$0x0], $0xffff  }
0x1a7: {  	v34 =	vsub.s32 $0x5F3759DF, v34  }
0x1a8: {  	v36 =	vmul.f32 v34, v35  }
0x1a9: {  	v37 =	vshra.s32 v33, $0x1;
	v38 =	vmul.f32 $5.000000000e-01, v33  }
0x1aa: {  	v36 =	vmul.f32 v34, v36;
	v37 =	vsub.s32 $0x5F3759DF, v37  }
0x1ab: {  	v25 =	vmul.f32 v25, v32;
	v28 =	vld.idx.msk [tilespmem:v28+s4+$0x0], $0xffff;
	v63 =	vmul.f32 v37, v38  }
0x1ac: {  	v23 =	vmul.f32 v31, v23;
	v31 =	vsub.f32 $1.500000000e+00, v36  }
0x1ad: {  	v21 =	vmul.f32 v25, v21;
	v32 =	vmul.f32 v37, v63  }
0x1ae: {  	v27 =	vmul.f32 v27, v7;
	v31 =	vmul.f32 v34, v31;
	v29 =	vld.idx.msk [tilespmem:v29+s4+$0x0], $0xffff  }
0x1af: {  	v30 =	vmul.f32 v23, v30;
	v41 =	vld.idx.msk [tilespmem:v20+s23+$0x0], $0xffff;
	v21 =	vmul.f32 v21, v25;
	v32 =	vsub.f32 $1.500000000e+00, v32  }
0x1b0: {  	v17 =	vmul.f32 v17, v17;
	v35 =	vmul.f32 v31, v35  }
0x1b1: {  	v27 =	vmul.f32 v30, v27;
	v21 =	vsub.f32 $1.500000000e+00, v21;
	v30 =	vmul.f32 v37, v32  }
0x1b2: {  	v22 =	vmul.f32 v22, v22;
	v46 =	vmul.f32 v35, v31  }
0x1b3: {  	v21 =	vmul.f32 v21, v25;
	v25 =	vld.idx.msk [tilespmem:v28+s23+$0x0], $0xffff;
	v47 =	vmul.f32 v30, v38  }
0x1b4: {  	v27 =	vmul.f32 $1.442695020e+00, v27;
	v34 =	vmul.f32 v41, v7;
	v32 =	vsub.f32 $1.500000000e+00, v46  }
0x1b5: {  	v17 =	vmul.f32 v21, v17;
	v35 =	vmul.f32 v47, v30  }
0x1b6: {  	v14 =	vmul.f32 v14, v14;
	v31 =	vmul.f32 v32, v31;
	v49 =	vld.idx.msk [tilespmem:v29+s23+$0x0], $0xffff  }
0x1b7: {  	(erf) = vpow2.f32 v27;
	v17 =	vmul.f32 v17, v34;
	v27 =	vsub.f32 $1.500000000e+00, v35  }
0x1b8: {  	v25 =	vmul.f32 v25, v7;
	v22 =	vmul.f32 v31, v22  }
0x1b9: {  	v11 =	vld.idx.msk [tilespmem:v11+s24+$0x0], $0xffff;
	v33 =	vmul.f32 v33, v33;
	v27 =	vmul.f32 v27, v30  }
0x1ba: {  	v17 =	vmul.f32 $1.442695020e+00, v17;
	v22 =	vmul.f32 v22, v25  }
0x1bb: {  	v7 =	vmul.f32 v49, v7;
	v25 =	vmul.f32 v27, v33  }
0x1bc: {  	(erf) = vpow2.f32 v17;
	v17 =	vmul.f32 $1.442695020e+00, v22  }
0x1bd: {  	v5 =	vld.idx.msk [tilespmem:v5+s24+$0x0], $0xffff;
	v7 =	vmul.f32 v25, v7  }
0x1be: {  	v11 =	vmul.f32 v14, v11;
	(erf) = vpow2.f32 v17  }
0x1bf: {  	v14 =	vld.idx.msk [tilespmem:v20+s24+$0x0], $0xffff;
	v17 =	vmul.f32 v26, v24;
	v7 =	vmul.f32 $1.442695020e+00, v7  }
0x1c0: {  	v22 =	vmul.f32 v23, v23  }
0x1c1: {  	v20 =	vpop (erf);
	(erf) = vpow2.f32 v7;
	v7 =	vadd.f32 v17, v19;
	v17 =	vmul.f32 v21, v21  }
0x1c2: {  	v11 =	vmul.f32 v20, v11;
	v5 =	vmul.f32 v22, v5  }
0x1c3: {  	v20 =	vpop (erf)  }
0x1c4: {  	v5 =	vmul.f32 v20, v5;
	v19 =	vld.idx.msk [tilespmem:v28+s24+$0x0], $0xffff;
	v7 =	vadd.f32 v11, v7;
	v11 =	vmul.f32 v17, v14  }
0x1c5: {  	v17 =	vpop (erf)  }
0x1c6: {  	v14 =	vld.idx.msk [tilespmem:v29+s24+$0x0], $0xffff;
	v5 =	vadd.f32 v5, v7;
	v7 =	vmul.f32 v17, v11  }
0x1c7: {  	v20 =	vmul.f32 v31, v31;
	_ =	sdelay $0x1  }
0x1c8: {  	v11 =	vmul.f32 v20, v19;
	v17 =	vmul.f32 v27, v27  }
0x1c9: {  	v19 =	vand.u32 $0x7F, v1;
	v5 =	vadd.f32 v7, v5;
	v7 =	vpop (erf)  }
0x1ca: {  	v7 =	vmul.f32 v7, v11;
	v11 =	vmul.f32 v17, v14;
	v14 =	vshll.u32 v1, $0x3;
	v1 =	vld [tilespmem:$0x1FDA0];
	_ =	sdelay $0x2  }
0x1cb: {  	v17 =	vpop (erf);
	v14 =	vand.u32 $0xFFFFFC00, v14  }
0x1cc: {  	s5 =	simm.s32 $0x0;
	s15 =	sadd.s32 $0x800, s15;
	v5 =	vadd.f32 v7, v5;
	v7 =	vmul.f32 v17, v11;
	v11 =	vor.u32 v19, v14  }
0x1cd: {  	s17 =	sor.u32 s15, s5;
	v11 =	vadd.s32 v1, v11  }
0x1ce: {  	v14 =	vor.u32 s17, v0;
	v5 =	vadd.f32 v7, v5;
	_ =	sdelay $0x1  }
0x1cf: {  	v5 =	vmul.f32 v5, v3;
	_ =	sdelay $0x1  }
0x1d0: {  	[tilespmem:v11+s25+$0x0] =	vst.idx.add.f32.msk $0xffff, v5  }
0x1d1: {  	v5 =	vld.idx.msk [tilespmem:v14+s28+$0x0], $0xffff  }
0x1d2: {  	s0 =	sadd.s32 $0x20, s0;
	v63 =	vlaneseq.u32  }
0x1d3: {  	s18 =	simm.s32 $0x1;
	v7 =	vor.u32 s0, v63;
	v11 =	vld.idx.msk [tilespmem:v14+s26+$0x0], $0xffff  }
0x1d4: {  	s0 =	sor.u32 s15, s18  }
0x1d5: {  	v14 =	vor.u32 s0, v0  }
0x1d6: {  	v17 =	vshra.s32 v5, $0x1;
	v19 =	vmul.f32 $5.000000000e-01, v5  }
0x1d7: {  	v17 =	vsub.s32 $0x5F3759DF, v17  }
0x1d8: {  	v20 =	vld.idx.msk [tilespmem:v7+s5+$0x0], $0xffff;
	v7 =	vmul.f32 v17, v19;
	_ =	sdelay $0x1  }
0x1d9: {  	v21 =	vld.idx.msk [tilespmem:v14+s28+$0x0], $0xffff;
	v7 =	vmul.f32 v17, v7  }
0x1da: {  	s17 =	simm.s32 $0x2;
	v22 =	vld.idx.msk [tilespmem:v11+s4+$0x0], $0xffff  }
0x1db: {  	s0 =	sor.u32 s15, s17;
	v11 =	vld.idx.msk [tilespmem:v14+s26+$0x0], $0xffff;
	v7 =	vsub.f32 $1.500000000e+00, v7  }
0x1dc: {  	v14 =	vor.u32 s0, v0  }
0x1dd: {  	v17 =	vmul.f32 v17, v7  }
0x1de: {  	v23 =	vmul.f32 $5.000000000e-01, v21;
	v7 =	vshra.s32 v21, $0x1  }
0x1df: {  	v24 =	vld.idx.msk [tilespmem:v20+s23+$0x0], $0xffff;
	v25 =	vsub.s32 $0x5F3759DF, v7;
	v7 =	vmul.f32 v17, v19  }
0x1e0: {  	v19 =	vmul.f32 v25, v23  }
0x1e1: {  	v26 =	vld.idx.msk [tilespmem:v14+s28+$0x0], $0xffff;
	v7 =	vmul.f32 v7, v17  }
0x1e2: {  	s18 =	simm.s32 $0x3;
	v27 =	vld.idx.msk [tilespmem:v22+s23+$0x0], $0xffff;
	v19 =	vmul.f32 v25, v19  }
0x1e3: {  	s0 =	sor.u32 s15, s18;
	v11 =	vld.idx.msk [tilespmem:v11+s4+$0x0], $0xffff;
	v28 =	vsub.f32 $1.500000000e+00, v7  }
0x1e4: {  	v14 =	vld.idx.msk [tilespmem:v14+s26+$0x0], $0xffff;
	v7 =	vsub.f32 $0.0e+00, v24;
	v19 =	vsub.f32 $1.500000000e+00, v19;
	v24 =	vor.u32 s0, v0  }
0x1e5: {  	v5 =	vmul.f32 v5, v5;
	v28 =	vmul.f32 v28, v17  }
0x1e6: {  	v29 =	vmul.f32 $5.000000000e-01, v26;
	v19 =	vmul.f32 v25, v19  }
0x1e7: {  	v17 =	vshra.s32 v26, $0x1;
	v25 =	vmul.f32 v27, v7;
	v5 =	vmul.f32 v28, v5  }
0x1e8: {  	v27 =	vsub.s32 $0x5F3759DF, v17;
	v23 =	vmul.f32 v19, v23  }
0x1e9: {  	v30 =	vmul.f32 v27, v29;
	v17 =	vld.idx.msk [tilespmem:v24+s28+$0x0], $0xffff;
	v5 =	vmul.f32 v5, v25  }
0x1ea: {  	v24 =	vld.idx.msk [tilespmem:v24+s26+$0x0], $0xffff;
	v23 =	vmul.f32 v23, v19  }
0x1eb: {  	s5 =	simm.s32 $0x4;
	v25 =	vld.idx.msk [tilespmem:v11+s23+$0x0], $0xffff;
	v30 =	vmul.f32 v27, v30;
	v31 =	vmul.f32 $1.442695020e+00, v5  }
0x1ec: {  	s17 =	sor.u32 s15, s5;
	v5 =	vld.idx.msk [tilespmem:v14+s4+$0x0], $0xffff;
	v14 =	vsub.f32 $1.500000000e+00, v23  }
0x1ed: {  	v23 =	vsub.f32 $1.500000000e+00, v30;
	v30 =	vor.u32 s17, v0;
	(erf) = vpow2.f32 v31  }
0x1ee: {  	v31 =	vmul.f32 v21, v21;
	v14 =	vmul.f32 v14, v19  }
0x1ef: {  	v21 =	vmul.f32 $5.000000000e-01, v17;
	v23 =	vmul.f32 v27, v23;
	v19 =	vshra.s32 v17, $0x1  }
0x1f0: {  	s3 =	sadd.s32 $0x20, s3;
	v51 =	vld.idx.msk [tilespmem:v22+s24+$0x0], $0xffff;
	v22 =	vmul.f32 v25, v7;
	v25 =	vsub.s32 $0x5F3759DF, v19;
	v27 =	vmul.f32 v14, v31  }
0x1f1: {  	v50 =	vor.u32 s3, v63;
	v3 =	vld.idx.msk [tilespmem:v20+s24+$0x0], $0xffff;
	v19 =	vmul.f32 v23, v29;
	v20 =	vmul.f32 v25, v21  }
0x1f2: {  	v28 =	vmul.f32 v28, v28;
	v29 =	vmul.f32 v27, v22;
	v22 =	vld.idx.msk [tilespmem:v30+s28+$0x0], $0xffff  }
0x1f3: {  	v31 =	vmul.f32 v19, v23;
	v53 =	vmul.f32 v25, v20;
	v20 =	vld.idx.msk [tilespmem:v24+s4+$0x0], $0xffff  }
0x1f4: {  	s18 =	simm.s32 $0x5;
	v19 =	vimm.f32 $0.0e+00;
	v27 =	vld.idx.msk [tilespmem:v5+s23+$0x0], $0xffff;
	v54 =	vmul.f32 $1.442695020e+00, v29  }
0x1f5: {  	s0 =	sor.u32 s15, s18;
	v24 =	vmul.f32 v28, v51;
	v28 =	vld.idx.msk [tilespmem:v30+s26+$0x0], $0xffff;
	v30 =	vmul.f32 v26, v26;
	v31 =	vsub.f32 $1.500000000e+00, v31  }
0x1f6: {  	v1 =	vld.idx.msk [tilespmem:v50+s29+$0x0], $0xffff;
	v29 =	vor.u32 s0, v0;
	s0 =	simm.s32 $0x6;
	v32 =	vsub.f32 $1.500000000e+00, v53;
	(erf) = vpow2.f32 v54;
	v26 =	vpop (erf)  }
.LBB2_9:
0x1f7: {  	p3 =	sne.s32 s0, $0x3F;
	v31 =	vmul.f32 v31, v23;
	v24 =	vmul.f32 v26, v24;
	v26 =	vmov v17  }
0x1f8: {  	v33 =	vshra.s32 v22, $0x1;
	v34 =	vmul.f32 $5.000000000e-01, v22;
	v17 =	vmovc v22;
	v23 =	vmul.f32 v25, v32;
	v32 =	vld.idx.msk [tilespmem:v11+s24+$0x0], $0xffff;
	v11 =	vmovc v5  }
0x1f9: {  	v27 =	vmul.f32 v27, v7;
	v30 =	vmul.f32 v31, v30;
	v19 =	vadd.f32 v24, v19;
	v5 =	vmovc v20  }
0x1fa: {  	v25 =	vsub.s32 $0x5F3759DF, v33;
	v24 =	vmul.f32 v23, v21;
	v21 =	vmov v34  }
.Ltmp4:
0x1fb: {  	v22 =	vld.idx.msk [tilespmem:v29+s28+$0x0], $0xffff;
	v33 =	vmul.f32 v25, v21;
	v30 =	vmul.f32 v30, v27;
	(pc) =	sbr.rel @p3 .LBB2_9-.Ltmp4, $4  }
0x1fc: {  	v34 =	vmul.f32 v14, v14;
	v14 =	vmov v31;
	v27 =	vld.idx.msk [tilespmem:v20+s23+$0x0], $0xffff;
	v24 =	vmul.f32 v24, v23  }
0x1fd: {  	s3 =	sor.u32 s15, s0;
	v20 =	vld.idx.msk [tilespmem:v28+s4+$0x0], $0xffff;
	v33 =	vmul.f32 v25, v33;
	v35 =	vmul.f32 $1.442695020e+00, v30  }
0x1fe: {  	v28 =	vld.idx.msk [tilespmem:v29+s26+$0x0], $0xffff;
	v29 =	vor.u32 s3, v0;
	v31 =	vsub.f32 $1.500000000e+00, v24;
	v24 =	vmul.f32 v34, v32  }
0x1ff: {  	s0 =	sadd.s32 $0x1, s0;
	v30 =	vmul.f32 v26, v26;
	v32 =	vsub.f32 $1.500000000e+00, v33;
	(erf) = vpow2.f32 v35;
	v26 =	vpop (erf)  }
0x200: {  	_ =	sdelay $0x3  }
0x201: {  	v0 =	vld.idx.msk [tilespmem:v29+s28+$0x0], $0xffff;
	_ =	sdelay $0x1  }
0x202: {  	v33 =	vshra.s32 v22, $0x1;
	v34 =	vmul.f32 $5.000000000e-01, v22;
	v53 =	vld.idx.msk [tilespmem:v29+s26+$0x0], $0xffff  }
0x203: {  	v33 =	vsub.s32 $0x5F3759DF, v33  }
0x204: {  	v35 =	vmul.f32 v33, v34  }
0x205: {  	v36 =	vshra.s32 v0, $0x1;
	v37 =	vmul.f32 $5.000000000e-01, v0  }
0x206: {  	v35 =	vmul.f32 v33, v35;
	v36 =	vsub.s32 $0x5F3759DF, v36  }
0x207: {  	v25 =	vmul.f32 v25, v32;
	v28 =	vld.idx.msk [tilespmem:v28+s4+$0x0], $0xffff;
	v54 =	vmul.f32 v36, v37  }
0x208: {  	v38 =	vsub.f32 $1.500000000e+00, v35  }
0x209: {  	v21 =	vmul.f32 v25, v21;
	v32 =	vmul.f32 v36, v54  }
0x20a: {  	v23 =	vmul.f32 v31, v23;
	v31 =	vmul.f32 v33, v38;
	v29 =	vld.idx.msk [tilespmem:v53+s4+$0x0], $0xffff  }
0x20b: {  	v17 =	vmul.f32 v17, v17;
	v41 =	vld.idx.msk [tilespmem:v20+s23+$0x0], $0xffff;
	v21 =	vmul.f32 v21, v25;
	v32 =	vsub.f32 $1.500000000e+00, v32  }
0x20c: {  	v51 =	vmul.f32 v22, v22;
	v34 =	vmul.f32 v31, v34  }
0x20d: {  	v27 =	vmul.f32 v27, v7;
	v21 =	vsub.f32 $1.500000000e+00, v21;
	v46 =	vmul.f32 v36, v32  }
0x20e: {  	v30 =	vmul.f32 v23, v30;
	v47 =	vmul.f32 v34, v31  }
0x20f: {  	v21 =	vmul.f32 v21, v25;
	v49 =	vld.idx.msk [tilespmem:v28+s23+$0x0], $0xffff;
	v50 =	vmul.f32 v46, v37  }
0x210: {  	v27 =	vmul.f32 v30, v27;
	v33 =	vmul.f32 v41, v7;
	v32 =	vsub.f32 $1.500000000e+00, v47  }
0x211: {  	v17 =	vmul.f32 v21, v17;
	v34 =	vmul.f32 v50, v46  }
0x212: {  	v0 =	vmul.f32 v0, v0;
	v31 =	vmul.f32 v32, v31;
	v53 =	vld.idx.msk [tilespmem:v29+s23+$0x0], $0xffff  }
0x213: {  	v27 =	vmul.f32 $1.442695020e+00, v27;
	v17 =	vmul.f32 v17, v33;
	v54 =	vsub.f32 $1.500000000e+00, v34  }
0x214: {  	v25 =	vmul.f32 v49, v7;
	v22 =	vmul.f32 v31, v51  }
0x215: {  	v11 =	vld.idx.msk [tilespmem:v11+s24+$0x0], $0xffff;
	(erf) = vpow2.f32 v27;
	v27 =	vmul.f32 v54, v46  }
0x216: {  	v17 =	vmul.f32 $1.442695020e+00, v17;
	v22 =	vmul.f32 v22, v25  }
0x217: {  	v7 =	vmul.f32 v53, v7;
	v0 =	vmul.f32 v27, v0  }
0x218: {  	v14 =	vmul.f32 v14, v14;
	(erf) = vpow2.f32 v17  }
0x219: {  	v5 =	vld.idx.msk [tilespmem:v5+s24+$0x0], $0xffff;
	v17 =	vmul.f32 $1.442695020e+00, v22;
	v0 =	vmul.f32 v0, v7  }
0x21a: {  	v7 =	vmul.f32 v14, v11  }
0x21b: {  	v11 =	vld.idx.msk [tilespmem:v20+s24+$0x0], $0xffff;
	v14 =	vmul.f32 v26, v24;
	v0 =	vmul.f32 $1.442695020e+00, v0  }
0x21c: {  	(erf) = vpow2.f32 v17;
	v20 =	vmul.f32 v23, v23  }
0x21d: {  	v17 =	vpop (erf);
	(erf) = vpow2.f32 v0;
	v0 =	vadd.f32 v14, v19;
	v14 =	vmul.f32 v21, v21  }
0x21e: {  	v7 =	vmul.f32 v17, v7;
	v5 =	vmul.f32 v20, v5  }
0x21f: {  	v19 =	vpop (erf)  }
0x220: {  	v17 =	vld.idx.msk [tilespmem:v28+s24+$0x0], $0xffff;
	v5 =	vmul.f32 v19, v5;
	v0 =	vadd.f32 v7, v0;
	v7 =	vmul.f32 v14, v11  }
0x221: {  	v14 =	vpop (erf)  }
0x222: {  	v11 =	vld.idx.msk [tilespmem:v29+s24+$0x0], $0xffff;
	v0 =	vadd.f32 v5, v0;
	v5 =	vmul.f32 v14, v7  }
0x223: {  	v19 =	vmul.f32 v31, v31;
	_ =	sdelay $0x1  }
0x224: {  	v7 =	vmul.f32 v19, v17;
	v14 =	vmul.f32 v27, v27  }
0x225: {  	v17 =	vand.u32 $0x7F, v1;
	v0 =	vadd.f32 v5, v0;
	v5 =	vpop (erf)  }
0x226: {  	v5 =	vmul.f32 v5, v7;
	v7 =	vmul.f32 v14, v11;
	v11 =	vshll.u32 v1, $0x3;
	v1 =	vld [tilespmem:$0x1FDA0];
	_ =	sdelay $0x2  }
0x227: {  	v14 =	vpop (erf);
	v11 =	vand.u32 $0xFFFFFC00, v11  }
0x228: {  	s0 =	sadd.s32 $0x2, s8;
	v0 =	vadd.f32 v5, v0;
	v5 =	vmul.f32 v14, v7;
	v7 =	vor.u32 v17, v11  }
0x229: {  	p4 =	sge.u32 s0, s9;
	v7 =	vadd.s32 v1, v7  }
0x22a: {  	p3 =	sne.s32 @!p4 s1, $0x0;
	v0 =	vadd.f32 v5, v0  }
0x22b: {  	p3 =	por p3, p4  }
0x22c: {  	s1 =	smul.u32 @!p3 $0x180, s0;
	v0 =	vmul.f32 v0, v3;
	_ =	sdelay $0x1  }
0x22d: {  	s5 =	simm.s32 @!p3 $0x0;
	s15 =	simm.s32 @!p3 $0x18900;
	s3 =	sadd.s32 @!p3 s6, s1;
	[tilespmem:v7+s25+$0x0] =	vst.idx.add.f32.msk $0xffff, v0  }
0x22e: {  	[tilespmem:s15], [sflag:$0x1] =	stream.linear.gather @!p3 [hbm4b:s3+s5], $0xC00, $0x38;
	[tilespmem:$0x1F980] =	vst v63  }
0x22f: {  	s1 =	sadd.s32 @!p3 s7, s1;
	s3 =	simm.s32 @!p3 $0x1A100  }
0x230: {  	[tilespmem:s3], [sflag:$0x1] =	stream.linear.gather @!p3 [hbm4b:s1+s5], $0xC00, $0x38;
	[tilespmem:$0x1F980] =	vst v63  }
0x231: {  	p2 =	por !p2, !p2;
	s1 =	smul.u32 @!p3 $0x6, s0  }
0x232: {  	p2 =	por p4, p2  }
0x233: {  	s15 =	smul.u32 @!p2 $0x180, s0;
	s3 =	simm.s32 @!p3 $0x1B900;
	s1 =	sadd.s32 @!p3 s2, s1  }
0x234: {  	[tilespmem:s3], [sflag:$0x1] =	stream.linear.gather @!p3 [hbm4b:s1+s5], $0x30, $0x38;
	[tilespmem:$0x1F980] =	vst v63  }
0x235: {  	s1 =	sadd.s32 @!p2 s6, s15;
	s3 =	simm.s32 @!p2 $0x0;
	s5 =	simm.s32 @!p2 $0x19500  }
0x236: {  	[tilespmem:s5], [sflag:$0x2] =	stream.linear.gather @!p2 [hbm4b:s1+s3], $0xC00, $0x38;
	[tilespmem:$0x1F980] =	vst v63  }
0x237: {  	s0 =	smul.u32 @!p2 $0x6, s0;
	s1 =	sadd.s32 @!p2 s7, s15;
	s5 =	simm.s32 @!p2 $0x1AD00  }
0x238: {  	[tilespmem:s5], [sflag:$0x2] =	stream.linear.gather @!p2 [hbm4b:s1+s3], $0xC00, $0x38;
	[tilespmem:$0x1F980] =	vst v63  }
0x239: {  	s8 =	sadd.s32 $0x1, s8;
	s0 =	sadd.s32 @!p2 s2, s0;
	s1 =	simm.s32 @!p2 $0x1B930  }
0x23a: {  	[tilespmem:s1], [sflag:$0x2] =	stream.linear.gather @!p2 [hbm4b:s0+s3], $0x30, $0x38;
	[tilespmem:$0x1F980] =	vst v63  }
0x23b: {  	p2 =	slt.u32 s8, s9  }
.Ltmp5:
0x23c: {  	_ = 	snop;
	(pc) =	sbr.rel @p2 .LBB2_4-.Ltmp5, $1  }
0x23d: {  	_ =	sdelay $0x3  }
.LBB2_11:
.Ltmp6:
0x23e: {  	(pc) =	sbr.rel @p0 .LBB2_15-.Ltmp6, $1  }
0x23f: {  	_ =	sdelay $0x3  }
0x240: {  	s0 =	simm.s32 $0x0;
	s1 =	rddreg [dreg:$0x5]  }
0x241: {  	[tilespmem:s26], [sflag:$0x3] =	stream.linear.gather [hbm4b:s1+s0], $0x400, $0x38;
	[tilespmem:$0x1F980] =	vst v63  }
0x242: {  	_ =	swait.ge [sflag:s21], $0x400  }
0x243: {  	[sflag:s21] =	ssyncset.done $0x0  }
0x244: {  	s18 =	rddreg [dreg:$0x6];
	[sflag:s21] =	ssyncadd.s32 $0xFFFFFC00  }
0x245: {  	[tilespmem:s28], [sflag:$0x3] =	stream.linear.gather [hbm4b:s18+s0], $0x400, $0x38;
	[tilespmem:$0x1F980] =	vst v63  }
0x246: {  	v0 =	vmul.u32 $0x40, v63;
	_ =	swait.ge [sflag:s21], $0x400  }
0x247: {  	[sflag:s21] =	ssyncset.done $0x0  }
0x248: {  	v5 =	vor.u32 s0, v0;
	s3 =	rddreg [dreg:$0x7];
	[sflag:s21] =	ssyncadd.s32 $0xFFFFFC00  }
0x249: {  	[tilespmem:s29], [sflag:$0x3] =	stream.linear.gather [hbm4b:s3+s0], $0x10, $0x38;
	[tilespmem:$0x1F980] =	vst v63  }
0x24a: {  	_ =	swait.ge [sflag:s21], $0x10  }
0x24b: {  	[sflag:s21] =	ssyncset.done $0x0  }
0x24c: {  	[sflag:s21] =	ssyncadd.s32 $0xFFFFFFF0  }
0x24d: {  	v7 =	vld.idx.msk [tilespmem:v5+s26+$0x0], $0xffff  }
0x24e: {  	v11 =	vor.u32 $0x18690, v63;
	v5 =	vld.idx.msk [tilespmem:v5+s28+$0x0], $0xffff  }
0x24f: {  	s5 =	simm.s32 $0x1  }
0x250: {  	v14 =	vor.u32 s5, v0;
	_ =	sdelay $0x2  }
0x251: {  	v19 =	vld.idx.msk [tilespmem:v11+s0+$0x0], $0xffff;
	v11 =	vshra.s32 v5, $0x1;
	v20 =	vmul.f32 $5.000000000e-01, v5  }
0x252: {  	v11 =	vsub.s32 $0x5F3759DF, v11  }
0x253: {  	v21 =	vld.idx.msk [tilespmem:v14+s28+$0x0], $0xffff;
	v17 =	vmul.f32 v11, v20  }
0x254: {  	v22 =	vld.idx.msk [tilespmem:v7+s4+$0x0], $0xffff  }
0x255: {  	v7 =	vld.idx.msk [tilespmem:v14+s26+$0x0], $0xffff;
	v14 =	vmul.f32 v11, v17  }
0x256: {  	s8 =	simm.s32 $0x2  }
0x257: {  	v23 =	vor.u32 s8, v0;
	v14 =	vsub.f32 $1.500000000e+00, v14;
	_ =	sdelay $0x1  }
0x258: {  	v24 =	vmul.f32 $5.000000000e-01, v21;
	v17 =	vshra.s32 v21, $0x1;
	v14 =	vmul.f32 v11, v14  }
0x259: {  	v26 =	vsub.s32 $0x5F3759DF, v17  }
0x25a: {  	v25 =	vld.idx.msk [tilespmem:v19+s23+$0x0], $0xffff;
	v11 =	vmul.f32 v26, v24;
	v20 =	vmul.f32 v14, v20  }
0x25b: {  	v17 =	vld.idx.msk [tilespmem:v23+s28+$0x0], $0xffff  }
0x25c: {  	v11 =	vmul.f32 v26, v11;
	v27 =	vld.idx.msk [tilespmem:v22+s23+$0x0], $0xffff;
	v20 =	vmul.f32 v20, v14  }
0x25d: {  	s15 =	simm.s32 $0x3;
	v7 =	vld.idx.msk [tilespmem:v7+s4+$0x0], $0xffff  }
0x25e: {  	v28 =	vor.u32 s15, v0;
	v23 =	vld.idx.msk [tilespmem:v23+s26+$0x0], $0xffff;
	v29 =	vsub.f32 $1.500000000e+00, v11;
	v20 =	vsub.f32 $1.500000000e+00, v20  }
0x25f: {  	v5 =	vmul.f32 v5, v5  }
0x260: {  	v11 =	vsub.f32 $0.0e+00, v25;
	v25 =	vmul.f32 v26, v29;
	v29 =	vmul.f32 v20, v14  }
0x261: {  	v30 =	vmul.f32 $5.000000000e-01, v17  }
0x262: {  	v14 =	vshra.s32 v17, $0x1;
	v26 =	vmul.f32 v27, v11;
	v5 =	vmul.f32 v29, v5  }
0x263: {  	v20 =	vld.idx.msk [tilespmem:v28+s28+$0x0], $0xffff;
	v27 =	vsub.s32 $0x5F3759DF, v14;
	v14 =	vmul.f32 v25, v24  }
0x264: {  	v28 =	vld.idx.msk [tilespmem:v28+s26+$0x0], $0xffff;
	v24 =	vmul.f32 v27, v30;
	v26 =	vmul.f32 v5, v26  }
0x265: {  	v31 =	vld.idx.msk [tilespmem:v7+s23+$0x0], $0xffff;
	v14 =	vmul.f32 v14, v25  }
0x266: {  	v5 =	vld.idx.msk [tilespmem:v23+s4+$0x0], $0xffff;
	v23 =	vmul.f32 v27, v24;
	v26 =	vmul.f32 $1.442695020e+00, v26  }
0x267: {  	s17 =	simm.s32 $0x4;
	v14 =	vsub.f32 $1.500000000e+00, v14  }
0x268: {  	v33 =	vor.u32 s17, v0;
	v24 =	vsub.f32 $1.500000000e+00, v23;
	(erf) = vpow2.f32 v26  }
0x269: {  	v21 =	vmul.f32 v21, v21;
	v14 =	vmul.f32 v14, v25  }
0x26a: {  	v3 =	vld.idx.msk [tilespmem:v19+s24+$0x0], $0xffff;
	v23 =	vmul.f32 $5.000000000e-01, v20;
	v24 =	vmul.f32 v27, v24  }
0x26b: {  	v19 =	vshra.s32 v20, $0x1;
	v25 =	vld.idx.msk [tilespmem:v22+s24+$0x0], $0xffff;
	v27 =	vmul.f32 v31, v11;
	v21 =	vmul.f32 v14, v21  }
0x26c: {  	v1 =	vld.idx.msk [tilespmem:v63+s29+$0x0], $0xffff;
	v26 =	vsub.s32 $0x5F3759DF, v19;
	v19 =	vmul.f32 v24, v30  }
0x26d: {  	v22 =	vld.idx.msk [tilespmem:v33+s28+$0x0], $0xffff;
	v30 =	vmul.f32 v26, v23;
	v31 =	vmul.f32 v21, v27  }
0x26e: {  	s18 =	simm.s32 $0x5;
	v35 =	vmul.f32 v29, v29;
	v21 =	vld.idx.msk [tilespmem:v28+s4+$0x0], $0xffff;
	v34 =	vmul.f32 v19, v24  }
0x26f: {  	v29 =	vor.u32 s18, v0;
	v27 =	vld.idx.msk [tilespmem:v5+s23+$0x0], $0xffff;
	v32 =	vmul.f32 v26, v30;
	v30 =	vmul.f32 $1.442695020e+00, v31  }
0x270: {  	s0 =	simm.s32 $0x6;
	v28 =	vld.idx.msk [tilespmem:v33+s26+$0x0], $0xffff;
	v19 =	vimm.f32 $0.0e+00;
	v25 =	vmul.f32 v35, v25;
	v31 =	vsub.f32 $1.500000000e+00, v34  }
.LBB2_13:
0x271: {  	p2 =	sne.s32 s0, $0x3F;
	v32 =	vsub.f32 $1.500000000e+00, v32;
	v33 =	vmul.f32 v17, v17;
	(erf) = vpow2.f32 v30;
	v17 =	vpop (erf)  }
0x272: {  	v30 =	vmul.f32 v31, v24;
	v25 =	vmul.f32 v17, v25;
	v17 =	vmov v20  }
0x273: {  	v31 =	vshra.s32 v22, $0x1;
	v34 =	vmul.f32 $5.000000000e-01, v22;
	v20 =	vmovc v22;
	v24 =	vmul.f32 v26, v32;
	v35 =	vld.idx.msk [tilespmem:v7+s24+$0x0], $0xffff;
	v7 =	vmovc v5  }
0x274: {  	v27 =	vmul.f32 v27, v11;
	v32 =	vmul.f32 v30, v33;
	v19 =	vadd.f32 v25, v19;
	v5 =	vmovc v21  }
.Ltmp7:
0x275: {  	v26 =	vsub.s32 $0x5F3759DF, v31;
	v25 =	vmul.f32 v24, v23;
	v23 =	vmov v34;
	(pc) =	sbr.rel @p2 .LBB2_13-.Ltmp7, $4  }
0x276: {  	v22 =	vld.idx.msk [tilespmem:v29+s28+$0x0], $0xffff;
	v31 =	vmul.f32 v26, v23;
	v33 =	vmul.f32 v32, v27  }
0x277: {  	v34 =	vmul.f32 v14, v14;
	v14 =	vmov v30;
	v27 =	vld.idx.msk [tilespmem:v21+s23+$0x0], $0xffff;
	v25 =	vmul.f32 v25, v24  }
0x278: {  	v21 =	vld.idx.msk [tilespmem:v28+s4+$0x0], $0xffff;
	v32 =	vmul.f32 v26, v31;
	v30 =	vmul.f32 $1.442695020e+00, v33  }
0x279: {  	v28 =	vld.idx.msk [tilespmem:v29+s26+$0x0], $0xffff;
	v29 =	vor.u32 s0, v0;
	s0 =	sadd.s32 $0x1, s0;
	v31 =	vsub.f32 $1.500000000e+00, v25;
	v25 =	vmul.f32 v34, v35  }
0x27a: {  	_ =	sdelay $0x3  }
0x27b: {  	v0 =	vld.idx.msk [tilespmem:v29+s28+$0x0], $0xffff  }
0x27c: {  	v54 =	vld.idx.msk [tilespmem:v29+s26+$0x0], $0xffff;
	v33 =	vshra.s32 v22, $0x1;
	v34 =	vmul.f32 $5.000000000e-01, v22  }
0x27d: {  	v33 =	vsub.s32 $0x5F3759DF, v33  }
0x27e: {  	v35 =	vmul.f32 v33, v34  }
0x27f: {  	v32 =	vsub.f32 $1.500000000e+00, v32;
	v17 =	vmul.f32 v17, v17  }
0x280: {  	v36 =	vshra.s32 v0, $0x1;
	v37 =	vmul.f32 $5.000000000e-01, v0;
	v35 =	vmul.f32 v33, v35  }
0x281: {  	(erf) = vpow2.f32 v30;
	v26 =	vmul.f32 v26, v32;
	v28 =	vld.idx.msk [tilespmem:v28+s4+$0x0], $0xffff;
	v36 =	vsub.s32 $0x5F3759DF, v36  }
0x282: {  	v24 =	vmul.f32 v31, v24;
	v38 =	vmul.f32 v36, v37;
	v41 =	vsub.f32 $1.500000000e+00, v35  }
0x283: {  	v27 =	vmul.f32 v27, v11;
	v23 =	vmul.f32 v26, v23  }
0x284: {  	v29 =	vld.idx.msk [tilespmem:v54+s4+$0x0], $0xffff;
	v32 =	vmul.f32 v36, v38;
	v31 =	vmul.f32 v33, v41  }
0x285: {  	v17 =	vmul.f32 v24, v17;
	v23 =	vmul.f32 v23, v26  }
0x286: {  	v20 =	vmul.f32 v20, v20;
	v46 =	vld.idx.msk [tilespmem:v21+s23+$0x0], $0xffff;
	v32 =	vsub.f32 $1.500000000e+00, v32;
	v47 =	vmul.f32 v31, v34  }
0x287: {  	v14 =	vmul.f32 v14, v14;
	v17 =	vmul.f32 v17, v27;
	v23 =	vsub.f32 $1.500000000e+00, v23  }
0x288: {  	v49 =	vmul.f32 v36, v32;
	v30 =	vmul.f32 v47, v31  }
0x289: {  	v51 =	vmul.f32 v22, v22;
	v23 =	vmul.f32 v23, v26;
	v50 =	vld.idx.msk [tilespmem:v28+s23+$0x0], $0xffff  }
0x28a: {  	v17 =	vmul.f32 $1.442695020e+00, v17;
	v32 =	vmul.f32 v49, v37;
	v30 =	vsub.f32 $1.500000000e+00, v30  }
0x28b: {  	v33 =	vmul.f32 v46, v11;
	v20 =	vmul.f32 v23, v20  }
0x28c: {  	v53 =	vld.idx.msk [tilespmem:v29+s23+$0x0], $0xffff;
	v32 =	vmul.f32 v32, v49;
	v30 =	vmul.f32 v30, v31  }
0x28d: {  	(erf) = vpow2.f32 v17;
	v17 =	vmul.f32 v20, v33  }
0x28e: {  	v26 =	vmul.f32 v50, v11;
	v20 =	vsub.f32 $1.500000000e+00, v32;
	v22 =	vmul.f32 v30, v51  }
0x28f: {  	v7 =	vld.idx.msk [tilespmem:v7+s24+$0x0], $0xffff;
	v0 =	vmul.f32 v0, v0;
	v17 =	vmul.f32 $1.442695020e+00, v17  }
0x290: {  	v20 =	vmul.f32 v20, v49;
	v22 =	vmul.f32 v22, v26  }
0x291: {  	(erf) = vpow2.f32 v17;
	v11 =	vmul.f32 v53, v11  }
0x292: {  	v5 =	vld.idx.msk [tilespmem:v5+s24+$0x0], $0xffff;
	v0 =	vmul.f32 v20, v0;
	v17 =	vmul.f32 $1.442695020e+00, v22;
	_ =	sdelay $0x1  }
0x293: {  	v7 =	vmul.f32 v14, v7;
	v0 =	vmul.f32 v0, v11  }
0x294: {  	v14 =	vld.idx.msk [tilespmem:v21+s24+$0x0], $0xffff;
	v54 =	vmul.f32 v24, v24;
	v11 =	vpop (erf);
	(erf) = vpow2.f32 v17  }
0x295: {  	v11 =	vmul.f32 v11, v25;
	v0 =	vmul.f32 $1.442695020e+00, v0;
	v17 =	vpop (erf)  }
0x296: {  	v5 =	vmul.f32 v54, v5;
	v7 =	vmul.f32 v17, v7  }
0x297: {  	(erf) = vpow2.f32 v0;
	v0 =	vadd.f32 v11, v19;
	v11 =	vmul.f32 v23, v23  }
0x298: {  	v19 =	vpop (erf)  }
0x299: {  	v17 =	vld.idx.msk [tilespmem:v28+s24+$0x0], $0xffff;
	v5 =	vmul.f32 v19, v5;
	v0 =	vadd.f32 v7, v0;
	v7 =	vmul.f32 v11, v14  }
0x29a: {  	v14 =	vpop (erf)  }
0x29b: {  	v11 =	vld.idx.msk [tilespmem:v29+s24+$0x0], $0xffff;
	v0 =	vadd.f32 v5, v0;
	v5 =	vmul.f32 v14, v7  }
0x29c: {  	v19 =	vmul.f32 v30, v30;
	_ =	sdelay $0x1  }
0x29d: {  	v7 =	vmul.f32 v19, v17;
	v14 =	vmul.f32 v20, v20  }
0x29e: {  	v17 =	vand.u32 $0x7F, v1;
	v0 =	vadd.f32 v5, v0;
	v5 =	vpop (erf)  }
0x29f: {  	v5 =	vmul.f32 v5, v7;
	v7 =	vmul.f32 v14, v11;
	v11 =	vshll.u32 v1, $0x3;
	v1 =	vld [tilespmem:$0x1FDA0];
	_ =	sdelay $0x2  }
0x2a0: {  	v14 =	vpop (erf);
	v11 =	vand.u32 $0xFFFFFC00, v11  }
0x2a1: {  	v0 =	vadd.f32 v5, v0;
	v5 =	vmul.f32 v14, v7;
	v7 =	vor.u32 v17, v11  }
0x2a2: {  	v7 =	vadd.s32 v1, v7  }
0x2a3: {  	v0 =	vadd.f32 v5, v0;
	_ =	sdelay $0x1  }
0x2a4: {  	v0 =	vmul.f32 v0, v3;
	_ =	sdelay $0x1  }
0x2a5: {  	[tilespmem:v7+s25+$0x0] =	vst.idx.add.f32.msk $0xffff, v0  }
.LBB2_15:
0x2a6: {  	v23 =	vld [tilespmem:$0x1FDB0]  }
0x2a7: {  	v26 =	vld [tilespmem:$0x1FDC0]  }
0x2a8: {  	v20 =	vld [tilespmem:$0x1FDD0]  }
0x2a9: {  	v35 =	vld [tilespmem:$0x1FDE0]  }
0x2aa: {  	v36 =	vld [tilespmem:$0x1FDF0]  }
0x2ab: {  	v19 =	vld [tilespmem:$0x1FE10]  }
0x2ac: {  	v14 =	vld [tilespmem:$0x1FE20]  }
0x2ad: {  	v41 =	vld [tilespmem:$0x1FE40]  }
0x2ae: {  	v34 =	vld [tilespmem:$0x1FE50]  }
0x2af: {  	v21 =	vld [tilespmem:$0x1FE60]  }
0x2b0: {  	v22 =	vld [tilespmem:$0x1FE70]  }
0x2b1: {  	v38 =	vld [tilespmem:$0x1FE90]  }
0x2b2: {  	v54 =	vld [tilespmem:$0x1FEA0]  }
0x2b3: {  	v17 =	vld [tilespmem:$0x1FEB0]  }
0x2b4: {  	v24 =	vld [tilespmem:$0x1FEC0]  }
0x2b5: {  	v37 =	vld [tilespmem:$0x1FED0]  }
0x2b6: {  	v47 =	vld [tilespmem:$0x1FEE0]  }
0x2b7: {  	v46 =	vld [tilespmem:$0x1FEF0]  }
0x2b8: {  	v25 =	vld [tilespmem:$0x1FC50]  }
0x2b9: {  	v1 =	vld [tilespmem:$0x1FC40]  }
0x2ba: {  	v27 =	vld [tilespmem:$0x1FC30]  }
0x2bb: {  	v28 =	vld [tilespmem:$0x1FC20]  }
0x2bc: {  	v29 =	vld [tilespmem:$0x1FC10]  }
0x2bd: {  	v30 =	vld [tilespmem:$0x1FC00]  }
0x2be: {  	v31 =	vld [tilespmem:$0x1FC60]  }
0x2bf: {  	v32 =	vld [tilespmem:$0x1FC70]  }
0x2c0: {  	v49 =	vld [tilespmem:$0x1FF00]  }
0x2c1: {  	v50 =	vld [tilespmem:$0x1FF10]  }
0x2c2: {  	v51 =	vld [tilespmem:$0x1FF20]  }
0x2c3: {  	v10 =	vmov v52;
	v52 =	vld [tilespmem:$0x1FF30]  }
0x2c4: {  	v53 =	vld [tilespmem:$0x1FF40]  }
0x2c5: {  	s0 =	simm.s32 $0x1;
	v16 =	vld [tilespmem:$0x1FF50]  }
.LBB2_16:
0x2c6: {  	v0 =	vmov s0  }
0x2c7: {  	v3 =	vshll.u32 v0, $0xA;
	v0 =	vshll.u32 v0, $0x7  }
0x2c8: {  	v5 =	vand.u32 $0x2000, v3;
	v0 =	vand.u32 $0x380, v0  }
0x2c9: {  	[tilespmem:$0x1FBF0] =	vst v0;
	v0 =	vor.u32 v0, v5  }
0x2ca: {  	v5 =	vor.u32 v63, v0;
	_ =	sdelay $0x3  }
0x2cb: {  	v7 =	vld.idx.msk [tilespmem:v63+s25+$0x0], $0xffff  }
0x2cc: {  	v5 =	vld.idx.msk [tilespmem:v5+s25+$0x0], $0xffff;
	_ =	sdelay $0x2  }
0x2cd: {  	v11 =	vor.u32 v23, v0;
	_ =	sdelay $0x1  }
0x2ce: {  	v5 =	vadd.f32 v7, v5;
	_ =	sdelay $0x1  }
0x2cf: {  	[tilespmem:v63+s25+$0x0] =	vst.idx.msk $0xffff, v5  }
0x2d0: {  	v5 =	vld.idx.msk [tilespmem:v11+s25+$0x0], $0xffff  }
0x2d1: {  	v7 =	vld.idx.msk [tilespmem:v23+s25+$0x0], $0xffff;
	_ =	sdelay $0x2  }
0x2d2: {  	v11 =	vor.u32 v26, v0;
	_ =	sdelay $0x1  }
0x2d3: {  	v5 =	vadd.f32 v7, v5;
	_ =	sdelay $0x1  }
0x2d4: {  	[tilespmem:v23+s25+$0x0] =	vst.idx.msk $0xffff, v5  }
0x2d5: {  	v5 =	vld.idx.msk [tilespmem:v11+s25+$0x0], $0xffff  }
0x2d6: {  	v7 =	vld.idx.msk [tilespmem:v26+s25+$0x0], $0xffff;
	_ =	sdelay $0x2  }
0x2d7: {  	v11 =	vor.u32 v20, v0;
	_ =	sdelay $0x1  }
0x2d8: {  	v5 =	vadd.f32 v7, v5;
	_ =	sdelay $0x1  }
0x2d9: {  	[tilespmem:v26+s25+$0x0] =	vst.idx.msk $0xffff, v5  }
0x2da: {  	v5 =	vld.idx.msk [tilespmem:v11+s25+$0x0], $0xffff  }
0x2db: {  	v7 =	vld.idx.msk [tilespmem:v20+s25+$0x0], $0xffff;
	_ =	sdelay $0x2  }
0x2dc: {  	v11 =	vor.u32 v35, v0;
	_ =	sdelay $0x1  }
0x2dd: {  	v5 =	vadd.f32 v7, v5;
	_ =	sdelay $0x1  }
0x2de: {  	[tilespmem:v20+s25+$0x0] =	vst.idx.msk $0xffff, v5  }
0x2df: {  	v5 =	vld.idx.msk [tilespmem:v11+s25+$0x0], $0xffff  }
0x2e0: {  	v7 =	vld.idx.msk [tilespmem:v35+s25+$0x0], $0xffff;
	_ =	sdelay $0x2  }
0x2e1: {  	v11 =	vor.u32 v36, v0;
	_ =	sdelay $0x1  }
0x2e2: {  	v5 =	vadd.f32 v7, v5;
	_ =	sdelay $0x1  }
0x2e3: {  	v33 =	vld [tilespmem:$0x1FE00];
	[tilespmem:v35+s25+$0x0] =	vst.idx.msk $0xffff, v5  }
0x2e4: {  	v5 =	vld.idx.msk [tilespmem:v11+s25+$0x0], $0xffff  }
0x2e5: {  	v7 =	vld.idx.msk [tilespmem:v36+s25+$0x0], $0xffff;
	_ =	sdelay $0x2  }
0x2e6: {  	v11 =	vor.u32 v33, v0;
	_ =	sdelay $0x1  }
0x2e7: {  	v5 =	vadd.f32 v7, v5;
	_ =	sdelay $0x1  }
0x2e8: {  	[tilespmem:v36+s25+$0x0] =	vst.idx.msk $0xffff, v5  }
0x2e9: {  	v5 =	vld.idx.msk [tilespmem:v11+s25+$0x0], $0xffff  }
0x2ea: {  	v7 =	vld.idx.msk [tilespmem:v33+s25+$0x0], $0xffff;
	_ =	sdelay $0x2  }
0x2eb: {  	v11 =	vor.u32 v19, v0;
	_ =	sdelay $0x1  }
0x2ec: {  	v5 =	vadd.f32 v7, v5;
	_ =	sdelay $0x1  }
0x2ed: {  	[tilespmem:v33+s25+$0x0] =	vst.idx.msk $0xffff, v5  }
0x2ee: {  	v5 =	vld.idx.msk [tilespmem:v11+s25+$0x0], $0xffff  }
0x2ef: {  	v7 =	vld.idx.msk [tilespmem:v19+s25+$0x0], $0xffff;
	_ =	sdelay $0x2  }
0x2f0: {  	v11 =	vor.u32 v14, v0;
	_ =	sdelay $0x1  }
0x2f1: {  	v5 =	vadd.f32 v7, v5;
	_ =	sdelay $0x1  }
0x2f2: {  	v9 =	vld [tilespmem:$0x1FE30];
	[tilespmem:v19+s25+$0x0] =	vst.idx.msk $0xffff, v5  }
0x2f3: {  	v5 =	vld.idx.msk [tilespmem:v11+s25+$0x0], $0xffff  }
0x2f4: {  	v7 =	vld.idx.msk [tilespmem:v14+s25+$0x0], $0xffff;
	_ =	sdelay $0x2  }
0x2f5: {  	v11 =	vor.u32 v9, v0;
	_ =	sdelay $0x1  }
0x2f6: {  	v5 =	vadd.f32 v7, v5;
	_ =	sdelay $0x1  }
0x2f7: {  	[tilespmem:v14+s25+$0x0] =	vst.idx.msk $0xffff, v5  }
0x2f8: {  	v5 =	vld.idx.msk [tilespmem:v11+s25+$0x0], $0xffff  }
0x2f9: {  	v7 =	vld.idx.msk [tilespmem:v9+s25+$0x0], $0xffff;
	_ =	sdelay $0x2  }
0x2fa: {  	v11 =	vor.u32 v41, v0;
	_ =	sdelay $0x1  }
0x2fb: {  	v5 =	vadd.f32 v7, v5;
	_ =	sdelay $0x1  }
0x2fc: {  	[tilespmem:v9+s25+$0x0] =	vst.idx.msk $0xffff, v5  }
0x2fd: {  	v5 =	vld.idx.msk [tilespmem:v11+s25+$0x0], $0xffff  }
0x2fe: {  	v7 =	vld.idx.msk [tilespmem:v41+s25+$0x0], $0xffff;
	_ =	sdelay $0x2  }
0x2ff: {  	v11 =	vor.u32 v34, v0;
	_ =	sdelay $0x1  }
0x300: {  	v5 =	vadd.f32 v7, v5;
	_ =	sdelay $0x1  }
0x301: {  	[tilespmem:v41+s25+$0x0] =	vst.idx.msk $0xffff, v5  }
0x302: {  	v5 =	vld.idx.msk [tilespmem:v11+s25+$0x0], $0xffff  }
0x303: {  	v7 =	vld.idx.msk [tilespmem:v34+s25+$0x0], $0xffff;
	_ =	sdelay $0x2  }
0x304: {  	v11 =	vor.u32 v21, v0;
	_ =	sdelay $0x1  }
0x305: {  	v5 =	vadd.f32 v7, v5;
	_ =	sdelay $0x1  }
0x306: {  	[tilespmem:v34+s25+$0x0] =	vst.idx.msk $0xffff, v5  }
0x307: {  	v5 =	vld.idx.msk [tilespmem:v11+s25+$0x0], $0xffff  }
0x308: {  	v7 =	vld.idx.msk [tilespmem:v21+s25+$0x0], $0xffff;
	_ =	sdelay $0x2  }
0x309: {  	v11 =	vor.u32 v22, v0;
	_ =	sdelay $0x1  }
0x30a: {  	v5 =	vadd.f32 v7, v5;
	_ =	sdelay $0x1  }
0x30b: {  	v9 =	vld [tilespmem:$0x1FE80];
	[tilespmem:v21+s25+$0x0] =	vst.idx.msk $0xffff, v5  }
0x30c: {  	v5 =	vld.idx.msk [tilespmem:v11+s25+$0x0], $0xffff  }
0x30d: {  	v7 =	vld.idx.msk [tilespmem:v22+s25+$0x0], $0xffff;
	_ =	sdelay $0x2  }
0x30e: {  	v11 =	vor.u32 v9, v0;
	_ =	sdelay $0x1  }
0x30f: {  	v5 =	vadd.f32 v7, v5;
	_ =	sdelay $0x1  }
0x310: {  	[tilespmem:v22+s25+$0x0] =	vst.idx.msk $0xffff, v5  }
0x311: {  	v5 =	vld.idx.msk [tilespmem:v11+s25+$0x0], $0xffff  }
0x312: {  	v7 =	vld.idx.msk [tilespmem:v9+s25+$0x0], $0xffff;
	_ =	sdelay $0x2  }
0x313: {  	v11 =	vor.u32 v38, v0;
	_ =	sdelay $0x1  }
0x314: {  	v5 =	vadd.f32 v7, v5;
	_ =	sdelay $0x1  }
0x315: {  	[tilespmem:v9+s25+$0x0] =	vst.idx.msk $0xffff, v5  }
0x316: {  	v5 =	vld.idx.msk [tilespmem:v11+s25+$0x0], $0xffff  }
0x317: {  	v7 =	vld.idx.msk [tilespmem:v38+s25+$0x0], $0xffff;
	_ =	sdelay $0x2  }
0x318: {  	v11 =	vor.u32 v54, v0;
	_ =	sdelay $0x1  }
0x319: {  	v5 =	vadd.f32 v7, v5;
	_ =	sdelay $0x1  }
0x31a: {  	[tilespmem:v38+s25+$0x0] =	vst.idx.msk $0xffff, v5  }
0x31b: {  	v5 =	vld.idx.msk [tilespmem:v11+s25+$0x0], $0xffff  }
0x31c: {  	v7 =	vld.idx.msk [tilespmem:v54+s25+$0x0], $0xffff;
	_ =	sdelay $0x2  }
0x31d: {  	v11 =	vor.u32 v17, v0;
	_ =	sdelay $0x1  }
0x31e: {  	v5 =	vadd.f32 v7, v5;
	_ =	sdelay $0x1  }
0x31f: {  	[tilespmem:v54+s25+$0x0] =	vst.idx.msk $0xffff, v5  }
0x320: {  	v5 =	vld.idx.msk [tilespmem:v11+s25+$0x0], $0xffff  }
0x321: {  	v7 =	vld.idx.msk [tilespmem:v17+s25+$0x0], $0xffff;
	_ =	sdelay $0x2  }
0x322: {  	v11 =	vor.u32 v24, v0;
	_ =	sdelay $0x1  }
0x323: {  	v5 =	vadd.f32 v7, v5;
	_ =	sdelay $0x1  }
0x324: {  	[tilespmem:v17+s25+$0x0] =	vst.idx.msk $0xffff, v5  }
0x325: {  	v5 =	vld.idx.msk [tilespmem:v11+s25+$0x0], $0xffff  }
0x326: {  	v7 =	vld.idx.msk [tilespmem:v24+s25+$0x0], $0xffff;
	_ =	sdelay $0x2  }
0x327: {  	v11 =	vor.u32 v37, v0;
	_ =	sdelay $0x1  }
0x328: {  	v5 =	vadd.f32 v7, v5;
	_ =	sdelay $0x1  }
0x329: {  	[tilespmem:v24+s25+$0x0] =	vst.idx.msk $0xffff, v5  }
0x32a: {  	v5 =	vld.idx.msk [tilespmem:v11+s25+$0x0], $0xffff  }
0x32b: {  	v7 =	vld.idx.msk [tilespmem:v37+s25+$0x0], $0xffff;
	_ =	sdelay $0x2  }
0x32c: {  	v11 =	vor.u32 v47, v0;
	_ =	sdelay $0x1  }
0x32d: {  	v5 =	vadd.f32 v7, v5;
	_ =	sdelay $0x1  }
0x32e: {  	[tilespmem:v37+s25+$0x0] =	vst.idx.msk $0xffff, v5  }
0x32f: {  	v5 =	vld.idx.msk [tilespmem:v11+s25+$0x0], $0xffff  }
0x330: {  	v7 =	vld.idx.msk [tilespmem:v47+s25+$0x0], $0xffff;
	_ =	sdelay $0x2  }
0x331: {  	v11 =	vor.u32 v46, v0;
	_ =	sdelay $0x1  }
0x332: {  	v5 =	vadd.f32 v7, v5;
	_ =	sdelay $0x1  }
0x333: {  	[tilespmem:v47+s25+$0x0] =	vst.idx.msk $0xffff, v5  }
0x334: {  	v5 =	vld.idx.msk [tilespmem:v11+s25+$0x0], $0xffff  }
0x335: {  	v7 =	vld.idx.msk [tilespmem:v46+s25+$0x0], $0xffff;
	_ =	sdelay $0x2  }
0x336: {  	v11 =	vor.u32 v52, v0;
	_ =	sdelay $0x1  }
0x337: {  	v5 =	vadd.f32 v7, v5;
	_ =	sdelay $0x1  }
0x338: {  	[tilespmem:v46+s25+$0x0] =	vst.idx.msk $0xffff, v5  }
0x339: {  	v5 =	vld.idx.msk [tilespmem:v11+s25+$0x0], $0xffff  }
0x33a: {  	v7 =	vld.idx.msk [tilespmem:v52+s25+$0x0], $0xffff;
	_ =	sdelay $0x2  }
0x33b: {  	v11 =	vor.u32 v51, v0;
	_ =	sdelay $0x1  }
0x33c: {  	v5 =	vadd.f32 v7, v5;
	_ =	sdelay $0x1  }
0x33d: {  	[tilespmem:v52+s25+$0x0] =	vst.idx.msk $0xffff, v5  }
0x33e: {  	v5 =	vld.idx.msk [tilespmem:v11+s25+$0x0], $0xffff  }
0x33f: {  	v7 =	vld.idx.msk [tilespmem:v51+s25+$0x0], $0xffff;
	_ =	sdelay $0x2  }
0x340: {  	v11 =	vor.u32 v49, v0;
	_ =	sdelay $0x1  }
0x341: {  	v5 =	vadd.f32 v7, v5;
	_ =	sdelay $0x1  }
0x342: {  	[tilespmem:v51+s25+$0x0] =	vst.idx.msk $0xffff, v5  }
0x343: {  	v5 =	vld.idx.msk [tilespmem:v11+s25+$0x0], $0xffff  }
0x344: {  	v7 =	vld.idx.msk [tilespmem:v49+s25+$0x0], $0xffff;
	_ =	sdelay $0x2  }
0x345: {  	v11 =	vor.u32 v50, v0;
	_ =	sdelay $0x1  }
0x346: {  	v5 =	vadd.f32 v7, v5;
	_ =	sdelay $0x1  }
0x347: {  	v9 =	vmov v62;
	v62 =	vmov v58;
	v58 =	vmov v57;
	v57 =	vld [tilespmem:$0x1FD70];
	[tilespmem:v49+s25+$0x0] =	vst.idx.msk $0xffff, v5  }
0x348: {  	v5 =	vld.idx.msk [tilespmem:v11+s25+$0x0], $0xffff  }
0x349: {  	v7 =	vld.idx.msk [tilespmem:v50+s25+$0x0], $0xffff;
	_ =	sdelay $0x2  }
0x34a: {  	v11 =	vor.u32 v57, v0;
	_ =	sdelay $0x1  }
0x34b: {  	v5 =	vadd.f32 v7, v5;
	_ =	sdelay $0x1  }
0x34c: {  	[tilespmem:v50+s25+$0x0] =	vst.idx.msk $0xffff, v5  }
0x34d: {  	v5 =	vld.idx.msk [tilespmem:v11+s25+$0x0], $0xffff  }
0x34e: {  	v7 =	vld.idx.msk [tilespmem:v57+s25+$0x0], $0xffff;
	_ =	sdelay $0x2  }
0x34f: {  	v11 =	vor.u32 v10, v0;
	_ =	sdelay $0x1  }
0x350: {  	v5 =	vadd.f32 v7, v5;
	_ =	sdelay $0x1  }
0x351: {  	[tilespmem:v57+s25+$0x0] =	vst.idx.msk $0xffff, v5  }
0x352: {  	v5 =	vld.idx.msk [tilespmem:v11+s25+$0x0], $0xffff  }
0x353: {  	v7 =	vld.idx.msk [tilespmem:v10+s25+$0x0], $0xffff;
	_ =	sdelay $0x2  }
0x354: {  	v11 =	vor.u32 v12, v0;
	_ =	sdelay $0x1  }
0x355: {  	v5 =	vadd.f32 v7, v5;
	_ =	sdelay $0x1  }
0x356: {  	[tilespmem:v10+s25+$0x0] =	vst.idx.msk $0xffff, v5  }
0x357: {  	v5 =	vld.idx.msk [tilespmem:v11+s25+$0x0], $0xffff  }
0x358: {  	v7 =	vld.idx.msk [tilespmem:v12+s25+$0x0], $0xffff;
	_ =	sdelay $0x2  }
0x359: {  	v11 =	vor.u32 v44, v0;
	_ =	sdelay $0x1  }
0x35a: {  	v5 =	vadd.f32 v7, v5;
	_ =	sdelay $0x1  }
0x35b: {  	[tilespmem:v12+s25+$0x0] =	vst.idx.msk $0xffff, v5  }
0x35c: {  	v5 =	vld.idx.msk [tilespmem:v11+s25+$0x0], $0xffff  }
0x35d: {  	v7 =	vld.idx.msk [tilespmem:v44+s25+$0x0], $0xffff;
	_ =	sdelay $0x2  }
0x35e: {  	v11 =	vor.u32 v48, v0;
	_ =	sdelay $0x1  }
0x35f: {  	v5 =	vadd.f32 v7, v5  }
0x360: {  	[tilespmem:$0x1FBE0] =	vst v3;
	v3 =	vmov v43;
	v43 =	vmov v59;
	v59 =	vmov v15  }
0x361: {  	v15 =	vmovc v13;
	v13 =	vmovc v61;
	v61 =	vmov v60;
	v60 =	vmov v2;
	v2 =	vmov v55;
	v55 =	vld [tilespmem:$0x1FF60];
	[tilespmem:v44+s25+$0x0] =	vst.idx.msk $0xffff, v5  }
0x362: {  	v5 =	vld.idx.msk [tilespmem:v11+s25+$0x0], $0xffff  }
0x363: {  	v7 =	vld.idx.msk [tilespmem:v48+s25+$0x0], $0xffff;
	_ =	sdelay $0x2  }
0x364: {  	v11 =	vor.u32 v55, v0;
	_ =	sdelay $0x1  }
0x365: {  	v5 =	vadd.f32 v7, v5;
	_ =	sdelay $0x1  }
0x366: {  	[tilespmem:v48+s25+$0x0] =	vst.idx.msk $0xffff, v5  }
0x367: {  	v5 =	vld.idx.msk [tilespmem:v11+s25+$0x0], $0xffff  }
0x368: {  	v7 =	vld.idx.msk [tilespmem:v55+s25+$0x0], $0xffff;
	_ =	sdelay $0x2  }
0x369: {  	v11 =	vor.u32 v16, v0;
	_ =	sdelay $0x1  }
0x36a: {  	v5 =	vadd.f32 v7, v5;
	_ =	sdelay $0x1  }
0x36b: {  	[tilespmem:v55+s25+$0x0] =	vst.idx.msk $0xffff, v5  }
0x36c: {  	v5 =	vld.idx.msk [tilespmem:v11+s25+$0x0], $0xffff  }
0x36d: {  	v7 =	vld.idx.msk [tilespmem:v16+s25+$0x0], $0xffff;
	_ =	sdelay $0x2  }
0x36e: {  	v11 =	vor.u32 v53, v0;
	_ =	sdelay $0x1  }
0x36f: {  	v5 =	vadd.f32 v7, v5;
	_ =	sdelay $0x1  }
0x370: {  	[tilespmem:v16+s25+$0x0] =	vst.idx.msk $0xffff, v5  }
0x371: {  	v5 =	vld.idx.msk [tilespmem:v11+s25+$0x0], $0xffff  }
0x372: {  	v7 =	vld.idx.msk [tilespmem:v53+s25+$0x0], $0xffff;
	_ =	sdelay $0x2  }
0x373: {  	v11 =	vor.u32 v40, v0;
	_ =	sdelay $0x1  }
0x374: {  	v5 =	vadd.f32 v7, v5;
	_ =	sdelay $0x1  }
0x375: {  	[tilespmem:v53+s25+$0x0] =	vst.idx.msk $0xffff, v5  }
0x376: {  	v5 =	vld.idx.msk [tilespmem:v11+s25+$0x0], $0xffff  }
0x377: {  	v7 =	vld.idx.msk [tilespmem:v40+s25+$0x0], $0xffff;
	_ =	sdelay $0x2  }
0x378: {  	v11 =	vor.u32 v39, v0;
	_ =	sdelay $0x1  }
0x379: {  	v5 =	vadd.f32 v7, v5;
	_ =	sdelay $0x1  }
0x37a: {  	[tilespmem:v40+s25+$0x0] =	vst.idx.msk $0xffff, v5  }
0x37b: {  	v5 =	vld.idx.msk [tilespmem:v11+s25+$0x0], $0xffff  }
0x37c: {  	v7 =	vld.idx.msk [tilespmem:v39+s25+$0x0], $0xffff;
	_ =	sdelay $0x2  }
0x37d: {  	v11 =	vor.u32 v42, v0;
	_ =	sdelay $0x1  }
0x37e: {  	v5 =	vadd.f32 v7, v5;
	_ =	sdelay $0x1  }
0x37f: {  	[tilespmem:v39+s25+$0x0] =	vst.idx.msk $0xffff, v5  }
0x380: {  	v5 =	vld.idx.msk [tilespmem:v11+s25+$0x0], $0xffff  }
0x381: {  	v7 =	vld.idx.msk [tilespmem:v42+s25+$0x0], $0xffff;
	_ =	sdelay $0x2  }
0x382: {  	v11 =	vor.u32 v45, v0;
	_ =	sdelay $0x1  }
0x383: {  	v5 =	vadd.f32 v7, v5;
	_ =	sdelay $0x1  }
0x384: {  	v33 =	vmovc v8;
	v8 =	vmov v6;
	v6 =	vmov v4;
	v4 =	vmov v56;
	v56 =	vld [tilespmem:$0x1FD80];
	[tilespmem:v42+s25+$0x0] =	vst.idx.msk $0xffff, v5  }
0x385: {  	v5 =	vld.idx.msk [tilespmem:v11+s25+$0x0], $0xffff  }
0x386: {  	v7 =	vld.idx.msk [tilespmem:v45+s25+$0x0], $0xffff;
	_ =	sdelay $0x2  }
0x387: {  	v11 =	vor.u32 v56, v0;
	_ =	sdelay $0x1  }
0x388: {  	v5 =	vadd.f32 v7, v5;
	_ =	sdelay $0x1  }
0x389: {  	v57 =	vld [tilespmem:$0x1FD90];
	[tilespmem:v45+s25+$0x0] =	vst.idx.msk $0xffff, v5  }
0x38a: {  	v5 =	vld.idx.msk [tilespmem:v11+s25+$0x0], $0xffff  }
0x38b: {  	v7 =	vld.idx.msk [tilespmem:v56+s25+$0x0], $0xffff;
	_ =	sdelay $0x2  }
0x38c: {  	v11 =	vor.u32 v57, v0;
	_ =	sdelay $0x1  }
0x38d: {  	v5 =	vadd.f32 v7, v5;
	_ =	sdelay $0x1  }
0x38e: {  	[tilespmem:v56+s25+$0x0] =	vst.idx.msk $0xffff, v5  }
0x38f: {  	v5 =	vld.idx.msk [tilespmem:v11+s25+$0x0], $0xffff  }
0x390: {  	v7 =	vld.idx.msk [tilespmem:v57+s25+$0x0], $0xffff;
	_ =	sdelay $0x2  }
0x391: {  	v11 =	vor.u32 v2, v0;
	_ =	sdelay $0x1  }
0x392: {  	v5 =	vadd.f32 v7, v5;
	_ =	sdelay $0x1  }
0x393: {  	[tilespmem:v57+s25+$0x0] =	vst.idx.msk $0xffff, v5  }
0x394: {  	v5 =	vld.idx.msk [tilespmem:v11+s25+$0x0], $0xffff  }
0x395: {  	v7 =	vld.idx.msk [tilespmem:v2+s25+$0x0], $0xffff;
	_ =	sdelay $0x2  }
0x396: {  	v11 =	vor.u32 v58, v0;
	_ =	sdelay $0x1  }
0x397: {  	v5 =	vadd.f32 v7, v5;
	_ =	sdelay $0x1  }
0x398: {  	[tilespmem:v2+s25+$0x0] =	vst.idx.msk $0xffff, v5  }
0x399: {  	v5 =	vld.idx.msk [tilespmem:v11+s25+$0x0], $0xffff  }
0x39a: {  	v7 =	vld.idx.msk [tilespmem:v58+s25+$0x0], $0xffff;
	_ =	sdelay $0x2  }
0x39b: {  	v11 =	vor.u32 v62, v0;
	_ =	sdelay $0x1  }
0x39c: {  	v5 =	vadd.f32 v7, v5;
	_ =	sdelay $0x1  }
0x39d: {  	[tilespmem:v58+s25+$0x0] =	vst.idx.msk $0xffff, v5  }
0x39e: {  	v5 =	vld.idx.msk [tilespmem:v11+s25+$0x0], $0xffff  }
0x39f: {  	v7 =	vld.idx.msk [tilespmem:v62+s25+$0x0], $0xffff;
	_ =	sdelay $0x2  }
0x3a0: {  	v11 =	vor.u32 v60, v0;
	_ =	sdelay $0x1  }
0x3a1: {  	v5 =	vadd.f32 v7, v5;
	_ =	sdelay $0x1  }
0x3a2: {  	[tilespmem:v62+s25+$0x0] =	vst.idx.msk $0xffff, v5  }
0x3a3: {  	v5 =	vld.idx.msk [tilespmem:v11+s25+$0x0], $0xffff  }
0x3a4: {  	v7 =	vld.idx.msk [tilespmem:v60+s25+$0x0], $0xffff;
	_ =	sdelay $0x2  }
0x3a5: {  	v11 =	vor.u32 v61, v0;
	_ =	sdelay $0x1  }
0x3a6: {  	v5 =	vadd.f32 v7, v5;
	_ =	sdelay $0x1  }
0x3a7: {  	[tilespmem:v60+s25+$0x0] =	vst.idx.msk $0xffff, v5  }
0x3a8: {  	v5 =	vld.idx.msk [tilespmem:v11+s25+$0x0], $0xffff  }
0x3a9: {  	v7 =	vld.idx.msk [tilespmem:v61+s25+$0x0], $0xffff;
	_ =	sdelay $0x2  }
0x3aa: {  	v11 =	vor.u32 v13, v0;
	_ =	sdelay $0x1  }
0x3ab: {  	v5 =	vadd.f32 v7, v5;
	_ =	sdelay $0x1  }
0x3ac: {  	[tilespmem:v61+s25+$0x0] =	vst.idx.msk $0xffff, v5  }
0x3ad: {  	v5 =	vld.idx.msk [tilespmem:v11+s25+$0x0], $0xffff  }
0x3ae: {  	v7 =	vld.idx.msk [tilespmem:v13+s25+$0x0], $0xffff;
	_ =	sdelay $0x2  }
0x3af: {  	v11 =	vor.u32 v15, v0;
	_ =	sdelay $0x1  }
0x3b0: {  	v5 =	vadd.f32 v7, v5;
	_ =	sdelay $0x1  }
0x3b1: {  	[tilespmem:v13+s25+$0x0] =	vst.idx.msk $0xffff, v5  }
0x3b2: {  	v5 =	vld.idx.msk [tilespmem:v11+s25+$0x0], $0xffff  }
0x3b3: {  	v7 =	vld.idx.msk [tilespmem:v15+s25+$0x0], $0xffff;
	_ =	sdelay $0x2  }
0x3b4: {  	v11 =	vor.u32 v59, v0;
	_ =	sdelay $0x1  }
0x3b5: {  	v5 =	vadd.f32 v7, v5;
	_ =	sdelay $0x1  }
0x3b6: {  	[tilespmem:v15+s25+$0x0] =	vst.idx.msk $0xffff, v5  }
0x3b7: {  	v5 =	vld.idx.msk [tilespmem:v11+s25+$0x0], $0xffff  }
0x3b8: {  	v7 =	vld.idx.msk [tilespmem:v59+s25+$0x0], $0xffff;
	_ =	sdelay $0x2  }
0x3b9: {  	v11 =	vor.u32 v43, v0;
	_ =	sdelay $0x1  }
0x3ba: {  	v5 =	vadd.f32 v7, v5;
	_ =	sdelay $0x1  }
0x3bb: {  	[tilespmem:v59+s25+$0x0] =	vst.idx.msk $0xffff, v5  }
0x3bc: {  	v5 =	vld.idx.msk [tilespmem:v11+s25+$0x0], $0xffff  }
0x3bd: {  	v7 =	vld.idx.msk [tilespmem:v43+s25+$0x0], $0xffff;
	_ =	sdelay $0x2  }
0x3be: {  	v11 =	vor.u32 v3, v0;
	_ =	sdelay $0x1  }
0x3bf: {  	v5 =	vadd.f32 v7, v5;
	_ =	sdelay $0x1  }
0x3c0: {  	[tilespmem:v43+s25+$0x0] =	vst.idx.msk $0xffff, v5  }
0x3c1: {  	v5 =	vld.idx.msk [tilespmem:v11+s25+$0x0], $0xffff  }
0x3c2: {  	v7 =	vld.idx.msk [tilespmem:v3+s25+$0x0], $0xffff;
	_ =	sdelay $0x2  }
0x3c3: {  	v11 =	vor.u32 v9, v0;
	_ =	sdelay $0x1  }
0x3c4: {  	v5 =	vadd.f32 v7, v5;
	_ =	sdelay $0x1  }
0x3c5: {  	[tilespmem:v3+s25+$0x0] =	vst.idx.msk $0xffff, v5  }
0x3c6: {  	v5 =	vld.idx.msk [tilespmem:v11+s25+$0x0], $0xffff  }
0x3c7: {  	v7 =	vld.idx.msk [tilespmem:v9+s25+$0x0], $0xffff;
	_ =	sdelay $0x2  }
0x3c8: {  	v11 =	vor.u32 v4, v0;
	_ =	sdelay $0x1  }
0x3c9: {  	v5 =	vadd.f32 v7, v5;
	_ =	sdelay $0x1  }
0x3ca: {  	[tilespmem:v9+s25+$0x0] =	vst.idx.msk $0xffff, v5  }
0x3cb: {  	v5 =	vld.idx.msk [tilespmem:v11+s25+$0x0], $0xffff  }
0x3cc: {  	v7 =	vld.idx.msk [tilespmem:v4+s25+$0x0], $0xffff;
	_ =	sdelay $0x2  }
0x3cd: {  	v11 =	vor.u32 v6, v0;
	_ =	sdelay $0x1  }
0x3ce: {  	v5 =	vadd.f32 v7, v5;
	_ =	sdelay $0x1  }
0x3cf: {  	[tilespmem:v4+s25+$0x0] =	vst.idx.msk $0xffff, v5  }
0x3d0: {  	v5 =	vld.idx.msk [tilespmem:v11+s25+$0x0], $0xffff  }
0x3d1: {  	v7 =	vld.idx.msk [tilespmem:v6+s25+$0x0], $0xffff;
	_ =	sdelay $0x2  }
0x3d2: {  	v11 =	vor.u32 v8, v0;
	_ =	sdelay $0x1  }
0x3d3: {  	v5 =	vadd.f32 v7, v5;
	_ =	sdelay $0x1  }
0x3d4: {  	[tilespmem:v6+s25+$0x0] =	vst.idx.msk $0xffff, v5  }
0x3d5: {  	v5 =	vld.idx.msk [tilespmem:v11+s25+$0x0], $0xffff  }
0x3d6: {  	v7 =	vld.idx.msk [tilespmem:v8+s25+$0x0], $0xffff;
	_ =	sdelay $0x2  }
0x3d7: {  	v11 =	vor.u32 v1, v0;
	_ =	sdelay $0x1  }
0x3d8: {  	v5 =	vadd.f32 v7, v5;
	_ =	sdelay $0x1  }
0x3d9: {  	[tilespmem:v8+s25+$0x0] =	vst.idx.msk $0xffff, v5  }
0x3da: {  	v5 =	vld.idx.msk [tilespmem:v11+s25+$0x0], $0xffff  }
0x3db: {  	v7 =	vld.idx.msk [tilespmem:v1+s25+$0x0], $0xffff;
	_ =	sdelay $0x2  }
0x3dc: {  	v0 =	vor.u32 v27, v0  }
0x3dd: {  	v55 =	vmovc v2;
	v2 =	vmov v60;
	v60 =	vmov v61;
	v61 =	vmov v13  }
0x3de: {  	v13 =	vmovc v15;
	v15 =	vmovc v59;
	v59 =	vmov v43;
	v43 =	vmov v3;
	v3 =	vld [tilespmem:$0x1FBE0];
	v5 =	vadd.f32 v7, v5  }
0x3df: {  	v7 =	vld [tilespmem:$0x1FBF0]  }
0x3e0: {  	[tilespmem:v1+s25+$0x0] =	vst.idx.msk $0xffff, v5  }
0x3e1: {  	v0 =	vld.idx.msk [tilespmem:v0+s25+$0x0], $0xffff  }
0x3e2: {  	v5 =	vld.idx.msk [tilespmem:v27+s25+$0x0], $0xffff;
	_ =	sdelay $0x1  }
0x3e3: {  	v7 =	vor.u32 v7, v3  }
0x3e4: {  	v11 =	vor.u32 v28, v7;
	_ =	sdelay $0x1  }
0x3e5: {  	v0 =	vadd.f32 v5, v0;
	_ =	sdelay $0x1  }
0x3e6: {  	[tilespmem:v27+s25+$0x0] =	vst.idx.msk $0xffff, v0  }
0x3e7: {  	v0 =	vld.idx.msk [tilespmem:v11+s25+$0x0], $0xffff  }
0x3e8: {  	v5 =	vld.idx.msk [tilespmem:v28+s25+$0x0], $0xffff;
	_ =	sdelay $0x2  }
0x3e9: {  	v11 =	vor.u32 v29, v7;
	_ =	sdelay $0x1  }
0x3ea: {  	v0 =	vadd.f32 v5, v0;
	_ =	sdelay $0x1  }
0x3eb: {  	[tilespmem:v28+s25+$0x0] =	vst.idx.msk $0xffff, v0  }
0x3ec: {  	v0 =	vld.idx.msk [tilespmem:v11+s25+$0x0], $0xffff  }
0x3ed: {  	v5 =	vld.idx.msk [tilespmem:v29+s25+$0x0], $0xffff;
	_ =	sdelay $0x2  }
0x3ee: {  	v11 =	vor.u32 v30, v7;
	_ =	sdelay $0x1  }
0x3ef: {  	v0 =	vadd.f32 v5, v0;
	_ =	sdelay $0x1  }
0x3f0: {  	[tilespmem:v29+s25+$0x0] =	vst.idx.msk $0xffff, v0  }
0x3f1: {  	v0 =	vld.idx.msk [tilespmem:v11+s25+$0x0], $0xffff  }
0x3f2: {  	v5 =	vld.idx.msk [tilespmem:v30+s25+$0x0], $0xffff;
	_ =	sdelay $0x2  }
0x3f3: {  	v11 =	vor.u32 v25, v7;
	_ =	sdelay $0x1  }
0x3f4: {  	v0 =	vadd.f32 v5, v0;
	_ =	sdelay $0x1  }
0x3f5: {  	[tilespmem:v30+s25+$0x0] =	vst.idx.msk $0xffff, v0  }
0x3f6: {  	v0 =	vld.idx.msk [tilespmem:v11+s25+$0x0], $0xffff  }
0x3f7: {  	v5 =	vld.idx.msk [tilespmem:v25+s25+$0x0], $0xffff;
	_ =	sdelay $0x2  }
0x3f8: {  	v11 =	vor.u32 v33, v7;
	_ =	sdelay $0x1  }
0x3f9: {  	v0 =	vadd.f32 v5, v0;
	_ =	sdelay $0x1  }
0x3fa: {  	[tilespmem:v25+s25+$0x0] =	vst.idx.msk $0xffff, v0  }
0x3fb: {  	v0 =	vld.idx.msk [tilespmem:v11+s25+$0x0], $0xffff  }
0x3fc: {  	v5 =	vld.idx.msk [tilespmem:v33+s25+$0x0], $0xffff;
	_ =	sdelay $0x2  }
0x3fd: {  	v11 =	vor.u32 v31, v7;
	_ =	sdelay $0x1  }
0x3fe: {  	v0 =	vadd.f32 v5, v0;
	_ =	sdelay $0x1  }
0x3ff: {  	[tilespmem:v33+s25+$0x0] =	vst.idx.msk $0xffff, v0  }
0x400: {  	v0 =	vld.idx.msk [tilespmem:v11+s25+$0x0], $0xffff  }
0x401: {  	v5 =	vld.idx.msk [tilespmem:v31+s25+$0x0], $0xffff;
	_ =	sdelay $0x2  }
0x402: {  	v7 =	vor.u32 v32, v7;
	_ =	sdelay $0x1  }
0x403: {  	v0 =	vadd.f32 v5, v0;
	_ =	sdelay $0x1  }
0x404: {  	[tilespmem:v31+s25+$0x0] =	vst.idx.msk $0xffff, v0  }
0x405: {  	v0 =	vld.idx.msk [tilespmem:v7+s25+$0x0], $0xffff  }
0x406: {  	v63 =	vmovc v14;
	v14 =	vmov v17;
	v17 =	vmov v19;
	v19 =	vmov v47;
	v5 =	vld.idx.msk [tilespmem:v32+s25+$0x0], $0xffff  }
0x407: {  	v47 =	vmovc v46;
	v46 =	vmovc v37;
	v37 =	vmov v36;
	v36 =	vmov v35;
	v35 =	vmov v20  }
0x408: {  	p2 =	sne.s32 s0, $0xF  }
.Ltmp8:
0x409: {  	_ = 	snop;
	(pc) =	sbr.rel @p2 .LBB2_16-.Ltmp8, $4  }
0x40a: {  	v20 =	vmov v35;
	v35 =	vmov v36;
	v36 =	vmov v37  }
0x40b: {  	v37 =	vmovc v46;
	v46 =	vmovc v47;
	v47 =	vmov v19;
	v19 =	vmov v17;
	v0 =	vadd.f32 v5, v0  }
0x40c: {  	v17 =	vmovc v14;
	v14 =	vmovc v63;
	v63 =	vlaneseq.u32;
	v56 =	vmov v4;
	v57 =	vmov v58  }
0x40d: {  	s0 =	sadd.s32 $0x1, s0;
	v58 =	vmovc v62;
	v62 =	vmovc v9;
	v4 =	vmov v6;
	v6 =	vmov v8;
	v8 =	vmov v33;
	[tilespmem:v32+s25+$0x0] =	vst.idx.msk $0xffff, v0  }
0x40e: {  	[hbm4b:s19+s4] =	stream.linear.scatter [tilespmem:s25], [sflag:$0x3], $0x80, $0x38;
	[tilespmem:$0x1F980] =	vst v63  }
0x40f: {  	s0 =	sadd.s32 $0x80, s19;
	s1 =	simm.s32 $0x1BD80  }
0x410: {  	[hbm4b:s0+s4] =	stream.linear.scatter [tilespmem:s1], [sflag:$0x3], $0x80, $0x38;
	[tilespmem:$0x1F980] =	vst v63  }
0x411: {  	s3 =	sadd.s32 $0x100, s19;
	s5 =	simm.s32 $0x1C180  }
0x412: {  	[hbm4b:s3+s4] =	stream.linear.scatter [tilespmem:s5], [sflag:$0x3], $0x80, $0x38;
	[tilespmem:$0x1F980] =	vst v63  }
0x413: {  	s8 =	sadd.s32 $0x180, s19;
	s15 =	simm.s32 $0x1C580  }
0x414: {  	[hbm4b:s8+s4] =	stream.linear.scatter [tilespmem:s15], [sflag:$0x3], $0x80, $0x38;
	[tilespmem:$0x1F980] =	vst v63  }
0x415: {  	s17 =	sadd.s32 $0x200, s19;
	s18 =	simm.s32 $0x1C980  }
0x416: {  	[hbm4b:s17+s4] =	stream.linear.scatter [tilespmem:s18], [sflag:$0x3], $0x80, $0x38;
	[tilespmem:$0x1F980] =	vst v63  }
0x417: {  	s3 =	sadd.s32 $0x280, s19;
	s5 =	simm.s32 $0x1CD80  }
0x418: {  	[hbm4b:s3+s4] =	stream.linear.scatter [tilespmem:s5], [sflag:$0x3], $0x80, $0x38;
	[tilespmem:$0x1F980] =	vst v63  }
0x419: {  	s30 =	sadd.s32 $0x1, s30;
	s8 =	sadd.s32 $0x300, s19;
	s15 =	simm.s32 $0x1D180  }
0x41a: {  	[hbm4b:s8+s4] =	stream.linear.scatter [tilespmem:s15], [sflag:$0x3], $0x80, $0x38;
	[tilespmem:$0x1F980] =	vst v63  }
0x41b: {  	p2 =	sne.s32 s30, s20;
	s17 =	sadd.s32 $0x380, s19;
	s18 =	simm.s32 $0x1D580  }
0x41c: {  	[hbm4b:s17+s4] =	stream.linear.scatter [tilespmem:s18], [sflag:$0x3], $0x80, $0x38;
	[tilespmem:$0x1F980] =	vst v63  }
.Ltmp9:
0x41d: {  	_ =	swait.ge [sflag:s21], $0x400;
	(pc) =	sbr.rel @p2 .LBB2_1-.Ltmp9, $4  }
0x41e: {  	v11 =	vld [tilespmem:$0x1FE30]  }
0x41f: {  	v9 =	vmov v41;
	v41 =	vld [tilespmem:$0x1FF60]  }
0x420: {  	v27 =	vmovc v42;
	v25 =	vmovc v40;
	v42 =	vmov v49;
	v31 =	vmov v50;
	v29 =	vmov v51;
	[sflag:s21] =	ssyncset.done $0x0;
	v49 =	vld [tilespmem:$0x1FE00]  }
0x421: {  	v56 =	vmovc v52;
	v32 =	vmovc v53;
	v30 =	vmov v16;
	v50 =	vmov v54;
	v40 =	vmov v38;
	v16 =	vld [tilespmem:$0x1FE80];
	[sflag:s21] =	ssyncadd.s32 $0xFFFFFC00  }
0x422: {  	_ =	sfence.sel $0x180000  }
0x423: {  	[bflag:$0x0] =	sbarrier.arrive $0xFFFF  }
0x424: {  	_ =	strace $0x90000047  }
0x425: {  	s0 =	stileid.u32;
	[bflag:$0x2] =	sbarrier.arrive $0xFFFF  }
0x426: {  	p0 =	sne.s32 s0, $0x0;
	s0 =	rddreg [dreg:$0x3]  }
0x427: {  	s0 =	sadd.s32 @!p0 $0x100000, s0  }
0x428: {  	[sflag:s0] =	ssyncadd.tile.s32 @!p0 $0x1;
	_ =	shalt  }
.Lfunc_end2:
_tile_overlayer_lowered:
.L_overlay_start_2:
0x429: {  	(tag) =	ssettag $0x2  }
0x42a: {  	s0 =	rddreg [dreg:$0x0];
	s2 =	stileid.u32  }
0x42b: {  	s1 =	rddreg [dreg:$0x1];
	p0 =	sne.s32 s2, $0x0  }
0x42c: {  	s3 =	rddreg [dreg:$0x2];
	[bflag:$0x3] =	sbarrier.arrive $0xFFFF;
	s2 =	simm.s32 @!p0 $0x1C03  }
0x42d: {  	[timem:s3], [sflag:s2] =	dma.local @!p0 [hbm:s0], s1  }
0x42e: {  	s0 =	simm.s32 @!p0 $0x3  }
0x42f: {  	_ =	swait.ge @!p0 [sflag:s0], s1  }
0x430: {  	s1 =	ssub.s32 @!p0 $0x0, s1;
	[sflag:s0] =	ssyncset.done @!p0 $0x0  }
0x431: {  	[sflag:s0] =	ssyncadd.s32 @!p0 s1  }
0x432: {  	[bflag:$0x3] =	sbarrier.arrive $0xFFFF  }
0x433: {  	_ =	shalt  }

</sc_bundles>
